<compile_context>
chip_gen: v7x
topology: tpu7x:2x2x1
jax: 0.10.2.dev20260603
libtpu: 0.0.44.dev20260713+nightly
codegen_flags: <defaults>
</compile_context>

<pallas_src>
import functools

import jax
import jax.numpy as jnp
from jax import lax
from jax.experimental import pallas as pl
from jax.experimental.pallas import tpu as pltpu
from jax.experimental.pallas import tpu_sc as plsc

N = 10000
E = 320000
D = 128
H = 8
DH = 16

NC = 2
NS = 16
NW = NC * NS
EPW = E // NW
EB = 48
NB = -(-EPW // EB)
LPW = NB * EB
GPB = EB // 16
ACCW = 144
N2 = N + 8
CH = 24
NCHK = N2 // CH



def _s1_body(h_ref, c_ref, wp1_ref, bp1_ref, wsrc_ref, wp2_ref, bsrc_ref,
             wqq_ref, bqw_ref, oaw_ref, ovp_ref, oqw_ref):
    hb = h_ref[...]
    p2 = jnp.maximum(c_ref[...] @ wp1_ref[...] + bp1_ref[...], 0.0)
    big = hb @ wsrc_ref[...] + p2 @ wp2_ref[...] + bsrc_ref[...]
    oaw_ref[...] = big[:, :D]
    ovp_ref[...] = jnp.concatenate(
        [big[:, D:], jnp.zeros((big.shape[0], ACCW - D), jnp.float32)],
        axis=1)
    oqw_ref[...] = hb @ wqq_ref[...] + bqw_ref[...]


_R1 = 1000
_s1_call = pl.pallas_call(
    _s1_body,
    grid=(N // _R1,),
    in_specs=[
        pl.BlockSpec((_R1, D), lambda i: (i, 0)),
        pl.BlockSpec((_R1, 8), lambda i: (i, 0)),
        pl.BlockSpec((8, 8), lambda i: (0, 0)),
        pl.BlockSpec((1, 8), lambda i: (0, 0)),
        pl.BlockSpec((D, 2 * D), lambda i: (0, 0)),
        pl.BlockSpec((8, 2 * D), lambda i: (0, 0)),
        pl.BlockSpec((1, 2 * D), lambda i: (0, 0)),
        pl.BlockSpec((D, D), lambda i: (0, 0)),
        pl.BlockSpec((1, D), lambda i: (0, 0)),
    ],
    out_specs=[
        pl.BlockSpec((_R1, D), lambda i: (i, 0)),
        pl.BlockSpec((_R1, ACCW), lambda i: (i, 0)),
        pl.BlockSpec((_R1, D), lambda i: (i, 0)),
    ],
    out_shape=[
        jax.ShapeDtypeStruct((N, D), jnp.float32),
        jax.ShapeDtypeStruct((N, ACCW), jnp.float32),
        jax.ShapeDtypeStruct((N, D), jnp.float32),
    ],
)



def _edge_body(src_hbm, dst_hbm, aw_hbm, vp_hbm, qw_hbm, cons_hbm, out0, out1,
               idxb, rb0, rb1, qw0, qw1, msg0, msg1, cons, acc,
               semi, semg0, semg1, sems0, sems1):
    cid = lax.axis_index("c")
    sid = lax.axis_index("s")
    wid = cid * NS + sid
    rbs, qws, msgs = (rb0, rb1), (qw0, qw1), (msg0, msg1)
    semg, sems = (semg0, semg1), (sems0, sems1)

    pltpu.sync_copy(cons_hbm, cons)

    zv = jnp.zeros((16,), jnp.float32)

    def mrow(r, _):
        for c9 in range(ACCW // 16):
            msg0[r, pl.ds(c9 * 16, 16)] = zv
        return 0

    lax.fori_loop(0, CH, mrow, 0)

    base_chunks = NCHK // NS
    nchk_t = base_chunks + jnp.int32(sid < NCHK - base_chunks * NS)

    def zchunk(i, _):
        pltpu.sync_copy(msg0.at[pl.ds(0, CH)],
                        acc.at[pl.ds((sid + i * NS) * CH, CH)])
        return 0

    lax.fori_loop(0, nchk_t, zchunk, 0)
    plsc.subcore_barrier()

    iota16 = lax.broadcasted_iota(jnp.int32, (16,), 0)

    w2v = cons[pl.ds(0, 16)]
    b2v = cons[pl.ds(16, 16)]

    def issue_idx(b):
        r = b % 4
        pltpu.async_copy(src_hbm.at[wid, pl.ds(b * EB, EB)],
                         idxb.at[r], semi)
        pltpu.async_copy(dst_hbm.at[wid, pl.ds(b * EB, EB)],
                         idxb.at[4 + r], semi)

    def drain_idx(b):
        r = b % 4
        pltpu.make_async_copy(
            src_hbm.at[0, pl.ds(0, EB)], idxb.at[r], semi).wait()
        pltpu.make_async_copy(
            src_hbm.at[0, pl.ds(0, EB)], idxb.at[4 + r], semi).wait()

    def issue_gathers(b, k):
        r = b % 4
        pltpu.async_copy(aw_hbm.at[idxb.at[r]], rbs[k], semg[k])
        pltpu.async_copy(qw_hbm.at[idxb.at[4 + r]], qws[k], semg[k])
        pltpu.async_copy(vp_hbm.at[idxb.at[r]], msgs[k], semg[k])

    def drain_gathers(k):
        pltpu.make_async_copy(aw_hbm.at[idxb.at[0]], rbs[k],
                              semg[k]).wait()
        pltpu.make_async_copy(qw_hbm.at[idxb.at[4]], qws[k],
                              semg[k]).wait()
        pltpu.make_async_copy(vp_hbm.at[idxb.at[0]], msgs[k],
                              semg[k]).wait()

    def wait_scatter(k):
        pltpu.make_async_copy(msgs[k], acc.at[idxb.at[4]],
                              sems[k]).wait()

    def compute_batch(b, k):
        r = b % 4
        rb, qwr, msg = rbs[k], qws[k], msgs[k]

        def edge(e2, _):
            for j in range(2):
                e = e2 * 2 + j
                ps = []
                for h in range(H):
                    aw = rb[e, pl.ds(h * DH, DH)]
                    qv = qwr[e, pl.ds(h * DH, DH)]
                    ps.append(jnp.maximum(aw - qv, 0.0) * w2v)
                ss = [jnp.sum(p) for p in ps]
                svec = jnp.zeros((16,), jnp.float32)
                for h in range(H):
                    svec = jnp.where(iota16 == h, ss[h], svec)
                svec = jnp.exp(
                    jnp.minimum(jnp.maximum(svec + b2v, -5.0), 5.0))
                svec = jnp.where(iota16 < H, svec, 0.0)
                msg[e, pl.ds(D, 16)] = svec
                for h in range(H):
                    sc = svec[h]
                    vp = msg[e, pl.ds(h * DH, DH)]
                    msg[e, pl.ds(h * DH, DH)] = vp * sc
            return 0

        lax.fori_loop(0, EB // 2, edge, 0)
        pltpu.async_copy(msg, acc.at[idxb.at[4 + r]], sems[k], add=True)

    issue_idx(0)
    issue_idx(1)
    drain_idx(0)
    issue_gathers(0, 0)
    issue_idx(2)

    def run_batch(b, k):
        drain_gathers(k)
        drain_idx(b + 1)

        @pl.when(b >= 1)
        def _():
            wait_scatter(1 - k)

        issue_gathers(b + 1, 1 - k)

        @pl.when(b + 3 < NB)
        def _():
            issue_idx(b + 3)

        compute_batch(b, k)

    def pair(bp, _):
        b0 = bp * 2
        run_batch(b0, 0)
        run_batch(b0 + 1, 1)
        return 0

    lax.fori_loop(0, (NB - 1) // 2, pair, 0)
    for b in range((NB - 1) // 2 * 2, NB - 1):
        run_batch(b, b % 2)
    drain_gathers((NB - 1) % 2)
    wait_scatter(NB % 2)
    compute_batch(NB - 1, (NB - 1) % 2)
    wait_scatter((NB - 1) % 2)
    plsc.subcore_barrier()

    def dchunk(i, _):
        r0 = (sid + i * NS) * CH

        @pl.when(cid == 0)
        def _():
            pltpu.sync_copy(acc.at[pl.ds(r0, CH)], out0.at[pl.ds(r0, CH)])

        @pl.when(cid == 1)
        def _():
            pltpu.sync_copy(acc.at[pl.ds(r0, CH)], out1.at[pl.ds(r0, CH)])

        return 0

    lax.fori_loop(0, nchk_t, dchunk, 0)


_edge_call = functools.partial(
    pl.kernel,
    out_type=(
        jax.ShapeDtypeStruct((N2, ACCW), jnp.float32),
        jax.ShapeDtypeStruct((N2, ACCW), jnp.float32),
    ),
    mesh=plsc.VectorSubcoreMesh(core_axis_name="c", subcore_axis_name="s"),
    compiler_params=pltpu.CompilerParams(
        use_tc_tiling_on_sc=False, needs_layout_passes=False),
    scratch_types=[
        pltpu.VMEM((8, EB), jnp.int32),
        pltpu.VMEM((EB, D), jnp.float32),
        pltpu.VMEM((EB, D), jnp.float32),
        pltpu.VMEM((EB, D), jnp.float32),
        pltpu.VMEM((EB, D), jnp.float32),
        pltpu.VMEM((EB, ACCW), jnp.float32),
        pltpu.VMEM((EB, ACCW), jnp.float32),
        pltpu.VMEM((32,), jnp.float32),
        pltpu.VMEM_SHARED((N2, ACCW), jnp.float32),
        pltpu.SemaphoreType.DMA,
        pltpu.SemaphoreType.DMA,
        pltpu.SemaphoreType.DMA,
        pltpu.SemaphoreType.DMA,
        pltpu.SemaphoreType.DMA,
    ],
)(_edge_body)



def _s3_body(a0_ref, a1_ref, r8_ref, wo_ref, bo_ref, o_ref):
    wv = a0_ref[:, :D] + a1_ref[:, :D]
    z = a0_ref[:, D:D + H] + a1_ref[:, D:D + H]
    zr = (1.0 / z) @ r8_ref[...]
    o_ref[...] = (wv * zr) @ wo_ref[...] + bo_ref[...]


_s3_call = pl.pallas_call(
    _s3_body,
    grid=(N // _R1,),
    in_specs=[
        pl.BlockSpec((_R1, ACCW), lambda i: (i, 0)),
        pl.BlockSpec((_R1, ACCW), lambda i: (i, 0)),
        pl.BlockSpec((H, D), lambda i: (0, 0)),
        pl.BlockSpec((D, D), lambda i: (0, 0)),
        pl.BlockSpec((1, D), lambda i: (0, 0)),
    ],
    out_specs=pl.BlockSpec((_R1, D), lambda i: (i, 0)),
    out_shape=jax.ShapeDtypeStruct((N, D), jnp.float32),
)



def kernel(h, c, edge_index, Wq, Wk, Wv, Wp1, bp1, Wp2, bp2,
           We1, be1, We2, be2, Wo, bo):
    f32 = jnp.float32
    bd = jnp.kron(jnp.eye(H, dtype=f32), We1)
    wsrc = jnp.concatenate([Wk @ bd, Wv], axis=1)
    wp2src = jnp.concatenate([Wp2 @ bd, Wp2], axis=1)
    wp2src = jnp.pad(wp2src, ((0, 5), (0, 0)))
    bsrc = jnp.concatenate([bp2 @ bd, bp2]).reshape(1, 2 * D)
    wqq = Wq @ bd
    bqw = (-jnp.tile(be1, H)).reshape(1, D)
    wp1p = jnp.pad(Wp1, ((0, 5), (0, 5)))
    bp1p = jnp.pad(bp1, (0, 5)).reshape(1, 8)
    cpad = jnp.pad(c, ((0, 0), (0, 5)))

    awn, vpn, qwn = _s1_call(h, cpad, wp1p, bp1p, wsrc, wp2src, bsrc,
                             wqq, bqw)

    cons = jnp.concatenate([We2[:, 0] * 0.25,
                            jnp.full((16,), be2[0] * 0.25, f32)])
    srcp = jnp.pad(edge_index[0].reshape(NW, EPW),
                   ((0, 0), (0, LPW - EPW)))
    dstp = jnp.pad(edge_index[1].reshape(NW, EPW),
                   ((0, 0), (0, LPW - EPW)), constant_values=N)
    a0, a1 = _edge_call(srcp, dstp, awn, vpn, qwn, cons)

    r8 = jnp.kron(jnp.eye(H, dtype=f32), jnp.ones((1, DH), f32))
    return _s3_call(a0[:N], a1[:N], r8, Wo, bo.reshape(1, D))

# --- scband reference (transcript-rebuilt; emitter-appended) ---
"""Pipeline reference for scband-graph-transformer-layer-34514357191069 (READ-ONLY COPY).

The authoritative reference and input builder live on the scoring server;
editing this copy changes nothing except your own understanding.
"""

import jax, jax.numpy as jnp
import numpy as np

N = 10000
E = 320000
D = 128
H = 8
DH = D // H  # 16 per-head dim


def setup_inputs(seed: int = 0) -> dict:
    key = jax.random.key(seed)
    ks = jax.random.split(key, 20)
    h = jax.random.normal(ks[0], (N, D), dtype=jnp.float32)
    c = jax.random.normal(ks[1], (N, 3), dtype=jnp.float32)
    edge_index = jax.random.randint(ks[2], (2, E), 0, N)

    def lin(k, fan_in, fan_out):
        bound = 1.0 / np.sqrt(fan_in)
        return jax.random.uniform(k, (fan_in, fan_out), jnp.float32, -bound, bound)

    def bias(k, fan_in, fan_out):
        bound = 1.0 / np.sqrt(fan_in)
        return jax.random.uniform(k, (fan_out,), jnp.float32, -bound, bound)

    return {
        "h": h,
        "c": c,
        "edge_index": edge_index,
        "Wq": lin(ks[3], D, D),   # use_bias=False for Q/K/V
        "Wk": lin(ks[4], D, D),
        "Wv": lin(ks[5], D, D),
        "Wp1": lin(ks[6], 3, 3), "bp1": bias(ks[7], 3, 3),
        "Wp2": lin(ks[8], 3, D), "bp2": bias(ks[9], 3, D),
        "We1": lin(ks[10], DH, DH), "be1": bias(ks[11], DH, DH),
        "We2": lin(ks[12], DH, 1), "be2": bias(ks[13], DH, 1),
        "Wo": lin(ks[14], D, D), "bo": bias(ks[15], D, D),
    }


def reference(h, c, edge_index, Wq, Wk, Wv, Wp1, bp1, Wp2, bp2, We1, be1, We2, be2, Wo, bo):
    n = h.shape[0]
    Q = (h @ Wq).reshape(n, H, DH)
    K = (h @ Wk).reshape(n, H, DH)
    V = (h @ Wv).reshape(n, H, DH)
    # linear_p: Linear(3,3) -> ReLU -> Linear(3, out_dim)
    P = (jax.nn.relu(c @ Wp1 + bp1) @ Wp2 + bp2).reshape(n, H, DH)

    src = edge_index[0]
    dst = edge_index[1]

    # MLP_edge: dif = K_h[src] - Q_h[dst] + P_e[src]; score = MLP(dif)
    dif = K[src] - Q[dst] + P[src]                       # [E, H, DH]
    s = jax.nn.relu(dif @ We1 + be1) @ We2 + be2         # [E, H, 1]
    # scaled_exp with scale sqrt(out_dim) where out_dim is per-head dim
    score = jnp.exp(jnp.clip(s / jnp.sqrt(float(DH)), -5.0, 5.0))  # [E, H, 1]

    VP = V + P                                           # V_h + P_e, node data
    msg = VP[src] * score                                # u_mul_e broadcast [E,H,DH]
    wV = jax.ops.segment_sum(msg, dst, num_segments=n)   # [N, H, DH]
    z = jax.ops.segment_sum(score, dst, num_segments=n)  # [N, H, 1]

    head_out = wV / z                                    # possible_empty=False
    out = head_out.reshape(n, D) @ Wo + bo               # O projection
    return out

if __name__ == "__main__":
    import jax
    _d = setup_inputs()
    print(jax.jit(kernel)(*tuple(_d.values())))

</pallas_src>

<mosaic_0001>
#map = affine_map<(d0, d1) -> (0, 0)>
#map1 = affine_map<(d0, d1) -> (0)>
module attributes {stable_mosaic.version = 14 : i64} {
  func.func @_edge_body(%arg0: i32, %arg1: i32, %arg2: memref<32x10032xi32, #tpu.memory_space<hbm>>, %arg3: memref<32x10032xi32, #tpu.memory_space<hbm>>, %arg4: memref<10000x128xf32, #tpu.memory_space<hbm>>, %arg5: memref<10000x144xf32, #tpu.memory_space<hbm>>, %arg6: memref<10000x128xf32, #tpu.memory_space<hbm>>, %arg7: memref<32xf32, #tpu.memory_space<hbm>>, %arg8: memref<10008x144xf32, #tpu.memory_space<hbm>>, %arg9: memref<10008x144xf32, #tpu.memory_space<hbm>>, %arg10: memref<8x48xi32, #tpu.memory_space<vmem>>, %arg11: memref<48x128xf32, #tpu.memory_space<vmem>>, %arg12: memref<48x128xf32, #tpu.memory_space<vmem>>, %arg13: memref<48x128xf32, #tpu.memory_space<vmem>>, %arg14: memref<48x128xf32, #tpu.memory_space<vmem>>, %arg15: memref<48x144xf32, #tpu.memory_space<vmem>>, %arg16: memref<48x144xf32, #tpu.memory_space<vmem>>, %arg17: memref<32xf32, #tpu.memory_space<vmem>>, %arg18: memref<10008x144xf32, #tpu.memory_space<vmem_shared>>, %arg19: memref<!tpu.dma_semaphore, #tpu.memory_space<semaphore_mem>>, %arg20: memref<!tpu.dma_semaphore, #tpu.memory_space<semaphore_mem>>, %arg21: memref<!tpu.dma_semaphore, #tpu.memory_space<semaphore_mem>>, %arg22: memref<!tpu.dma_semaphore, #tpu.memory_space<semaphore_mem>>, %arg23: memref<!tpu.dma_semaphore, #tpu.memory_space<semaphore_mem>>) attributes {dimension_semantics = [#tpu.dimension_semantics<core_parallel>, #tpu.dimension_semantics<subcore_parallel>], iteration_bounds = array<i64: 2, 16>, scalar_prefetch = 0 : i64, scratch_operands = 14 : i64, tpu.core_type = #tpu.core_type<sc_vector_subcore>, window_params = [{transform_indices = #map}, {transform_indices = #map}, {transform_indices = #map}, {transform_indices = #map}, {transform_indices = #map}, {transform_indices = #map1}, {transform_indices = #map}, {transform_indices = #map}]} {
    %mul3A = arith.constant 16 : i32
    %mul3A_0 = arith.muli %arg0, %mul3A : i32
    %add3A = arith.addi %mul3A_0, %arg1 : i32
    "tpu.region"() ({
      %run_scoped3A = tpu.sem_alloc : memref<!tpu.dma_semaphore, #tpu.memory_space<semaphore_mem>>
      tpu.enqueue_dma source(%arg7 : memref<32xf32, #tpu.memory_space<hbm>>) target(%arg17 : memref<32xf32, #tpu.memory_space<vmem>>) target_semaphore(%run_scoped3A : memref<!tpu.dma_semaphore, #tpu.memory_space<semaphore_mem>>)
      tpu.wait_dma2 semaphore(%run_scoped3A : memref<!tpu.dma_semaphore, #tpu.memory_space<semaphore_mem>>) src(%arg7 : memref<32xf32, #tpu.memory_space<hbm>>) dst(%arg17 : memref<32xf32, #tpu.memory_space<vmem>>)
      tpu.yield
    }) : () -> ()
    %broadcast_in_dim3A = arith.constant 0.000000e+00 : f32
    %broadcast_in_dim3A_1 = vector.broadcast %broadcast_in_dim3A : f32 to vector<16xf32>
    %scan3A = arith.constant 0 : i32
    %scan3A_2 = arith.constant 0 : i32
    %scan3A_3 = arith.constant 24 : i32
    %scan3A_4 = arith.addi %scan3A_2, %scan3A_3 : i32
    %scan3A_5 = arith.constant 1 : i32
    %scan3A_6 = scf.for %scan3A_219 = %scan3A_2 to %scan3A_4 step %scan3A_5 iter_args(%scan3A_220 = %scan3A) -> (i32)  : i32 {
      %swap3A = arith.index_cast %scan3A_219 : i32 to index
      %swap3A_221 = arith.constant 0 : index
      %swap3A_222 = tpu.vector_load %arg15[%swap3A, %swap3A_221] {strides = array<i32>} : memref<48x144xf32, #tpu.memory_space<vmem>>, vector<16xf32>,
      tpu.vector_store %arg15[%swap3A, %swap3A_221], %broadcast_in_dim3A_1 {strides = array<i32>} : memref<48x144xf32, #tpu.memory_space<vmem>>, vector<16xf32>,
      %swap3A_223 = arith.index_cast %scan3A_219 : i32 to index
      %swap3A_224 = arith.constant 16 : index
      %swap3A_225 = tpu.vector_load %arg15[%swap3A_223, %swap3A_224] {strides = array<i32>} : memref<48x144xf32, #tpu.memory_space<vmem>>, vector<16xf32>,
      tpu.vector_store %arg15[%swap3A_223, %swap3A_224], %broadcast_in_dim3A_1 {strides = array<i32>} : memref<48x144xf32, #tpu.memory_space<vmem>>, vector<16xf32>,
      %swap3A_226 = arith.index_cast %scan3A_219 : i32 to index
      %swap3A_227 = arith.constant 32 : index
      %swap3A_228 = tpu.vector_load %arg15[%swap3A_226, %swap3A_227] {strides = array<i32>} : memref<48x144xf32, #tpu.memory_space<vmem>>, vector<16xf32>,
      tpu.vector_store %arg15[%swap3A_226, %swap3A_227], %broadcast_in_dim3A_1 {strides = array<i32>} : memref<48x144xf32, #tpu.memory_space<vmem>>, vector<16xf32>,
      %swap3A_229 = arith.index_cast %scan3A_219 : i32 to index
      %swap3A_230 = arith.constant 48 : index
      %swap3A_231 = tpu.vector_load %arg15[%swap3A_229, %swap3A_230] {strides = array<i32>} : memref<48x144xf32, #tpu.memory_space<vmem>>, vector<16xf32>,
      tpu.vector_store %arg15[%swap3A_229, %swap3A_230], %broadcast_in_dim3A_1 {strides = array<i32>} : memref<48x144xf32, #tpu.memory_space<vmem>>, vector<16xf32>,
      %swap3A_232 = arith.index_cast %scan3A_219 : i32 to index
      %swap3A_233 = arith.constant 64 : index
      %swap3A_234 = tpu.vector_load %arg15[%swap3A_232, %swap3A_233] {strides = array<i32>} : memref<48x144xf32, #tpu.memory_space<vmem>>, vector<16xf32>,
      tpu.vector_store %arg15[%swap3A_232, %swap3A_233], %broadcast_in_dim3A_1 {strides = array<i32>} : memref<48x144xf32, #tpu.memory_space<vmem>>, vector<16xf32>,
      %swap3A_235 = arith.index_cast %scan3A_219 : i32 to index
      %swap3A_236 = arith.constant 80 : index
      %swap3A_237 = tpu.vector_load %arg15[%swap3A_235, %swap3A_236] {strides = array<i32>} : memref<48x144xf32, #tpu.memory_space<vmem>>, vector<16xf32>,
      tpu.vector_store %arg15[%swap3A_235, %swap3A_236], %broadcast_in_dim3A_1 {strides = array<i32>} : memref<48x144xf32, #tpu.memory_space<vmem>>, vector<16xf32>,
      %swap3A_238 = arith.index_cast %scan3A_219 : i32 to index
      %swap3A_239 = arith.constant 96 : index
      %swap3A_240 = tpu.vector_load %arg15[%swap3A_238, %swap3A_239] {strides = array<i32>} : memref<48x144xf32, #tpu.memory_space<vmem>>, vector<16xf32>,
      tpu.vector_store %arg15[%swap3A_238, %swap3A_239], %broadcast_in_dim3A_1 {strides = array<i32>} : memref<48x144xf32, #tpu.memory_space<vmem>>, vector<16xf32>,
      %swap3A_241 = arith.index_cast %scan3A_219 : i32 to index
      %swap3A_242 = arith.constant 112 : index
      %swap3A_243 = tpu.vector_load %arg15[%swap3A_241, %swap3A_242] {strides = array<i32>} : memref<48x144xf32, #tpu.memory_space<vmem>>, vector<16xf32>,
      tpu.vector_store %arg15[%swap3A_241, %swap3A_242], %broadcast_in_dim3A_1 {strides = array<i32>} : memref<48x144xf32, #tpu.memory_space<vmem>>, vector<16xf32>,
      %swap3A_244 = arith.index_cast %scan3A_219 : i32 to index
      %swap3A_245 = arith.constant 128 : index
      %swap3A_246 = tpu.vector_load %arg15[%swap3A_244, %swap3A_245] {strides = array<i32>} : memref<48x144xf32, #tpu.memory_space<vmem>>, vector<16xf32>,
      tpu.vector_store %arg15[%swap3A_244, %swap3A_245], %broadcast_in_dim3A_1 {strides = array<i32>} : memref<48x144xf32, #tpu.memory_space<vmem>>, vector<16xf32>,
      %scan3A_247 = arith.constant 0 : i32
      scf.yield %scan3A_247 : i32
    }
    %scan3A_7 = arith.constant 24 : i32
    %lt3A = arith.constant 1 : i32
    %lt3A_8 = arith.cmpi slt, %arg1, %lt3A : i32
    %convert_element_type3A = arith.extui %lt3A_8 : i1 to i32
    %add3A_9 = arith.constant 26 : i32
    %add3A_10 = arith.addi %add3A_9, %convert_element_type3A : i32
    %while3A = arith.constant 0 : i32
    %while3A_11 = arith.constant 0 : i32
    %while3A_12 = arith.subi %add3A_10, %while3A : i32
    %while3A_13 = arith.addi %while3A, %while3A_12 : i32
    %while3A_14 = arith.constant 1 : i32
    %while3A_15 = arith.divsi %while3A_12, %while3A_14 : i32
    %while3A_16 = arith.muli %while3A_15, %while3A_14 : i32
    %while3A_17 = arith.addi %while3A, %while3A_16 : i32
    %while3A_18 = arith.constant 1 : i32
    %while3A_19 = scf.for %while3A_219 = %while3A to %while3A_17 step %while3A_18 iter_args(%while3A_220 = %while3A_11) -> (i32)  : i32 {
      %mul3A_221 = arith.constant 16 : i32
      %mul3A_222 = arith.muli %while3A_219, %mul3A_221 : i32
      %add3A_223 = arith.addi %arg1, %mul3A_222 : i32
      %mul3A_224 = arith.constant 24 : i32
      %mul3A_225 = arith.muli %add3A_223, %mul3A_224 : i32
      "tpu.region"() ({
        %run_scoped3A = tpu.sem_alloc : memref<!tpu.dma_semaphore, #tpu.memory_space<semaphore_mem>>
        %dma_start3A_227 = arith.constant 0 : i32
        %dma_start3A_228 = arith.constant 0 : i32
        %dma_start3A_229 = tpu.memref_slice %arg15[%dma_start3A_227, %dma_start3A_228] : memref<48x144xf32, #tpu.memory_space<vmem>> -> memref<24x144xf32, #tpu.memory_space<vmem>>
        %dma_start3A_230 = arith.constant 0 : i32
        %dma_start3A_231 = tpu.memref_slice %arg18[%mul3A_225, %dma_start3A_230] : memref<10008x144xf32, #tpu.memory_space<vmem_shared>> -> memref<24x144xf32, #tpu.memory_space<vmem_shared>>
        %dma_start3A_232 = arith.constant 0 : i32
        %dma_start3A_233 = tpu.memref_slice %arg18[%mul3A_225, %dma_start3A_232] : memref<10008x144xf32, #tpu.memory_space<vmem_shared>> -> memref<24x144xf32, #tpu.memory_space<vmem_shared>>
        %dma_start3A_234 = arith.constant 0 : i32
        %dma_start3A_235 = arith.constant 0 : i32
        %dma_start3A_236 = tpu.memref_slice %arg15[%dma_start3A_234, %dma_start3A_235] : memref<48x144xf32, #tpu.memory_space<vmem>> -> memref<24x144xf32, #tpu.memory_space<vmem>>
        tpu.enqueue_dma source(%dma_start3A_236 : memref<24x144xf32, #tpu.memory_space<vmem>>) target(%dma_start3A_233 : memref<24x144xf32, #tpu.memory_space<vmem_shared>>) target_semaphore(%run_scoped3A : memref<!tpu.dma_semaphore, #tpu.memory_space<semaphore_mem>>)
        %dma_wait3A_237 = arith.constant 0 : i32
        %dma_wait3A_238 = arith.constant 0 : i32
        %dma_wait3A_239 = tpu.memref_slice %arg15[%dma_wait3A_237, %dma_wait3A_238] : memref<48x144xf32, #tpu.memory_space<vmem>> -> memref<24x144xf32, #tpu.memory_space<vmem>>
        %dma_wait3A_240 = arith.constant 0 : i32
        %dma_wait3A_241 = tpu.memref_slice %arg18[%mul3A_225, %dma_wait3A_240] : memref<10008x144xf32, #tpu.memory_space<vmem_shared>> -> memref<24x144xf32, #tpu.memory_space<vmem_shared>>
        %dma_wait3A_242 = arith.constant 0 : i32
        %dma_wait3A_243 = tpu.memref_slice %arg18[%mul3A_225, %dma_wait3A_242] : memref<10008x144xf32, #tpu.memory_space<vmem_shared>> -> memref<24x144xf32, #tpu.memory_space<vmem_shared>>
        %dma_wait3A_244 = arith.constant 0 : i32
        %dma_wait3A_245 = arith.constant 0 : i32
        %dma_wait3A_246 = tpu.memref_slice %arg15[%dma_wait3A_244, %dma_wait3A_245] : memref<48x144xf32, #tpu.memory_space<vmem>> -> memref<24x144xf32, #tpu.memory_space<vmem>>
        tpu.wait_dma2 semaphore(%run_scoped3A : memref<!tpu.dma_semaphore, #tpu.memory_space<semaphore_mem>>) src(%dma_wait3A_246 : memref<24x144xf32, #tpu.memory_space<vmem>>) dst(%dma_wait3A_243 : memref<24x144xf32, #tpu.memory_space<vmem_shared>>)
        tpu.yield
      }) : () -> ()
      %while3A_226 = arith.constant 0 : i32
      scf.yield %while3A_226 : i32
    }
    %while3A_20 = arith.constant 1 : i32
    %while3A_21 = scf.for %while3A_219 = %while3A_17 to %while3A_13 step %while3A_20 iter_args(%while3A_220 = %while3A_19) -> (i32)  : i32 {
      %mul3A_221 = arith.constant 16 : i32
      %mul3A_222 = arith.muli %while3A_219, %mul3A_221 : i32
      %add3A_223 = arith.addi %arg1, %mul3A_222 : i32
      %mul3A_224 = arith.constant 24 : i32
      %mul3A_225 = arith.muli %add3A_223, %mul3A_224 : i32
      "tpu.region"() ({
        %run_scoped3A = tpu.sem_alloc : memref<!tpu.dma_semaphore, #tpu.memory_space<semaphore_mem>>
        %dma_start3A_227 = arith.constant 0 : i32
        %dma_start3A_228 = arith.constant 0 : i32
        %dma_start3A_229 = tpu.memref_slice %arg15[%dma_start3A_227, %dma_start3A_228] : memref<48x144xf32, #tpu.memory_space<vmem>> -> memref<24x144xf32, #tpu.memory_space<vmem>>
        %dma_start3A_230 = arith.constant 0 : i32
        %dma_start3A_231 = tpu.memref_slice %arg18[%mul3A_225, %dma_start3A_230] : memref<10008x144xf32, #tpu.memory_space<vmem_shared>> -> memref<24x144xf32, #tpu.memory_space<vmem_shared>>
        %dma_start3A_232 = arith.constant 0 : i32
        %dma_start3A_233 = tpu.memref_slice %arg18[%mul3A_225, %dma_start3A_232] : memref<10008x144xf32, #tpu.memory_space<vmem_shared>> -> memref<24x144xf32, #tpu.memory_space<vmem_shared>>
        %dma_start3A_234 = arith.constant 0 : i32
        %dma_start3A_235 = arith.constant 0 : i32
        %dma_start3A_236 = tpu.memref_slice %arg15[%dma_start3A_234, %dma_start3A_235] : memref<48x144xf32, #tpu.memory_space<vmem>> -> memref<24x144xf32, #tpu.memory_space<vmem>>
        tpu.enqueue_dma source(%dma_start3A_236 : memref<24x144xf32, #tpu.memory_space<vmem>>) target(%dma_start3A_233 : memref<24x144xf32, #tpu.memory_space<vmem_shared>>) target_semaphore(%run_scoped3A : memref<!tpu.dma_semaphore, #tpu.memory_space<semaphore_mem>>)
        %dma_wait3A_237 = arith.constant 0 : i32
        %dma_wait3A_238 = arith.constant 0 : i32
        %dma_wait3A_239 = tpu.memref_slice %arg15[%dma_wait3A_237, %dma_wait3A_238] : memref<48x144xf32, #tpu.memory_space<vmem>> -> memref<24x144xf32, #tpu.memory_space<vmem>>
        %dma_wait3A_240 = arith.constant 0 : i32
        %dma_wait3A_241 = tpu.memref_slice %arg18[%mul3A_225, %dma_wait3A_240] : memref<10008x144xf32, #tpu.memory_space<vmem_shared>> -> memref<24x144xf32, #tpu.memory_space<vmem_shared>>
        %dma_wait3A_242 = arith.constant 0 : i32
        %dma_wait3A_243 = tpu.memref_slice %arg18[%mul3A_225, %dma_wait3A_242] : memref<10008x144xf32, #tpu.memory_space<vmem_shared>> -> memref<24x144xf32, #tpu.memory_space<vmem_shared>>
        %dma_wait3A_244 = arith.constant 0 : i32
        %dma_wait3A_245 = arith.constant 0 : i32
        %dma_wait3A_246 = tpu.memref_slice %arg15[%dma_wait3A_244, %dma_wait3A_245] : memref<48x144xf32, #tpu.memory_space<vmem>> -> memref<24x144xf32, #tpu.memory_space<vmem>>
        tpu.wait_dma2 semaphore(%run_scoped3A : memref<!tpu.dma_semaphore, #tpu.memory_space<semaphore_mem>>) src(%dma_wait3A_246 : memref<24x144xf32, #tpu.memory_space<vmem>>) dst(%dma_wait3A_243 : memref<24x144xf32, #tpu.memory_space<vmem_shared>>)
        tpu.yield
      }) : () -> ()
      %while3A_226 = arith.constant 0 : i32
      scf.yield %while3A_226 : i32
    }
    %barrier3A = arith.constant 0 : index
    tpu.barrier barrier_id(%barrier3A)
    %iota3A = tpu.iota {dimensions = array<i32: 0>} : vector<16xi32>
    %get3A = arith.constant 0 : index
    %get3A_22 = tpu.vector_load %arg17[%get3A] {strides = array<i32>} : memref<32xf32, #tpu.memory_space<vmem>>, vector<16xf32>,
    %get3A_23 = arith.constant 16 : index
    %get3A_24 = tpu.vector_load %arg17[%get3A_23] {strides = array<i32>} : memref<32xf32, #tpu.memory_space<vmem>>, vector<16xf32>,
    %dma_start3A = arith.constant 0 : i32
    %dma_start3A_25 = arith.constant 0 : i32
    %dma_start3A_26 = tpu.memref_slice %arg10[%dma_start3A, %dma_start3A_25] : memref<8x48xi32, #tpu.memory_space<vmem>> -> memref<1x48xi32, #tpu.memory_space<vmem>>
    %dma_start3A_27 = tpu.memref_squeeze %dma_start3A_26 : memref<1x48xi32, #tpu.memory_space<vmem>> -> memref<48xi32, #tpu.memory_space<vmem>>
    %dma_start3A_28 = arith.constant 0 : i32
    %dma_start3A_29 = tpu.memref_slice %arg2[%add3A, %dma_start3A_28] : memref<32x10032xi32, #tpu.memory_space<hbm>> -> memref<1x48xi32, #tpu.memory_space<hbm>>
    %dma_start3A_30 = tpu.memref_squeeze %dma_start3A_29 : memref<1x48xi32, #tpu.memory_space<hbm>> -> memref<48xi32, #tpu.memory_space<hbm>>
    %dma_start3A_31 = arith.constant 0 : i32
    %dma_start3A_32 = tpu.memref_slice %arg10[%dma_start3A, %dma_start3A_31] : memref<8x48xi32, #tpu.memory_space<vmem>> -> memref<1x48xi32, #tpu.memory_space<vmem>>
    %dma_start3A_33 = tpu.memref_squeeze %dma_start3A_32 : memref<1x48xi32, #tpu.memory_space<vmem>> -> memref<48xi32, #tpu.memory_space<vmem>>
    %dma_start3A_34 = arith.constant 0 : i32
    %dma_start3A_35 = tpu.memref_slice %arg2[%add3A, %dma_start3A_34] : memref<32x10032xi32, #tpu.memory_space<hbm>> -> memref<1x48xi32, #tpu.memory_space<hbm>>
    %dma_start3A_36 = tpu.memref_squeeze %dma_start3A_35 : memref<1x48xi32, #tpu.memory_space<hbm>> -> memref<48xi32, #tpu.memory_space<hbm>>
    tpu.enqueue_dma source(%dma_start3A_36 : memref<48xi32, #tpu.memory_space<hbm>>) target(%dma_start3A_33 : memref<48xi32, #tpu.memory_space<vmem>>) target_semaphore(%arg19 : memref<!tpu.dma_semaphore, #tpu.memory_space<semaphore_mem>>)
    %dma_start3A_37 = arith.constant 4 : i32
    %dma_start3A_38 = arith.constant 0 : i32
    %dma_start3A_39 = tpu.memref_slice %arg10[%dma_start3A_37, %dma_start3A_38] : memref<8x48xi32, #tpu.memory_space<vmem>> -> memref<1x48xi32, #tpu.memory_space<vmem>>
    %dma_start3A_40 = tpu.memref_squeeze %dma_start3A_39 : memref<1x48xi32, #tpu.memory_space<vmem>> -> memref<48xi32, #tpu.memory_space<vmem>>
    %dma_start3A_41 = arith.constant 0 : i32
    %dma_start3A_42 = tpu.memref_slice %arg3[%add3A, %dma_start3A_41] : memref<32x10032xi32, #tpu.memory_space<hbm>> -> memref<1x48xi32, #tpu.memory_space<hbm>>
    %dma_start3A_43 = tpu.memref_squeeze %dma_start3A_42 : memref<1x48xi32, #tpu.memory_space<hbm>> -> memref<48xi32, #tpu.memory_space<hbm>>
    %dma_start3A_44 = arith.constant 0 : i32
    %dma_start3A_45 = tpu.memref_slice %arg10[%dma_start3A_37, %dma_start3A_44] : memref<8x48xi32, #tpu.memory_space<vmem>> -> memref<1x48xi32, #tpu.memory_space<vmem>>
    %dma_start3A_46 = tpu.memref_squeeze %dma_start3A_45 : memref<1x48xi32, #tpu.memory_space<vmem>> -> memref<48xi32, #tpu.memory_space<vmem>>
    %dma_start3A_47 = arith.constant 0 : i32
    %dma_start3A_48 = tpu.memref_slice %arg3[%add3A, %dma_start3A_47] : memref<32x10032xi32, #tpu.memory_space<hbm>> -> memref<1x48xi32, #tpu.memory_space<hbm>>
    %dma_start3A_49 = tpu.memref_squeeze %dma_start3A_48 : memref<1x48xi32, #tpu.memory_space<hbm>> -> memref<48xi32, #tpu.memory_space<hbm>>
    tpu.enqueue_dma source(%dma_start3A_49 : memref<48xi32, #tpu.memory_space<hbm>>) target(%dma_start3A_46 : memref<48xi32, #tpu.memory_space<vmem>>) target_semaphore(%arg19 : memref<!tpu.dma_semaphore, #tpu.memory_space<semaphore_mem>>)
    %dma_start3A_50 = arith.constant 1 : i32
    %dma_start3A_51 = arith.constant 0 : i32
    %dma_start3A_52 = tpu.memref_slice %arg10[%dma_start3A_50, %dma_start3A_51] : memref<8x48xi32, #tpu.memory_space<vmem>> -> memref<1x48xi32, #tpu.memory_space<vmem>>
    %dma_start3A_53 = tpu.memref_squeeze %dma_start3A_52 : memref<1x48xi32, #tpu.memory_space<vmem>> -> memref<48xi32, #tpu.memory_space<vmem>>
    %dma_start3A_54 = arith.constant 48 : i32
    %dma_start3A_55 = tpu.memref_slice %arg2[%add3A, %dma_start3A_54] : memref<32x10032xi32, #tpu.memory_space<hbm>> -> memref<1x48xi32, #tpu.memory_space<hbm>>
    %dma_start3A_56 = tpu.memref_squeeze %dma_start3A_55 : memref<1x48xi32, #tpu.memory_space<hbm>> -> memref<48xi32, #tpu.memory_space<hbm>>
    %dma_start3A_57 = arith.constant 0 : i32
    %dma_start3A_58 = tpu.memref_slice %arg10[%dma_start3A_50, %dma_start3A_57] : memref<8x48xi32, #tpu.memory_space<vmem>> -> memref<1x48xi32, #tpu.memory_space<vmem>>
    %dma_start3A_59 = tpu.memref_squeeze %dma_start3A_58 : memref<1x48xi32, #tpu.memory_space<vmem>> -> memref<48xi32, #tpu.memory_space<vmem>>
    %dma_start3A_60 = arith.constant 48 : i32
    %dma_start3A_61 = tpu.memref_slice %arg2[%add3A, %dma_start3A_60] : memref<32x10032xi32, #tpu.memory_space<hbm>> -> memref<1x48xi32, #tpu.memory_space<hbm>>
    %dma_start3A_62 = tpu.memref_squeeze %dma_start3A_61 : memref<1x48xi32, #tpu.memory_space<hbm>> -> memref<48xi32, #tpu.memory_space<hbm>>
    tpu.enqueue_dma source(%dma_start3A_62 : memref<48xi32, #tpu.memory_space<hbm>>) target(%dma_start3A_59 : memref<48xi32, #tpu.memory_space<vmem>>) target_semaphore(%arg19 : memref<!tpu.dma_semaphore, #tpu.memory_space<semaphore_mem>>)
    %dma_start3A_63 = arith.constant 5 : i32
    %dma_start3A_64 = arith.constant 0 : i32
    %dma_start3A_65 = tpu.memref_slice %arg10[%dma_start3A_63, %dma_start3A_64] : memref<8x48xi32, #tpu.memory_space<vmem>> -> memref<1x48xi32, #tpu.memory_space<vmem>>
    %dma_start3A_66 = tpu.memref_squeeze %dma_start3A_65 : memref<1x48xi32, #tpu.memory_space<vmem>> -> memref<48xi32, #tpu.memory_space<vmem>>
    %dma_start3A_67 = arith.constant 48 : i32
    %dma_start3A_68 = tpu.memref_slice %arg3[%add3A, %dma_start3A_67] : memref<32x10032xi32, #tpu.memory_space<hbm>> -> memref<1x48xi32, #tpu.memory_space<hbm>>
    %dma_start3A_69 = tpu.memref_squeeze %dma_start3A_68 : memref<1x48xi32, #tpu.memory_space<hbm>> -> memref<48xi32, #tpu.memory_space<hbm>>
    %dma_start3A_70 = arith.constant 0 : i32
    %dma_start3A_71 = tpu.memref_slice %arg10[%dma_start3A_63, %dma_start3A_70] : memref<8x48xi32, #tpu.memory_space<vmem>> -> memref<1x48xi32, #tpu.memory_space<vmem>>
    %dma_start3A_72 = tpu.memref_squeeze %dma_start3A_71 : memref<1x48xi32, #tpu.memory_space<vmem>> -> memref<48xi32, #tpu.memory_space<vmem>>
    %dma_start3A_73 = arith.constant 48 : i32
    %dma_start3A_74 = tpu.memref_slice %arg3[%add3A, %dma_start3A_73] : memref<32x10032xi32, #tpu.memory_space<hbm>> -> memref<1x48xi32, #tpu.memory_space<hbm>>
    %dma_start3A_75 = tpu.memref_squeeze %dma_start3A_74 : memref<1x48xi32, #tpu.memory_space<hbm>> -> memref<48xi32, #tpu.memory_space<hbm>>
    tpu.enqueue_dma source(%dma_start3A_75 : memref<48xi32, #tpu.memory_space<hbm>>) target(%dma_start3A_72 : memref<48xi32, #tpu.memory_space<vmem>>) target_semaphore(%arg19 : memref<!tpu.dma_semaphore, #tpu.memory_space<semaphore_mem>>)
    %dma_wait3A = arith.constant 0 : i32
    %dma_wait3A_76 = arith.constant 0 : i32
    %dma_wait3A_77 = arith.constant 0 : i32
    %dma_wait3A_78 = tpu.memref_slice %arg10[%dma_wait3A_76, %dma_wait3A_77] : memref<8x48xi32, #tpu.memory_space<vmem>> -> memref<1x48xi32, #tpu.memory_space<vmem>>
    %dma_wait3A_79 = tpu.memref_squeeze %dma_wait3A_78 : memref<1x48xi32, #tpu.memory_space<vmem>> -> memref<48xi32, #tpu.memory_space<vmem>>
    %dma_wait3A_80 = arith.constant 0 : i32
    %dma_wait3A_81 = tpu.memref_slice %arg2[%dma_wait3A, %dma_wait3A_80] : memref<32x10032xi32, #tpu.memory_space<hbm>> -> memref<1x48xi32, #tpu.memory_space<hbm>>
    %dma_wait3A_82 = tpu.memref_squeeze %dma_wait3A_81 : memref<1x48xi32, #tpu.memory_space<hbm>> -> memref<48xi32, #tpu.memory_space<hbm>>
    %dma_wait3A_83 = arith.constant 0 : i32
    %dma_wait3A_84 = tpu.memref_slice %arg10[%dma_wait3A_76, %dma_wait3A_83] : memref<8x48xi32, #tpu.memory_space<vmem>> -> memref<1x48xi32, #tpu.memory_space<vmem>>
    %dma_wait3A_85 = tpu.memref_squeeze %dma_wait3A_84 : memref<1x48xi32, #tpu.memory_space<vmem>> -> memref<48xi32, #tpu.memory_space<vmem>>
    %dma_wait3A_86 = arith.constant 0 : i32
    %dma_wait3A_87 = tpu.memref_slice %arg2[%dma_wait3A, %dma_wait3A_86] : memref<32x10032xi32, #tpu.memory_space<hbm>> -> memref<1x48xi32, #tpu.memory_space<hbm>>
    %dma_wait3A_88 = tpu.memref_squeeze %dma_wait3A_87 : memref<1x48xi32, #tpu.memory_space<hbm>> -> memref<48xi32, #tpu.memory_space<hbm>>
    tpu.wait_dma2 semaphore(%arg19 : memref<!tpu.dma_semaphore, #tpu.memory_space<semaphore_mem>>) src(%dma_wait3A_88 : memref<48xi32, #tpu.memory_space<hbm>>) dst(%dma_wait3A_85 : memref<48xi32, #tpu.memory_space<vmem>>)
    %dma_wait3A_89 = arith.constant 0 : i32
    %dma_wait3A_90 = arith.constant 4 : i32
    %dma_wait3A_91 = arith.constant 0 : i32
    %dma_wait3A_92 = tpu.memref_slice %arg10[%dma_wait3A_90, %dma_wait3A_91] : memref<8x48xi32, #tpu.memory_space<vmem>> -> memref<1x48xi32, #tpu.memory_space<vmem>>
    %dma_wait3A_93 = tpu.memref_squeeze %dma_wait3A_92 : memref<1x48xi32, #tpu.memory_space<vmem>> -> memref<48xi32, #tpu.memory_space<vmem>>
    %dma_wait3A_94 = arith.constant 0 : i32
    %dma_wait3A_95 = tpu.memref_slice %arg2[%dma_wait3A_89, %dma_wait3A_94] : memref<32x10032xi32, #tpu.memory_space<hbm>> -> memref<1x48xi32, #tpu.memory_space<hbm>>
    %dma_wait3A_96 = tpu.memref_squeeze %dma_wait3A_95 : memref<1x48xi32, #tpu.memory_space<hbm>> -> memref<48xi32, #tpu.memory_space<hbm>>
    %dma_wait3A_97 = arith.constant 0 : i32
    %dma_wait3A_98 = tpu.memref_slice %arg10[%dma_wait3A_90, %dma_wait3A_97] : memref<8x48xi32, #tpu.memory_space<vmem>> -> memref<1x48xi32, #tpu.memory_space<vmem>>
    %dma_wait3A_99 = tpu.memref_squeeze %dma_wait3A_98 : memref<1x48xi32, #tpu.memory_space<vmem>> -> memref<48xi32, #tpu.memory_space<vmem>>
    %dma_wait3A_100 = arith.constant 0 : i32
    %dma_wait3A_101 = tpu.memref_slice %arg2[%dma_wait3A_89, %dma_wait3A_100] : memref<32x10032xi32, #tpu.memory_space<hbm>> -> memref<1x48xi32, #tpu.memory_space<hbm>>
    %dma_wait3A_102 = tpu.memref_squeeze %dma_wait3A_101 : memref<1x48xi32, #tpu.memory_space<hbm>> -> memref<48xi32, #tpu.memory_space<hbm>>
    tpu.wait_dma2 semaphore(%arg19 : memref<!tpu.dma_semaphore, #tpu.memory_space<semaphore_mem>>) src(%dma_wait3A_102 : memref<48xi32, #tpu.memory_space<hbm>>) dst(%dma_wait3A_99 : memref<48xi32, #tpu.memory_space<vmem>>)
    %dma_start3A_103 = arith.constant 0 : i32
    %dma_start3A_104 = arith.constant 0 : i32
    %dma_start3A_105 = tpu.memref_slice %arg10[%dma_start3A_103, %dma_start3A_104] : memref<8x48xi32, #tpu.memory_space<vmem>> -> memref<1x48xi32, #tpu.memory_space<vmem>>
    %dma_start3A_106 = tpu.memref_squeeze %dma_start3A_105 : memref<1x48xi32, #tpu.memory_space<vmem>> -> memref<48xi32, #tpu.memory_space<vmem>>
    %dma_start3A_107 = arith.constant 0 : i32
    %dma_start3A_108 = arith.constant 0 : i32
    %dma_start3A_109 = tpu.memref_slice %arg4[%dma_start3A_107, %dma_start3A_108] : memref<10000x128xf32, #tpu.memory_space<hbm>> -> memref<10000x128xf32, #tpu.memory_space<hbm>>
    tpu.enqueue_indirect_dma source(%dma_start3A_109 : memref<10000x128xf32, #tpu.memory_space<hbm>>) target(%arg11 : memref<48x128xf32, #tpu.memory_space<vmem>>) offsets(%dma_start3A_106 : memref<48xi32, #tpu.memory_space<vmem>>) semaphore(%arg20 : memref<!tpu.dma_semaphore, #tpu.memory_space<semaphore_mem>>)
    %dma_start3A_110 = arith.constant 4 : i32
    %dma_start3A_111 = arith.constant 0 : i32
    %dma_start3A_112 = tpu.memref_slice %arg10[%dma_start3A_110, %dma_start3A_111] : memref<8x48xi32, #tpu.memory_space<vmem>> -> memref<1x48xi32, #tpu.memory_space<vmem>>
    %dma_start3A_113 = tpu.memref_squeeze %dma_start3A_112 : memref<1x48xi32, #tpu.memory_space<vmem>> -> memref<48xi32, #tpu.memory_space<vmem>>
    %dma_start3A_114 = arith.constant 0 : i32
    %dma_start3A_115 = arith.constant 0 : i32
    %dma_start3A_116 = tpu.memref_slice %arg6[%dma_start3A_114, %dma_start3A_115] : memref<10000x128xf32, #tpu.memory_space<hbm>> -> memref<10000x128xf32, #tpu.memory_space<hbm>>
    tpu.enqueue_indirect_dma source(%dma_start3A_116 : memref<10000x128xf32, #tpu.memory_space<hbm>>) target(%arg13 : memref<48x128xf32, #tpu.memory_space<vmem>>) offsets(%dma_start3A_113 : memref<48xi32, #tpu.memory_space<vmem>>) semaphore(%arg20 : memref<!tpu.dma_semaphore, #tpu.memory_space<semaphore_mem>>)
    %dma_start3A_117 = arith.constant 0 : i32
    %dma_start3A_118 = arith.constant 0 : i32
    %dma_start3A_119 = tpu.memref_slice %arg10[%dma_start3A_117, %dma_start3A_118] : memref<8x48xi32, #tpu.memory_space<vmem>> -> memref<1x48xi32, #tpu.memory_space<vmem>>
    %dma_start3A_120 = tpu.memref_squeeze %dma_start3A_119 : memref<1x48xi32, #tpu.memory_space<vmem>> -> memref<48xi32, #tpu.memory_space<vmem>>
    %dma_start3A_121 = arith.constant 0 : i32
    %dma_start3A_122 = arith.constant 0 : i32
    %dma_start3A_123 = tpu.memref_slice %arg5[%dma_start3A_121, %dma_start3A_122] : memref<10000x144xf32, #tpu.memory_space<hbm>> -> memref<10000x144xf32, #tpu.memory_space<hbm>>
    tpu.enqueue_indirect_dma source(%dma_start3A_123 : memref<10000x144xf32, #tpu.memory_space<hbm>>) target(%arg15 : memref<48x144xf32, #tpu.memory_space<vmem>>) offsets(%dma_start3A_120 : memref<48xi32, #tpu.memory_space<vmem>>) semaphore(%arg20 : memref<!tpu.dma_semaphore, #tpu.memory_space<semaphore_mem>>)
    %dma_start3A_124 = arith.constant 2 : i32
    %dma_start3A_125 = arith.constant 0 : i32
    %dma_start3A_126 = tpu.memref_slice %arg10[%dma_start3A_124, %dma_start3A_125] : memref<8x48xi32, #tpu.memory_space<vmem>> -> memref<1x48xi32, #tpu.memory_space<vmem>>
    %dma_start3A_127 = tpu.memref_squeeze %dma_start3A_126 : memref<1x48xi32, #tpu.memory_space<vmem>> -> memref<48xi32, #tpu.memory_space<vmem>>
    %dma_start3A_128 = arith.constant 96 : i32
    %dma_start3A_129 = tpu.memref_slice %arg2[%add3A, %dma_start3A_128] : memref<32x10032xi32, #tpu.memory_space<hbm>> -> memref<1x48xi32, #tpu.memory_space<hbm>>
    %dma_start3A_130 = tpu.memref_squeeze %dma_start3A_129 : memref<1x48xi32, #tpu.memory_space<hbm>> -> memref<48xi32, #tpu.memory_space<hbm>>
    %dma_start3A_131 = arith.constant 0 : i32
    %dma_start3A_132 = tpu.memref_slice %arg10[%dma_start3A_124, %dma_start3A_131] : memref<8x48xi32, #tpu.memory_space<vmem>> -> memref<1x48xi32, #tpu.memory_space<vmem>>
    %dma_start3A_133 = tpu.memref_squeeze %dma_start3A_132 : memref<1x48xi32, #tpu.memory_space<vmem>> -> memref<48xi32, #tpu.memory_space<vmem>>
    %dma_start3A_134 = arith.constant 96 : i32
    %dma_start3A_135 = tpu.memref_slice %arg2[%add3A, %dma_start3A_134] : memref<32x10032xi32, #tpu.memory_space<hbm>> -> memref<1x48xi32, #tpu.memory_space<hbm>>
    %dma_start3A_136 = tpu.memref_squeeze %dma_start3A_135 : memref<1x48xi32, #tpu.memory_space<hbm>> -> memref<48xi32, #tpu.memory_space<hbm>>
    tpu.enqueue_dma source(%dma_start3A_136 : memref<48xi32, #tpu.memory_space<hbm>>) target(%dma_start3A_133 : memref<48xi32, #tpu.memory_space<vmem>>) target_semaphore(%arg19 : memref<!tpu.dma_semaphore, #tpu.memory_space<semaphore_mem>>)
    %dma_start3A_137 = arith.constant 6 : i32
    %dma_start3A_138 = arith.constant 0 : i32
    %dma_start3A_139 = tpu.memref_slice %arg10[%dma_start3A_137, %dma_start3A_138] : memref<8x48xi32, #tpu.memory_space<vmem>> -> memref<1x48xi32, #tpu.memory_space<vmem>>
    %dma_start3A_140 = tpu.memref_squeeze %dma_start3A_139 : memref<1x48xi32, #tpu.memory_space<vmem>> -> memref<48xi32, #tpu.memory_space<vmem>>
    %dma_start3A_141 = arith.constant 96 : i32
    %dma_start3A_142 = tpu.memref_slice %arg3[%add3A, %dma_start3A_141] : memref<32x10032xi32, #tpu.memory_space<hbm>> -> memref<1x48xi32, #tpu.memory_space<hbm>>
    %dma_start3A_143 = tpu.memref_squeeze %dma_start3A_142 : memref<1x48xi32, #tpu.memory_space<hbm>> -> memref<48xi32, #tpu.memory_space<hbm>>
    %dma_start3A_144 = arith.constant 0 : i32
    %dma_start3A_145 = tpu.memref_slice %arg10[%dma_start3A_137, %dma_start3A_144] : memref<8x48xi32, #tpu.memory_space<vmem>> -> memref<1x48xi32, #tpu.memory_space<vmem>>
    %dma_start3A_146 = tpu.memref_squeeze %dma_start3A_145 : memref<1x48xi32, #tpu.memory_space<vmem>> -> memref<48xi32, #tpu.memory_space<vmem>>
    %dma_start3A_147 = arith.constant 96 : i32
    %dma_start3A_148 = tpu.memref_slice %arg3[%add3A, %dma_start3A_147] : memref<32x10032xi32, #tpu.memory_space<hbm>> -> memref<1x48xi32, #tpu.memory_space<hbm>>
    %dma_start3A_149 = tpu.memref_squeeze %dma_start3A_148 : memref<1x48xi32, #tpu.memory_space<hbm>> -> memref<48xi32, #tpu.memory_space<hbm>>
    tpu.enqueue_dma source(%dma_start3A_149 : memref<48xi32, #tpu.memory_space<hbm>>) target(%dma_start3A_146 : memref<48xi32, #tpu.memory_space<vmem>>) target_semaphore(%arg19 : memref<!tpu.dma_semaphore, #tpu.memory_space<semaphore_mem>>)
    %scan3A_150 = arith.constant 0 : i32
    %scan3A_151 = arith.constant 0 : i32
    %scan3A_152 = arith.constant 104 : i32
    %scan3A_153 = arith.addi %scan3A_151, %scan3A_152 : i32
    %scan3A_154 = arith.constant 1 : i32
    %scan3A_155 = scf.for %scan3A_219 = %scan3A_151 to %scan3A_153 step %scan3A_154 iter_args(%scan3A_220 = %scan3A_150) -> (i32)  : i32 {
      %mul3A_221 = arith.constant 2 : i32
      %mul3A_222 = arith.muli %scan3A_219, %mul3A_221 : i32
      %dma_wait3A_223 = arith.constant 0 : i32
      %dma_wait3A_224 = arith.constant 0 : i32
      %dma_wait3A_225 = tpu.memref_slice %arg10[%dma_wait3A_223, %dma_wait3A_224] : memref<8x48xi32, #tpu.memory_space<vmem>> -> memref<1x48xi32, #tpu.memory_space<vmem>>
      %dma_wait3A_226 = tpu.memref_squeeze %dma_wait3A_225 : memref<1x48xi32, #tpu.memory_space<vmem>> -> memref<48xi32, #tpu.memory_space<vmem>>
      %dma_wait3A_227 = arith.constant 0 : i32
      %dma_wait3A_228 = arith.constant 0 : i32
      %dma_wait3A_229 = tpu.memref_slice %arg4[%dma_wait3A_227, %dma_wait3A_228] : memref<10000x128xf32, #tpu.memory_space<hbm>> -> memref<10000x128xf32, #tpu.memory_space<hbm>>
      tpu.wait_indirect_dma semaphore(%arg20 : memref<!tpu.dma_semaphore, #tpu.memory_space<semaphore_mem>>) src(%dma_wait3A_229 : memref<10000x128xf32, #tpu.memory_space<hbm>>) dst(%arg11 : memref<48x128xf32, #tpu.memory_space<vmem>>)
      %dma_wait3A_230 = arith.constant 4 : i32
      %dma_wait3A_231 = arith.constant 0 : i32
      %dma_wait3A_232 = tpu.memref_slice %arg10[%dma_wait3A_230, %dma_wait3A_231] : memref<8x48xi32, #tpu.memory_space<vmem>> -> memref<1x48xi32, #tpu.memory_space<vmem>>
      %dma_wait3A_233 = tpu.memref_squeeze %dma_wait3A_232 : memref<1x48xi32, #tpu.memory_space<vmem>> -> memref<48xi32, #tpu.memory_space<vmem>>
      %dma_wait3A_234 = arith.constant 0 : i32
      %dma_wait3A_235 = arith.constant 0 : i32
      %dma_wait3A_236 = tpu.memref_slice %arg6[%dma_wait3A_234, %dma_wait3A_235] : memref<10000x128xf32, #tpu.memory_space<hbm>> -> memref<10000x128xf32, #tpu.memory_space<hbm>>
      tpu.wait_indirect_dma semaphore(%arg20 : memref<!tpu.dma_semaphore, #tpu.memory_space<semaphore_mem>>) src(%dma_wait3A_236 : memref<10000x128xf32, #tpu.memory_space<hbm>>) dst(%arg13 : memref<48x128xf32, #tpu.memory_space<vmem>>)
      %dma_wait3A_237 = arith.constant 0 : i32
      %dma_wait3A_238 = arith.constant 0 : i32
      %dma_wait3A_239 = tpu.memref_slice %arg10[%dma_wait3A_237, %dma_wait3A_238] : memref<8x48xi32, #tpu.memory_space<vmem>> -> memref<1x48xi32, #tpu.memory_space<vmem>>
      %dma_wait3A_240 = tpu.memref_squeeze %dma_wait3A_239 : memref<1x48xi32, #tpu.memory_space<vmem>> -> memref<48xi32, #tpu.memory_space<vmem>>
      %dma_wait3A_241 = arith.constant 0 : i32
      %dma_wait3A_242 = arith.constant 0 : i32
      %dma_wait3A_243 = tpu.memref_slice %arg5[%dma_wait3A_241, %dma_wait3A_242] : memref<10000x144xf32, #tpu.memory_space<hbm>> -> memref<10000x144xf32, #tpu.memory_space<hbm>>
      tpu.wait_indirect_dma semaphore(%arg20 : memref<!tpu.dma_semaphore, #tpu.memory_space<semaphore_mem>>) src(%dma_wait3A_243 : memref<10000x144xf32, #tpu.memory_space<hbm>>) dst(%arg15 : memref<48x144xf32, #tpu.memory_space<vmem>>)
      %add3A_244 = arith.constant 1 : i32
      %add3A_245 = arith.addi %mul3A_222, %add3A_244 : i32
      %jit3A = arith.constant 4 : i32
      %eq3A = arith.constant 0 : i32
      %eq3A_246 = arith.cmpi eq, %jit3A, %eq3A : i32
      %jit3A_247 = arith.constant 1 : i32
      %select_n3A = arith.select %eq3A_246, %jit3A_247, %jit3A : i32
      %rem3A = arith.remsi %add3A_245, %select_n3A : i32
      %ne3A = arith.constant 0 : i32
      %ne3A_248 = arith.cmpi ne, %rem3A, %ne3A : i32
      %lt3A_249 = arith.constant 0 : i32
      %lt3A_250 = arith.cmpi slt, %rem3A, %lt3A_249 : i32
      %lt3A_251 = arith.constant 0 : i32
      %lt3A_252 = arith.cmpi slt, %select_n3A, %lt3A_251 : i32
      %ne3A_253 = arith.xori %lt3A_250, %lt3A_252 : i1
      %and3A = arith.andi %ne3A_253, %ne3A_248 : i1
      %add3A_254 = arith.addi %rem3A, %select_n3A : i32
      %select_n3A_255 = arith.select %and3A, %add3A_254, %rem3A : i32
      %dma_wait3A_256 = arith.constant 0 : i32
      %dma_wait3A_257 = arith.constant 0 : i32
      %dma_wait3A_258 = tpu.memref_slice %arg10[%select_n3A_255, %dma_wait3A_257] : memref<8x48xi32, #tpu.memory_space<vmem>> -> memref<1x48xi32, #tpu.memory_space<vmem>>
      %dma_wait3A_259 = tpu.memref_squeeze %dma_wait3A_258 : memref<1x48xi32, #tpu.memory_space<vmem>> -> memref<48xi32, #tpu.memory_space<vmem>>
      %dma_wait3A_260 = arith.constant 0 : i32
      %dma_wait3A_261 = tpu.memref_slice %arg2[%dma_wait3A_256, %dma_wait3A_260] : memref<32x10032xi32, #tpu.memory_space<hbm>> -> memref<1x48xi32, #tpu.memory_space<hbm>>
      %dma_wait3A_262 = tpu.memref_squeeze %dma_wait3A_261 : memref<1x48xi32, #tpu.memory_space<hbm>> -> memref<48xi32, #tpu.memory_space<hbm>>
      %dma_wait3A_263 = arith.constant 0 : i32
      %dma_wait3A_264 = tpu.memref_slice %arg10[%select_n3A_255, %dma_wait3A_263] : memref<8x48xi32, #tpu.memory_space<vmem>> -> memref<1x48xi32, #tpu.memory_space<vmem>>
      %dma_wait3A_265 = tpu.memref_squeeze %dma_wait3A_264 : memref<1x48xi32, #tpu.memory_space<vmem>> -> memref<48xi32, #tpu.memory_space<vmem>>
      %dma_wait3A_266 = arith.constant 0 : i32
      %dma_wait3A_267 = tpu.memref_slice %arg2[%dma_wait3A_256, %dma_wait3A_266] : memref<32x10032xi32, #tpu.memory_space<hbm>> -> memref<1x48xi32, #tpu.memory_space<hbm>>
      %dma_wait3A_268 = tpu.memref_squeeze %dma_wait3A_267 : memref<1x48xi32, #tpu.memory_space<hbm>> -> memref<48xi32, #tpu.memory_space<hbm>>
      tpu.wait_dma2 semaphore(%arg19 : memref<!tpu.dma_semaphore, #tpu.memory_space<semaphore_mem>>) src(%dma_wait3A_268 : memref<48xi32, #tpu.memory_space<hbm>>) dst(%dma_wait3A_265 : memref<48xi32, #tpu.memory_space<vmem>>)
      %add3A_269 = arith.constant 4 : i32
      %add3A_270 = arith.addi %add3A_269, %select_n3A_255 : i32
      %dma_wait3A_271 = arith.constant 0 : i32
      %dma_wait3A_272 = arith.constant 0 : i32
      %dma_wait3A_273 = tpu.memref_slice %arg10[%add3A_270, %dma_wait3A_272] : memref<8x48xi32, #tpu.memory_space<vmem>> -> memref<1x48xi32, #tpu.memory_space<vmem>>
      %dma_wait3A_274 = tpu.memref_squeeze %dma_wait3A_273 : memref<1x48xi32, #tpu.memory_space<vmem>> -> memref<48xi32, #tpu.memory_space<vmem>>
      %dma_wait3A_275 = arith.constant 0 : i32
      %dma_wait3A_276 = tpu.memref_slice %arg2[%dma_wait3A_271, %dma_wait3A_275] : memref<32x10032xi32, #tpu.memory_space<hbm>> -> memref<1x48xi32, #tpu.memory_space<hbm>>
      %dma_wait3A_277 = tpu.memref_squeeze %dma_wait3A_276 : memref<1x48xi32, #tpu.memory_space<hbm>> -> memref<48xi32, #tpu.memory_space<hbm>>
      %dma_wait3A_278 = arith.constant 0 : i32
      %dma_wait3A_279 = tpu.memref_slice %arg10[%add3A_270, %dma_wait3A_278] : memref<8x48xi32, #tpu.memory_space<vmem>> -> memref<1x48xi32, #tpu.memory_space<vmem>>
      %dma_wait3A_280 = tpu.memref_squeeze %dma_wait3A_279 : memref<1x48xi32, #tpu.memory_space<vmem>> -> memref<48xi32, #tpu.memory_space<vmem>>
      %dma_wait3A_281 = arith.constant 0 : i32
      %dma_wait3A_282 = tpu.memref_slice %arg2[%dma_wait3A_271, %dma_wait3A_281] : memref<32x10032xi32, #tpu.memory_space<hbm>> -> memref<1x48xi32, #tpu.memory_space<hbm>>
      %dma_wait3A_283 = tpu.memref_squeeze %dma_wait3A_282 : memref<1x48xi32, #tpu.memory_space<hbm>> -> memref<48xi32, #tpu.memory_space<hbm>>
      tpu.wait_dma2 semaphore(%arg19 : memref<!tpu.dma_semaphore, #tpu.memory_space<semaphore_mem>>) src(%dma_wait3A_283 : memref<48xi32, #tpu.memory_space<hbm>>) dst(%dma_wait3A_280 : memref<48xi32, #tpu.memory_space<vmem>>)
      %ge3A = arith.constant 1 : i32
      %ge3A_284 = arith.cmpi sge, %mul3A_222, %ge3A : i32
      %convert_element_type3A_285 = arith.extui %ge3A_284 : i1 to i32
      %cond3A = arith.constant 0 : i32
      %cond3A_286 = arith.cmpi ne, %convert_element_type3A_285, %cond3A : i32
      scf.if %cond3A_286 {
        %dma_wait3A_514 = arith.constant 4 : i32
        %dma_wait3A_515 = arith.constant 0 : i32
        %dma_wait3A_516 = tpu.memref_slice %arg10[%dma_wait3A_514, %dma_wait3A_515] : memref<8x48xi32, #tpu.memory_space<vmem>> -> memref<1x48xi32, #tpu.memory_space<vmem>>
        %dma_wait3A_517 = tpu.memref_squeeze %dma_wait3A_516 : memref<1x48xi32, #tpu.memory_space<vmem>> -> memref<48xi32, #tpu.memory_space<vmem>>
        %dma_wait3A_518 = arith.constant 0 : i32
        %dma_wait3A_519 = arith.constant 0 : i32
        %dma_wait3A_520 = tpu.memref_slice %arg18[%dma_wait3A_518, %dma_wait3A_519] : memref<10008x144xf32, #tpu.memory_space<vmem_shared>> -> memref<10008x144xf32, #tpu.memory_space<vmem_shared>>
        tpu.wait_indirect_dma semaphore(%arg23 : memref<!tpu.dma_semaphore, #tpu.memory_space<semaphore_mem>>) src(%arg16 : memref<48x144xf32, #tpu.memory_space<vmem>>) dst(%dma_wait3A_520 : memref<10008x144xf32, #tpu.memory_space<vmem_shared>>)
      } else {
      }
      %add3A_287 = arith.constant 1 : i32
      %add3A_288 = arith.addi %mul3A_222, %add3A_287 : i32
      %jit3A_289 = arith.constant 4 : i32
      %eq3A_290 = arith.constant 0 : i32
      %eq3A_291 = arith.cmpi eq, %jit3A_289, %eq3A_290 : i32
      %jit3A_292 = arith.constant 1 : i32
      %select_n3A_293 = arith.select %eq3A_291, %jit3A_292, %jit3A_289 : i32
      %rem3A_294 = arith.remsi %add3A_288, %select_n3A_293 : i32
      %ne3A_295 = arith.constant 0 : i32
      %ne3A_296 = arith.cmpi ne, %rem3A_294, %ne3A_295 : i32
      %lt3A_297 = arith.constant 0 : i32
      %lt3A_298 = arith.cmpi slt, %rem3A_294, %lt3A_297 : i32
      %lt3A_299 = arith.constant 0 : i32
      %lt3A_300 = arith.cmpi slt, %select_n3A_293, %lt3A_299 : i32
      %ne3A_301 = arith.xori %lt3A_298, %lt3A_300 : i1
      %and3A_302 = arith.andi %ne3A_301, %ne3A_296 : i1
      %add3A_303 = arith.addi %rem3A_294, %select_n3A_293 : i32
      %select_n3A_304 = arith.select %and3A_302, %add3A_303, %rem3A_294 : i32
      %dma_start3A_305 = arith.constant 0 : i32
      %dma_start3A_306 = tpu.memref_slice %arg10[%select_n3A_304, %dma_start3A_305] : memref<8x48xi32, #tpu.memory_space<vmem>> -> memref<1x48xi32, #tpu.memory_space<vmem>>
      %dma_start3A_307 = tpu.memref_squeeze %dma_start3A_306 : memref<1x48xi32, #tpu.memory_space<vmem>> -> memref<48xi32, #tpu.memory_space<vmem>>
      %dma_start3A_308 = arith.constant 0 : i32
      %dma_start3A_309 = arith.constant 0 : i32
      %dma_start3A_310 = tpu.memref_slice %arg4[%dma_start3A_308, %dma_start3A_309] : memref<10000x128xf32, #tpu.memory_space<hbm>> -> memref<10000x128xf32, #tpu.memory_space<hbm>>
      tpu.enqueue_indirect_dma source(%dma_start3A_310 : memref<10000x128xf32, #tpu.memory_space<hbm>>) target(%arg12 : memref<48x128xf32, #tpu.memory_space<vmem>>) offsets(%dma_start3A_307 : memref<48xi32, #tpu.memory_space<vmem>>) semaphore(%arg21 : memref<!tpu.dma_semaphore, #tpu.memory_space<semaphore_mem>>)
      %add3A_311 = arith.constant 4 : i32
      %add3A_312 = arith.addi %add3A_311, %select_n3A_304 : i32
      %dma_start3A_313 = arith.constant 0 : i32
      %dma_start3A_314 = tpu.memref_slice %arg10[%add3A_312, %dma_start3A_313] : memref<8x48xi32, #tpu.memory_space<vmem>> -> memref<1x48xi32, #tpu.memory_space<vmem>>
      %dma_start3A_315 = tpu.memref_squeeze %dma_start3A_314 : memref<1x48xi32, #tpu.memory_space<vmem>> -> memref<48xi32, #tpu.memory_space<vmem>>
      %dma_start3A_316 = arith.constant 0 : i32
      %dma_start3A_317 = arith.constant 0 : i32
      %dma_start3A_318 = tpu.memref_slice %arg6[%dma_start3A_316, %dma_start3A_317] : memref<10000x128xf32, #tpu.memory_space<hbm>> -> memref<10000x128xf32, #tpu.memory_space<hbm>>
      tpu.enqueue_indirect_dma source(%dma_start3A_318 : memref<10000x128xf32, #tpu.memory_space<hbm>>) target(%arg14 : memref<48x128xf32, #tpu.memory_space<vmem>>) offsets(%dma_start3A_315 : memref<48xi32, #tpu.memory_space<vmem>>) semaphore(%arg21 : memref<!tpu.dma_semaphore, #tpu.memory_space<semaphore_mem>>)
      %dma_start3A_319 = arith.constant 0 : i32
      %dma_start3A_320 = tpu.memref_slice %arg10[%select_n3A_304, %dma_start3A_319] : memref<8x48xi32, #tpu.memory_space<vmem>> -> memref<1x48xi32, #tpu.memory_space<vmem>>
      %dma_start3A_321 = tpu.memref_squeeze %dma_start3A_320 : memref<1x48xi32, #tpu.memory_space<vmem>> -> memref<48xi32, #tpu.memory_space<vmem>>
      %dma_start3A_322 = arith.constant 0 : i32
      %dma_start3A_323 = arith.constant 0 : i32
      %dma_start3A_324 = tpu.memref_slice %arg5[%dma_start3A_322, %dma_start3A_323] : memref<10000x144xf32, #tpu.memory_space<hbm>> -> memref<10000x144xf32, #tpu.memory_space<hbm>>
      tpu.enqueue_indirect_dma source(%dma_start3A_324 : memref<10000x144xf32, #tpu.memory_space<hbm>>) target(%arg16 : memref<48x144xf32, #tpu.memory_space<vmem>>) offsets(%dma_start3A_321 : memref<48xi32, #tpu.memory_space<vmem>>) semaphore(%arg21 : memref<!tpu.dma_semaphore, #tpu.memory_space<semaphore_mem>>)
      %add3A_325 = arith.constant 3 : i32
      %add3A_326 = arith.addi %mul3A_222, %add3A_325 : i32
      %lt3A_327 = arith.constant 209 : i32
      %lt3A_328 = arith.cmpi slt, %add3A_326, %lt3A_327 : i32
      %convert_element_type3A_329 = arith.extui %lt3A_328 : i1 to i32
      %cond3A_330 = arith.constant 0 : i32
      %cond3A_331 = arith.cmpi ne, %convert_element_type3A_329, %cond3A_330 : i32
      scf.if %cond3A_331 {
        %add3A_514 = arith.constant 3 : i32
        %add3A_515 = arith.addi %mul3A_222, %add3A_514 : i32
        %jit3A_516 = arith.constant 4 : i32
        %eq3A_517 = arith.constant 0 : i32
        %eq3A_518 = arith.cmpi eq, %jit3A_516, %eq3A_517 : i32
        %jit3A_519 = arith.constant 1 : i32
        %select_n3A_520 = arith.select %eq3A_518, %jit3A_519, %jit3A_516 : i32
        %rem3A_521 = arith.remsi %add3A_515, %select_n3A_520 : i32
        %ne3A_522 = arith.constant 0 : i32
        %ne3A_523 = arith.cmpi ne, %rem3A_521, %ne3A_522 : i32
        %lt3A_524 = arith.constant 0 : i32
        %lt3A_525 = arith.cmpi slt, %rem3A_521, %lt3A_524 : i32
        %lt3A_526 = arith.constant 0 : i32
        %lt3A_527 = arith.cmpi slt, %select_n3A_520, %lt3A_526 : i32
        %ne3A_528 = arith.xori %lt3A_525, %lt3A_527 : i1
        %and3A_529 = arith.andi %ne3A_528, %ne3A_523 : i1
        %add3A_530 = arith.addi %rem3A_521, %select_n3A_520 : i32
        %select_n3A_531 = arith.select %and3A_529, %add3A_530, %rem3A_521 : i32
        %mul3A_532 = arith.constant 48 : i32
        %mul3A_533 = arith.muli %add3A_515, %mul3A_532 : i32
        %dma_start3A_534 = arith.constant 0 : i32
        %dma_start3A_535 = tpu.memref_slice %arg10[%select_n3A_531, %dma_start3A_534] : memref<8x48xi32, #tpu.memory_space<vmem>> -> memref<1x48xi32, #tpu.memory_space<vmem>>
        %dma_start3A_536 = tpu.memref_squeeze %dma_start3A_535 : memref<1x48xi32, #tpu.memory_space<vmem>> -> memref<48xi32, #tpu.memory_space<vmem>>
        %dma_start3A_537 = tpu.memref_slice %arg2[%add3A, %mul3A_533] : memref<32x10032xi32, #tpu.memory_space<hbm>> -> memref<1x48xi32, #tpu.memory_space<hbm>>
        %dma_start3A_538 = tpu.memref_squeeze %dma_start3A_537 : memref<1x48xi32, #tpu.memory_space<hbm>> -> memref<48xi32, #tpu.memory_space<hbm>>
        %dma_start3A_539 = arith.constant 0 : i32
        %dma_start3A_540 = tpu.memref_slice %arg10[%select_n3A_531, %dma_start3A_539] : memref<8x48xi32, #tpu.memory_space<vmem>> -> memref<1x48xi32, #tpu.memory_space<vmem>>
        %dma_start3A_541 = tpu.memref_squeeze %dma_start3A_540 : memref<1x48xi32, #tpu.memory_space<vmem>> -> memref<48xi32, #tpu.memory_space<vmem>>
        %dma_start3A_542 = tpu.memref_slice %arg2[%add3A, %mul3A_533] : memref<32x10032xi32, #tpu.memory_space<hbm>> -> memref<1x48xi32, #tpu.memory_space<hbm>>
        %dma_start3A_543 = tpu.memref_squeeze %dma_start3A_542 : memref<1x48xi32, #tpu.memory_space<hbm>> -> memref<48xi32, #tpu.memory_space<hbm>>
        tpu.enqueue_dma source(%dma_start3A_543 : memref<48xi32, #tpu.memory_space<hbm>>) target(%dma_start3A_541 : memref<48xi32, #tpu.memory_space<vmem>>) target_semaphore(%arg19 : memref<!tpu.dma_semaphore, #tpu.memory_space<semaphore_mem>>)
        %mul3A_544 = arith.constant 48 : i32
        %mul3A_545 = arith.muli %add3A_515, %mul3A_544 : i32
        %add3A_546 = arith.constant 4 : i32
        %add3A_547 = arith.addi %add3A_546, %select_n3A_531 : i32
        %dma_start3A_548 = arith.constant 0 : i32
        %dma_start3A_549 = tpu.memref_slice %arg10[%add3A_547, %dma_start3A_548] : memref<8x48xi32, #tpu.memory_space<vmem>> -> memref<1x48xi32, #tpu.memory_space<vmem>>
        %dma_start3A_550 = tpu.memref_squeeze %dma_start3A_549 : memref<1x48xi32, #tpu.memory_space<vmem>> -> memref<48xi32, #tpu.memory_space<vmem>>
        %dma_start3A_551 = tpu.memref_slice %arg3[%add3A, %mul3A_545] : memref<32x10032xi32, #tpu.memory_space<hbm>> -> memref<1x48xi32, #tpu.memory_space<hbm>>
        %dma_start3A_552 = tpu.memref_squeeze %dma_start3A_551 : memref<1x48xi32, #tpu.memory_space<hbm>> -> memref<48xi32, #tpu.memory_space<hbm>>
        %dma_start3A_553 = arith.constant 0 : i32
        %dma_start3A_554 = tpu.memref_slice %arg10[%add3A_547, %dma_start3A_553] : memref<8x48xi32, #tpu.memory_space<vmem>> -> memref<1x48xi32, #tpu.memory_space<vmem>>
        %dma_start3A_555 = tpu.memref_squeeze %dma_start3A_554 : memref<1x48xi32, #tpu.memory_space<vmem>> -> memref<48xi32, #tpu.memory_space<vmem>>
        %dma_start3A_556 = tpu.memref_slice %arg3[%add3A, %mul3A_545] : memref<32x10032xi32, #tpu.memory_space<hbm>> -> memref<1x48xi32, #tpu.memory_space<hbm>>
        %dma_start3A_557 = tpu.memref_squeeze %dma_start3A_556 : memref<1x48xi32, #tpu.memory_space<hbm>> -> memref<48xi32, #tpu.memory_space<hbm>>
        tpu.enqueue_dma source(%dma_start3A_557 : memref<48xi32, #tpu.memory_space<hbm>>) target(%dma_start3A_555 : memref<48xi32, #tpu.memory_space<vmem>>) target_semaphore(%arg19 : memref<!tpu.dma_semaphore, #tpu.memory_space<semaphore_mem>>)
      } else {
      }
      %jit3A_332 = arith.constant 4 : i32
      %eq3A_333 = arith.constant 0 : i32
      %eq3A_334 = arith.cmpi eq, %jit3A_332, %eq3A_333 : i32
      %jit3A_335 = arith.constant 1 : i32
      %select_n3A_336 = arith.select %eq3A_334, %jit3A_335, %jit3A_332 : i32
      %rem3A_337 = arith.remsi %mul3A_222, %select_n3A_336 : i32
      %ne3A_338 = arith.constant 0 : i32
      %ne3A_339 = arith.cmpi ne, %rem3A_337, %ne3A_338 : i32
      %lt3A_340 = arith.constant 0 : i32
      %lt3A_341 = arith.cmpi slt, %rem3A_337, %lt3A_340 : i32
      %lt3A_342 = arith.constant 0 : i32
      %lt3A_343 = arith.cmpi slt, %select_n3A_336, %lt3A_342 : i32
      %ne3A_344 = arith.xori %lt3A_341, %lt3A_343 : i1
      %and3A_345 = arith.andi %ne3A_344, %ne3A_339 : i1
      %add3A_346 = arith.addi %rem3A_337, %select_n3A_336 : i32
      %select_n3A_347 = arith.select %and3A_345, %add3A_346, %rem3A_337 : i32
      %scan3A_348 = arith.constant 0 : i32
      %scan3A_349 = arith.constant 0 : i32
      %scan3A_350 = arith.constant 24 : i32
      %scan3A_351 = arith.addi %scan3A_349, %scan3A_350 : i32
      %scan3A_352 = arith.constant 1 : i32
      %scan3A_353 = scf.for %scan3A_514 = %scan3A_349 to %scan3A_351 step %scan3A_352 iter_args(%scan3A_515 = %scan3A_348) -> (i32)  : i32 {
        %mul3A_516 = arith.constant 2 : i32
        %mul3A_517 = arith.muli %scan3A_514, %mul3A_516 : i32
        %add3A_518 = arith.constant 0 : i32
        %add3A_519 = arith.addi %mul3A_517, %add3A_518 : i32
        %get3A_520 = arith.index_cast %add3A_519 : i32 to index
        %get3A_521 = arith.constant 0 : index
        %get3A_522 = tpu.vector_load %arg11[%get3A_520, %get3A_521] {strides = array<i32>} : memref<48x128xf32, #tpu.memory_space<vmem>>, vector<16xf32>,
        %get3A_523 = arith.index_cast %add3A_519 : i32 to index
        %get3A_524 = arith.constant 0 : index
        %get3A_525 = tpu.vector_load %arg13[%get3A_523, %get3A_524] {strides = array<i32>} : memref<48x128xf32, #tpu.memory_space<vmem>>, vector<16xf32>,
        %sub3A = arith.subf %get3A_522, %get3A_525 : vector<16xf32>
        %max3A = arith.constant 0.000000e+00 : f32
        %max3A_526 = vector.broadcast %max3A : f32 to vector<16xf32>
        %max3A_527 = arith.maximumf %sub3A, %max3A_526 : vector<16xf32>
        %mul3A_528 = arith.mulf %max3A_527, %get3A_22 : vector<16xf32>
        %get3A_529 = arith.index_cast %add3A_519 : i32 to index
        %get3A_530 = arith.constant 16 : index
        %get3A_531 = tpu.vector_load %arg11[%get3A_529, %get3A_530] {strides = array<i32>} : memref<48x128xf32, #tpu.memory_space<vmem>>, vector<16xf32>,
        %get3A_532 = arith.index_cast %add3A_519 : i32 to index
        %get3A_533 = arith.constant 16 : index
        %get3A_534 = tpu.vector_load %arg13[%get3A_532, %get3A_533] {strides = array<i32>} : memref<48x128xf32, #tpu.memory_space<vmem>>, vector<16xf32>,
        %sub3A_535 = arith.subf %get3A_531, %get3A_534 : vector<16xf32>
        %max3A_536 = arith.constant 0.000000e+00 : f32
        %max3A_537 = vector.broadcast %max3A_536 : f32 to vector<16xf32>
        %max3A_538 = arith.maximumf %sub3A_535, %max3A_537 : vector<16xf32>
        %mul3A_539 = arith.mulf %max3A_538, %get3A_22 : vector<16xf32>
        %get3A_540 = arith.index_cast %add3A_519 : i32 to index
        %get3A_541 = arith.constant 32 : index
        %get3A_542 = tpu.vector_load %arg11[%get3A_540, %get3A_541] {strides = array<i32>} : memref<48x128xf32, #tpu.memory_space<vmem>>, vector<16xf32>,
        %get3A_543 = arith.index_cast %add3A_519 : i32 to index
        %get3A_544 = arith.constant 32 : index
        %get3A_545 = tpu.vector_load %arg13[%get3A_543, %get3A_544] {strides = array<i32>} : memref<48x128xf32, #tpu.memory_space<vmem>>, vector<16xf32>,
        %sub3A_546 = arith.subf %get3A_542, %get3A_545 : vector<16xf32>
        %max3A_547 = arith.constant 0.000000e+00 : f32
        %max3A_548 = vector.broadcast %max3A_547 : f32 to vector<16xf32>
        %max3A_549 = arith.maximumf %sub3A_546, %max3A_548 : vector<16xf32>
        %mul3A_550 = arith.mulf %max3A_549, %get3A_22 : vector<16xf32>
        %get3A_551 = arith.index_cast %add3A_519 : i32 to index
        %get3A_552 = arith.constant 48 : index
        %get3A_553 = tpu.vector_load %arg11[%get3A_551, %get3A_552] {strides = array<i32>} : memref<48x128xf32, #tpu.memory_space<vmem>>, vector<16xf32>,
        %get3A_554 = arith.index_cast %add3A_519 : i32 to index
        %get3A_555 = arith.constant 48 : index
        %get3A_556 = tpu.vector_load %arg13[%get3A_554, %get3A_555] {strides = array<i32>} : memref<48x128xf32, #tpu.memory_space<vmem>>, vector<16xf32>,
        %sub3A_557 = arith.subf %get3A_553, %get3A_556 : vector<16xf32>
        %max3A_558 = arith.constant 0.000000e+00 : f32
        %max3A_559 = vector.broadcast %max3A_558 : f32 to vector<16xf32>
        %max3A_560 = arith.maximumf %sub3A_557, %max3A_559 : vector<16xf32>
        %mul3A_561 = arith.mulf %max3A_560, %get3A_22 : vector<16xf32>
        %get3A_562 = arith.index_cast %add3A_519 : i32 to index
        %get3A_563 = arith.constant 64 : index
        %get3A_564 = tpu.vector_load %arg11[%get3A_562, %get3A_563] {strides = array<i32>} : memref<48x128xf32, #tpu.memory_space<vmem>>, vector<16xf32>,
        %get3A_565 = arith.index_cast %add3A_519 : i32 to index
        %get3A_566 = arith.constant 64 : index
        %get3A_567 = tpu.vector_load %arg13[%get3A_565, %get3A_566] {strides = array<i32>} : memref<48x128xf32, #tpu.memory_space<vmem>>, vector<16xf32>,
        %sub3A_568 = arith.subf %get3A_564, %get3A_567 : vector<16xf32>
        %max3A_569 = arith.constant 0.000000e+00 : f32
        %max3A_570 = vector.broadcast %max3A_569 : f32 to vector<16xf32>
        %max3A_571 = arith.maximumf %sub3A_568, %max3A_570 : vector<16xf32>
        %mul3A_572 = arith.mulf %max3A_571, %get3A_22 : vector<16xf32>
        %get3A_573 = arith.index_cast %add3A_519 : i32 to index
        %get3A_574 = arith.constant 80 : index
        %get3A_575 = tpu.vector_load %arg11[%get3A_573, %get3A_574] {strides = array<i32>} : memref<48x128xf32, #tpu.memory_space<vmem>>, vector<16xf32>,
        %get3A_576 = arith.index_cast %add3A_519 : i32 to index
        %get3A_577 = arith.constant 80 : index
        %get3A_578 = tpu.vector_load %arg13[%get3A_576, %get3A_577] {strides = array<i32>} : memref<48x128xf32, #tpu.memory_space<vmem>>, vector<16xf32>,
        %sub3A_579 = arith.subf %get3A_575, %get3A_578 : vector<16xf32>
        %max3A_580 = arith.constant 0.000000e+00 : f32
        %max3A_581 = vector.broadcast %max3A_580 : f32 to vector<16xf32>
        %max3A_582 = arith.maximumf %sub3A_579, %max3A_581 : vector<16xf32>
        %mul3A_583 = arith.mulf %max3A_582, %get3A_22 : vector<16xf32>
        %get3A_584 = arith.index_cast %add3A_519 : i32 to index
        %get3A_585 = arith.constant 96 : index
        %get3A_586 = tpu.vector_load %arg11[%get3A_584, %get3A_585] {strides = array<i32>} : memref<48x128xf32, #tpu.memory_space<vmem>>, vector<16xf32>,
        %get3A_587 = arith.index_cast %add3A_519 : i32 to index
        %get3A_588 = arith.constant 96 : index
        %get3A_589 = tpu.vector_load %arg13[%get3A_587, %get3A_588] {strides = array<i32>} : memref<48x128xf32, #tpu.memory_space<vmem>>, vector<16xf32>,
        %sub3A_590 = arith.subf %get3A_586, %get3A_589 : vector<16xf32>
        %max3A_591 = arith.constant 0.000000e+00 : f32
        %max3A_592 = vector.broadcast %max3A_591 : f32 to vector<16xf32>
        %max3A_593 = arith.maximumf %sub3A_590, %max3A_592 : vector<16xf32>
        %mul3A_594 = arith.mulf %max3A_593, %get3A_22 : vector<16xf32>
        %get3A_595 = arith.index_cast %add3A_519 : i32 to index
        %get3A_596 = arith.constant 112 : index
        %get3A_597 = tpu.vector_load %arg11[%get3A_595, %get3A_596] {strides = array<i32>} : memref<48x128xf32, #tpu.memory_space<vmem>>, vector<16xf32>,
        %get3A_598 = arith.index_cast %add3A_519 : i32 to index
        %get3A_599 = arith.constant 112 : index
        %get3A_600 = tpu.vector_load %arg13[%get3A_598, %get3A_599] {strides = array<i32>} : memref<48x128xf32, #tpu.memory_space<vmem>>, vector<16xf32>,
        %sub3A_601 = arith.subf %get3A_597, %get3A_600 : vector<16xf32>
        %max3A_602 = arith.constant 0.000000e+00 : f32
        %max3A_603 = vector.broadcast %max3A_602 : f32 to vector<16xf32>
        %max3A_604 = arith.maximumf %sub3A_601, %max3A_603 : vector<16xf32>
        %mul3A_605 = arith.mulf %max3A_604, %get3A_22 : vector<16xf32>
        %reduce_sum3A = arith.constant true
        %reduce_sum3A_606 = vector.broadcast %reduce_sum3A : i1 to vector<16xi1>
        %reduce_sum3A_607 = tpu.scan <sum>, %mul3A_528 masked %reduce_sum3A_606 : vector<16xf32>, vector<16xi1> -> vector<16xf32>
        %reduce_sum3A_608 = vector.extract %reduce_sum3A_607[15] : f32 from vector<16xf32>
        %reduce_sum3A_609 = arith.constant true
        %reduce_sum3A_610 = vector.broadcast %reduce_sum3A_609 : i1 to vector<16xi1>
        %reduce_sum3A_611 = tpu.scan <sum>, %mul3A_539 masked %reduce_sum3A_610 : vector<16xf32>, vector<16xi1> -> vector<16xf32>
        %reduce_sum3A_612 = vector.extract %reduce_sum3A_611[15] : f32 from vector<16xf32>
        %reduce_sum3A_613 = arith.constant true
        %reduce_sum3A_614 = vector.broadcast %reduce_sum3A_613 : i1 to vector<16xi1>
        %reduce_sum3A_615 = tpu.scan <sum>, %mul3A_550 masked %reduce_sum3A_614 : vector<16xf32>, vector<16xi1> -> vector<16xf32>
        %reduce_sum3A_616 = vector.extract %reduce_sum3A_615[15] : f32 from vector<16xf32>
        %reduce_sum3A_617 = arith.constant true
        %reduce_sum3A_618 = vector.broadcast %reduce_sum3A_617 : i1 to vector<16xi1>
        %reduce_sum3A_619 = tpu.scan <sum>, %mul3A_561 masked %reduce_sum3A_618 : vector<16xf32>, vector<16xi1> -> vector<16xf32>
        %reduce_sum3A_620 = vector.extract %reduce_sum3A_619[15] : f32 from vector<16xf32>
        %reduce_sum3A_621 = arith.constant true
        %reduce_sum3A_622 = vector.broadcast %reduce_sum3A_621 : i1 to vector<16xi1>
        %reduce_sum3A_623 = tpu.scan <sum>, %mul3A_572 masked %reduce_sum3A_622 : vector<16xf32>, vector<16xi1> -> vector<16xf32>
        %reduce_sum3A_624 = vector.extract %reduce_sum3A_623[15] : f32 from vector<16xf32>
        %reduce_sum3A_625 = arith.constant true
        %reduce_sum3A_626 = vector.broadcast %reduce_sum3A_625 : i1 to vector<16xi1>
        %reduce_sum3A_627 = tpu.scan <sum>, %mul3A_583 masked %reduce_sum3A_626 : vector<16xf32>, vector<16xi1> -> vector<16xf32>
        %reduce_sum3A_628 = vector.extract %reduce_sum3A_627[15] : f32 from vector<16xf32>
        %reduce_sum3A_629 = arith.constant true
        %reduce_sum3A_630 = vector.broadcast %reduce_sum3A_629 : i1 to vector<16xi1>
        %reduce_sum3A_631 = tpu.scan <sum>, %mul3A_594 masked %reduce_sum3A_630 : vector<16xf32>, vector<16xi1> -> vector<16xf32>
        %reduce_sum3A_632 = vector.extract %reduce_sum3A_631[15] : f32 from vector<16xf32>
        %reduce_sum3A_633 = arith.constant true
        %reduce_sum3A_634 = vector.broadcast %reduce_sum3A_633 : i1 to vector<16xi1>
        %reduce_sum3A_635 = tpu.scan <sum>, %mul3A_605 masked %reduce_sum3A_634 : vector<16xf32>, vector<16xi1> -> vector<16xf32>
        %reduce_sum3A_636 = vector.extract %reduce_sum3A_635[15] : f32 from vector<16xf32>
        %broadcast_in_dim3A_637 = arith.constant 0.000000e+00 : f32
        %broadcast_in_dim3A_638 = vector.broadcast %broadcast_in_dim3A_637 : f32 to vector<16xf32>
        %eq3A_639 = arith.constant 0 : i32
        %eq3A_640 = vector.broadcast %eq3A_639 : i32 to vector<16xi32>
        %eq3A_641 = arith.cmpi eq, %iota3A, %eq3A_640 : vector<16xi32>
        %broadcast_in_dim3A_642 = vector.broadcast %reduce_sum3A_608 : f32 to vector<16xf32>
        %select_n3A_643 = arith.select %eq3A_641, %broadcast_in_dim3A_642, %broadcast_in_dim3A_638 : vector<16xi1>, vector<16xf32>
        %eq3A_644 = arith.constant 1 : i32
        %eq3A_645 = vector.broadcast %eq3A_644 : i32 to vector<16xi32>
        %eq3A_646 = arith.cmpi eq, %iota3A, %eq3A_645 : vector<16xi32>
        %broadcast_in_dim3A_647 = vector.broadcast %reduce_sum3A_612 : f32 to vector<16xf32>
        %select_n3A_648 = arith.select %eq3A_646, %broadcast_in_dim3A_647, %select_n3A_643 : vector<16xi1>, vector<16xf32>
        %eq3A_649 = arith.constant 2 : i32
        %eq3A_650 = vector.broadcast %eq3A_649 : i32 to vector<16xi32>
        %eq3A_651 = arith.cmpi eq, %iota3A, %eq3A_650 : vector<16xi32>
        %broadcast_in_dim3A_652 = vector.broadcast %reduce_sum3A_616 : f32 to vector<16xf32>
        %select_n3A_653 = arith.select %eq3A_651, %broadcast_in_dim3A_652, %select_n3A_648 : vector<16xi1>, vector<16xf32>
        %eq3A_654 = arith.constant 3 : i32
        %eq3A_655 = vector.broadcast %eq3A_654 : i32 to vector<16xi32>
        %eq3A_656 = arith.cmpi eq, %iota3A, %eq3A_655 : vector<16xi32>
        %broadcast_in_dim3A_657 = vector.broadcast %reduce_sum3A_620 : f32 to vector<16xf32>
        %select_n3A_658 = arith.select %eq3A_656, %broadcast_in_dim3A_657, %select_n3A_653 : vector<16xi1>, vector<16xf32>
        %eq3A_659 = arith.constant 4 : i32
        %eq3A_660 = vector.broadcast %eq3A_659 : i32 to vector<16xi32>
        %eq3A_661 = arith.cmpi eq, %iota3A, %eq3A_660 : vector<16xi32>
        %broadcast_in_dim3A_662 = vector.broadcast %reduce_sum3A_624 : f32 to vector<16xf32>
        %select_n3A_663 = arith.select %eq3A_661, %broadcast_in_dim3A_662, %select_n3A_658 : vector<16xi1>, vector<16xf32>
        %eq3A_664 = arith.constant 5 : i32
        %eq3A_665 = vector.broadcast %eq3A_664 : i32 to vector<16xi32>
        %eq3A_666 = arith.cmpi eq, %iota3A, %eq3A_665 : vector<16xi32>
        %broadcast_in_dim3A_667 = vector.broadcast %reduce_sum3A_628 : f32 to vector<16xf32>
        %select_n3A_668 = arith.select %eq3A_666, %broadcast_in_dim3A_667, %select_n3A_663 : vector<16xi1>, vector<16xf32>
        %eq3A_669 = arith.constant 6 : i32
        %eq3A_670 = vector.broadcast %eq3A_669 : i32 to vector<16xi32>
        %eq3A_671 = arith.cmpi eq, %iota3A, %eq3A_670 : vector<16xi32>
        %broadcast_in_dim3A_672 = vector.broadcast %reduce_sum3A_632 : f32 to vector<16xf32>
        %select_n3A_673 = arith.select %eq3A_671, %broadcast_in_dim3A_672, %select_n3A_668 : vector<16xi1>, vector<16xf32>
        %eq3A_674 = arith.constant 7 : i32
        %eq3A_675 = vector.broadcast %eq3A_674 : i32 to vector<16xi32>
        %eq3A_676 = arith.cmpi eq, %iota3A, %eq3A_675 : vector<16xi32>
        %broadcast_in_dim3A_677 = vector.broadcast %reduce_sum3A_636 : f32 to vector<16xf32>
        %select_n3A_678 = arith.select %eq3A_676, %broadcast_in_dim3A_677, %select_n3A_673 : vector<16xi1>, vector<16xf32>
        %add3A_679 = arith.addf %select_n3A_678, %get3A_24 : vector<16xf32>
        %max3A_680 = arith.constant -5.000000e+00 : f32
        %max3A_681 = vector.broadcast %max3A_680 : f32 to vector<16xf32>
        %max3A_682 = arith.maximumf %add3A_679, %max3A_681 : vector<16xf32>
        %min3A = arith.constant 5.000000e+00 : f32
        %min3A_683 = vector.broadcast %min3A : f32 to vector<16xf32>
        %min3A_684 = arith.minimumf %max3A_682, %min3A_683 : vector<16xf32>
        %exp3A = math.exp %min3A_684 : vector<16xf32>
        %lt3A_685 = arith.constant 8 : i32
        %lt3A_686 = vector.broadcast %lt3A_685 : i32 to vector<16xi32>
        %lt3A_687 = arith.cmpi slt, %iota3A, %lt3A_686 : vector<16xi32>
        %jit3A_688 = arith.constant 0.000000e+00 : f32
        %broadcast_in_dim3A_689 = vector.broadcast %jit3A_688 : f32 to vector<16xf32>
        %select_n3A_690 = arith.select %lt3A_687, %exp3A, %broadcast_in_dim3A_689 : vector<16xi1>, vector<16xf32>
        %swap3A = arith.index_cast %add3A_519 : i32 to index
        %swap3A_691 = arith.constant 128 : index
        %swap3A_692 = tpu.vector_load %arg15[%swap3A, %swap3A_691] {strides = array<i32>} : memref<48x144xf32, #tpu.memory_space<vmem>>, vector<16xf32>,
        tpu.vector_store %arg15[%swap3A, %swap3A_691], %select_n3A_690 {strides = array<i32>} : memref<48x144xf32, #tpu.memory_space<vmem>>, vector<16xf32>,
        %slice3A = vector.extract_strided_slice %select_n3A_690 {offsets = [0], sizes = [1], strides = [1]} : vector<16xf32> to vector<1xf32>
        %squeeze3A = vector.extract %slice3A[0] : f32 from vector<1xf32>
        %get3A_693 = arith.index_cast %add3A_519 : i32 to index
        %get3A_694 = arith.constant 0 : index
        %get3A_695 = tpu.vector_load %arg15[%get3A_693, %get3A_694] {strides = array<i32>} : memref<48x144xf32, #tpu.memory_space<vmem>>, vector<16xf32>,
        %mul3A_696 = vector.broadcast %squeeze3A : f32 to vector<16xf32>
        %mul3A_697 = arith.mulf %get3A_695, %mul3A_696 : vector<16xf32>
        %swap3A_698 = arith.index_cast %add3A_519 : i32 to index
        %swap3A_699 = arith.constant 0 : index
        %swap3A_700 = tpu.vector_load %arg15[%swap3A_698, %swap3A_699] {strides = array<i32>} : memref<48x144xf32, #tpu.memory_space<vmem>>, vector<16xf32>,
        tpu.vector_store %arg15[%swap3A_698, %swap3A_699], %mul3A_697 {strides = array<i32>} : memref<48x144xf32, #tpu.memory_space<vmem>>, vector<16xf32>,
        %slice3A_701 = vector.extract_strided_slice %select_n3A_690 {offsets = [1], sizes = [1], strides = [1]} : vector<16xf32> to vector<1xf32>
        %squeeze3A_702 = vector.extract %slice3A_701[0] : f32 from vector<1xf32>
        %get3A_703 = arith.index_cast %add3A_519 : i32 to index
        %get3A_704 = arith.constant 16 : index
        %get3A_705 = tpu.vector_load %arg15[%get3A_703, %get3A_704] {strides = array<i32>} : memref<48x144xf32, #tpu.memory_space<vmem>>, vector<16xf32>,
        %mul3A_706 = vector.broadcast %squeeze3A_702 : f32 to vector<16xf32>
        %mul3A_707 = arith.mulf %get3A_705, %mul3A_706 : vector<16xf32>
        %swap3A_708 = arith.index_cast %add3A_519 : i32 to index
        %swap3A_709 = arith.constant 16 : index
        %swap3A_710 = tpu.vector_load %arg15[%swap3A_708, %swap3A_709] {strides = array<i32>} : memref<48x144xf32, #tpu.memory_space<vmem>>, vector<16xf32>,
        tpu.vector_store %arg15[%swap3A_708, %swap3A_709], %mul3A_707 {strides = array<i32>} : memref<48x144xf32, #tpu.memory_space<vmem>>, vector<16xf32>,
        %slice3A_711 = vector.extract_strided_slice %select_n3A_690 {offsets = [2], sizes = [1], strides = [1]} : vector<16xf32> to vector<1xf32>
        %squeeze3A_712 = vector.extract %slice3A_711[0] : f32 from vector<1xf32>
        %get3A_713 = arith.index_cast %add3A_519 : i32 to index
        %get3A_714 = arith.constant 32 : index
        %get3A_715 = tpu.vector_load %arg15[%get3A_713, %get3A_714] {strides = array<i32>} : memref<48x144xf32, #tpu.memory_space<vmem>>, vector<16xf32>,
        %mul3A_716 = vector.broadcast %squeeze3A_712 : f32 to vector<16xf32>
        %mul3A_717 = arith.mulf %get3A_715, %mul3A_716 : vector<16xf32>
        %swap3A_718 = arith.index_cast %add3A_519 : i32 to index
        %swap3A_719 = arith.constant 32 : index
        %swap3A_720 = tpu.vector_load %arg15[%swap3A_718, %swap3A_719] {strides = array<i32>} : memref<48x144xf32, #tpu.memory_space<vmem>>, vector<16xf32>,
        tpu.vector_store %arg15[%swap3A_718, %swap3A_719], %mul3A_717 {strides = array<i32>} : memref<48x144xf32, #tpu.memory_space<vmem>>, vector<16xf32>,
        %slice3A_721 = vector.extract_strided_slice %select_n3A_690 {offsets = [3], sizes = [1], strides = [1]} : vector<16xf32> to vector<1xf32>
        %squeeze3A_722 = vector.extract %slice3A_721[0] : f32 from vector<1xf32>
        %get3A_723 = arith.index_cast %add3A_519 : i32 to index
        %get3A_724 = arith.constant 48 : index
        %get3A_725 = tpu.vector_load %arg15[%get3A_723, %get3A_724] {strides = array<i32>} : memref<48x144xf32, #tpu.memory_space<vmem>>, vector<16xf32>,
        %mul3A_726 = vector.broadcast %squeeze3A_722 : f32 to vector<16xf32>
        %mul3A_727 = arith.mulf %get3A_725, %mul3A_726 : vector<16xf32>
        %swap3A_728 = arith.index_cast %add3A_519 : i32 to index
        %swap3A_729 = arith.constant 48 : index
        %swap3A_730 = tpu.vector_load %arg15[%swap3A_728, %swap3A_729] {strides = array<i32>} : memref<48x144xf32, #tpu.memory_space<vmem>>, vector<16xf32>,
        tpu.vector_store %arg15[%swap3A_728, %swap3A_729], %mul3A_727 {strides = array<i32>} : memref<48x144xf32, #tpu.memory_space<vmem>>, vector<16xf32>,
        %slice3A_731 = vector.extract_strided_slice %select_n3A_690 {offsets = [4], sizes = [1], strides = [1]} : vector<16xf32> to vector<1xf32>
        %squeeze3A_732 = vector.extract %slice3A_731[0] : f32 from vector<1xf32>
        %get3A_733 = arith.index_cast %add3A_519 : i32 to index
        %get3A_734 = arith.constant 64 : index
        %get3A_735 = tpu.vector_load %arg15[%get3A_733, %get3A_734] {strides = array<i32>} : memref<48x144xf32, #tpu.memory_space<vmem>>, vector<16xf32>,
        %mul3A_736 = vector.broadcast %squeeze3A_732 : f32 to vector<16xf32>
        %mul3A_737 = arith.mulf %get3A_735, %mul3A_736 : vector<16xf32>
        %swap3A_738 = arith.index_cast %add3A_519 : i32 to index
        %swap3A_739 = arith.constant 64 : index
        %swap3A_740 = tpu.vector_load %arg15[%swap3A_738, %swap3A_739] {strides = array<i32>} : memref<48x144xf32, #tpu.memory_space<vmem>>, vector<16xf32>,
        tpu.vector_store %arg15[%swap3A_738, %swap3A_739], %mul3A_737 {strides = array<i32>} : memref<48x144xf32, #tpu.memory_space<vmem>>, vector<16xf32>,
        %slice3A_741 = vector.extract_strided_slice %select_n3A_690 {offsets = [5], sizes = [1], strides = [1]} : vector<16xf32> to vector<1xf32>
        %squeeze3A_742 = vector.extract %slice3A_741[0] : f32 from vector<1xf32>
        %get3A_743 = arith.index_cast %add3A_519 : i32 to index
        %get3A_744 = arith.constant 80 : index
        %get3A_745 = tpu.vector_load %arg15[%get3A_743, %get3A_744] {strides = array<i32>} : memref<48x144xf32, #tpu.memory_space<vmem>>, vector<16xf32>,
        %mul3A_746 = vector.broadcast %squeeze3A_742 : f32 to vector<16xf32>
        %mul3A_747 = arith.mulf %get3A_745, %mul3A_746 : vector<16xf32>
        %swap3A_748 = arith.index_cast %add3A_519 : i32 to index
        %swap3A_749 = arith.constant 80 : index
        %swap3A_750 = tpu.vector_load %arg15[%swap3A_748, %swap3A_749] {strides = array<i32>} : memref<48x144xf32, #tpu.memory_space<vmem>>, vector<16xf32>,
        tpu.vector_store %arg15[%swap3A_748, %swap3A_749], %mul3A_747 {strides = array<i32>} : memref<48x144xf32, #tpu.memory_space<vmem>>, vector<16xf32>,
        %slice3A_751 = vector.extract_strided_slice %select_n3A_690 {offsets = [6], sizes = [1], strides = [1]} : vector<16xf32> to vector<1xf32>
        %squeeze3A_752 = vector.extract %slice3A_751[0] : f32 from vector<1xf32>
        %get3A_753 = arith.index_cast %add3A_519 : i32 to index
        %get3A_754 = arith.constant 96 : index
        %get3A_755 = tpu.vector_load %arg15[%get3A_753, %get3A_754] {strides = array<i32>} : memref<48x144xf32, #tpu.memory_space<vmem>>, vector<16xf32>,
        %mul3A_756 = vector.broadcast %squeeze3A_752 : f32 to vector<16xf32>
        %mul3A_757 = arith.mulf %get3A_755, %mul3A_756 : vector<16xf32>
        %swap3A_758 = arith.index_cast %add3A_519 : i32 to index
        %swap3A_759 = arith.constant 96 : index
        %swap3A_760 = tpu.vector_load %arg15[%swap3A_758, %swap3A_759] {strides = array<i32>} : memref<48x144xf32, #tpu.memory_space<vmem>>, vector<16xf32>,
        tpu.vector_store %arg15[%swap3A_758, %swap3A_759], %mul3A_757 {strides = array<i32>} : memref<48x144xf32, #tpu.memory_space<vmem>>, vector<16xf32>,
        %slice3A_761 = vector.extract_strided_slice %select_n3A_690 {offsets = [7], sizes = [1], strides = [1]} : vector<16xf32> to vector<1xf32>
        %squeeze3A_762 = vector.extract %slice3A_761[0] : f32 from vector<1xf32>
        %get3A_763 = arith.index_cast %add3A_519 : i32 to index
        %get3A_764 = arith.constant 112 : index
        %get3A_765 = tpu.vector_load %arg15[%get3A_763, %get3A_764] {strides = array<i32>} : memref<48x144xf32, #tpu.memory_space<vmem>>, vector<16xf32>,
        %mul3A_766 = vector.broadcast %squeeze3A_762 : f32 to vector<16xf32>
        %mul3A_767 = arith.mulf %get3A_765, %mul3A_766 : vector<16xf32>
        %swap3A_768 = arith.index_cast %add3A_519 : i32 to index
        %swap3A_769 = arith.constant 112 : index
        %swap3A_770 = tpu.vector_load %arg15[%swap3A_768, %swap3A_769] {strides = array<i32>} : memref<48x144xf32, #tpu.memory_space<vmem>>, vector<16xf32>,
        tpu.vector_store %arg15[%swap3A_768, %swap3A_769], %mul3A_767 {strides = array<i32>} : memref<48x144xf32, #tpu.memory_space<vmem>>, vector<16xf32>,
        %mul3A_771 = arith.constant 2 : i32
        %mul3A_772 = arith.muli %scan3A_514, %mul3A_771 : i32
        %add3A_773 = arith.constant 1 : i32
        %add3A_774 = arith.addi %mul3A_772, %add3A_773 : i32
        %get3A_775 = arith.index_cast %add3A_774 : i32 to index
        %get3A_776 = arith.constant 0 : index
        %get3A_777 = tpu.vector_load %arg11[%get3A_775, %get3A_776] {strides = array<i32>} : memref<48x128xf32, #tpu.memory_space<vmem>>, vector<16xf32>,
        %get3A_778 = arith.index_cast %add3A_774 : i32 to index
        %get3A_779 = arith.constant 0 : index
        %get3A_780 = tpu.vector_load %arg13[%get3A_778, %get3A_779] {strides = array<i32>} : memref<48x128xf32, #tpu.memory_space<vmem>>, vector<16xf32>,
        %sub3A_781 = arith.subf %get3A_777, %get3A_780 : vector<16xf32>
        %max3A_782 = arith.constant 0.000000e+00 : f32
        %max3A_783 = vector.broadcast %max3A_782 : f32 to vector<16xf32>
        %max3A_784 = arith.maximumf %sub3A_781, %max3A_783 : vector<16xf32>
        %mul3A_785 = arith.mulf %max3A_784, %get3A_22 : vector<16xf32>
        %get3A_786 = arith.index_cast %add3A_774 : i32 to index
        %get3A_787 = arith.constant 16 : index
        %get3A_788 = tpu.vector_load %arg11[%get3A_786, %get3A_787] {strides = array<i32>} : memref<48x128xf32, #tpu.memory_space<vmem>>, vector<16xf32>,
        %get3A_789 = arith.index_cast %add3A_774 : i32 to index
        %get3A_790 = arith.constant 16 : index
        %get3A_791 = tpu.vector_load %arg13[%get3A_789, %get3A_790] {strides = array<i32>} : memref<48x128xf32, #tpu.memory_space<vmem>>, vector<16xf32>,
        %sub3A_792 = arith.subf %get3A_788, %get3A_791 : vector<16xf32>
        %max3A_793 = arith.constant 0.000000e+00 : f32
        %max3A_794 = vector.broadcast %max3A_793 : f32 to vector<16xf32>
        %max3A_795 = arith.maximumf %sub3A_792, %max3A_794 : vector<16xf32>
        %mul3A_796 = arith.mulf %max3A_795, %get3A_22 : vector<16xf32>
        %get3A_797 = arith.index_cast %add3A_774 : i32 to index
        %get3A_798 = arith.constant 32 : index
        %get3A_799 = tpu.vector_load %arg11[%get3A_797, %get3A_798] {strides = array<i32>} : memref<48x128xf32, #tpu.memory_space<vmem>>, vector<16xf32>,
        %get3A_800 = arith.index_cast %add3A_774 : i32 to index
        %get3A_801 = arith.constant 32 : index
        %get3A_802 = tpu.vector_load %arg13[%get3A_800, %get3A_801] {strides = array<i32>} : memref<48x128xf32, #tpu.memory_space<vmem>>, vector<16xf32>,
        %sub3A_803 = arith.subf %get3A_799, %get3A_802 : vector<16xf32>
        %max3A_804 = arith.constant 0.000000e+00 : f32
        %max3A_805 = vector.broadcast %max3A_804 : f32 to vector<16xf32>
        %max3A_806 = arith.maximumf %sub3A_803, %max3A_805 : vector<16xf32>
        %mul3A_807 = arith.mulf %max3A_806, %get3A_22 : vector<16xf32>
        %get3A_808 = arith.index_cast %add3A_774 : i32 to index
        %get3A_809 = arith.constant 48 : index
        %get3A_810 = tpu.vector_load %arg11[%get3A_808, %get3A_809] {strides = array<i32>} : memref<48x128xf32, #tpu.memory_space<vmem>>, vector<16xf32>,
        %get3A_811 = arith.index_cast %add3A_774 : i32 to index
        %get3A_812 = arith.constant 48 : index
        %get3A_813 = tpu.vector_load %arg13[%get3A_811, %get3A_812] {strides = array<i32>} : memref<48x128xf32, #tpu.memory_space<vmem>>, vector<16xf32>,
        %sub3A_814 = arith.subf %get3A_810, %get3A_813 : vector<16xf32>
        %max3A_815 = arith.constant 0.000000e+00 : f32
        %max3A_816 = vector.broadcast %max3A_815 : f32 to vector<16xf32>
        %max3A_817 = arith.maximumf %sub3A_814, %max3A_816 : vector<16xf32>
        %mul3A_818 = arith.mulf %max3A_817, %get3A_22 : vector<16xf32>
        %get3A_819 = arith.index_cast %add3A_774 : i32 to index
        %get3A_820 = arith.constant 64 : index
        %get3A_821 = tpu.vector_load %arg11[%get3A_819, %get3A_820] {strides = array<i32>} : memref<48x128xf32, #tpu.memory_space<vmem>>, vector<16xf32>,
        %get3A_822 = arith.index_cast %add3A_774 : i32 to index
        %get3A_823 = arith.constant 64 : index
        %get3A_824 = tpu.vector_load %arg13[%get3A_822, %get3A_823] {strides = array<i32>} : memref<48x128xf32, #tpu.memory_space<vmem>>, vector<16xf32>,
        %sub3A_825 = arith.subf %get3A_821, %get3A_824 : vector<16xf32>
        %max3A_826 = arith.constant 0.000000e+00 : f32
        %max3A_827 = vector.broadcast %max3A_826 : f32 to vector<16xf32>
        %max3A_828 = arith.maximumf %sub3A_825, %max3A_827 : vector<16xf32>
        %mul3A_829 = arith.mulf %max3A_828, %get3A_22 : vector<16xf32>
        %get3A_830 = arith.index_cast %add3A_774 : i32 to index
        %get3A_831 = arith.constant 80 : index
        %get3A_832 = tpu.vector_load %arg11[%get3A_830, %get3A_831] {strides = array<i32>} : memref<48x128xf32, #tpu.memory_space<vmem>>, vector<16xf32>,
        %get3A_833 = arith.index_cast %add3A_774 : i32 to index
        %get3A_834 = arith.constant 80 : index
        %get3A_835 = tpu.vector_load %arg13[%get3A_833, %get3A_834] {strides = array<i32>} : memref<48x128xf32, #tpu.memory_space<vmem>>, vector<16xf32>,
        %sub3A_836 = arith.subf %get3A_832, %get3A_835 : vector<16xf32>
        %max3A_837 = arith.constant 0.000000e+00 : f32
        %max3A_838 = vector.broadcast %max3A_837 : f32 to vector<16xf32>
        %max3A_839 = arith.maximumf %sub3A_836, %max3A_838 : vector<16xf32>
        %mul3A_840 = arith.mulf %max3A_839, %get3A_22 : vector<16xf32>
        %get3A_841 = arith.index_cast %add3A_774 : i32 to index
        %get3A_842 = arith.constant 96 : index
        %get3A_843 = tpu.vector_load %arg11[%get3A_841, %get3A_842] {strides = array<i32>} : memref<48x128xf32, #tpu.memory_space<vmem>>, vector<16xf32>,
        %get3A_844 = arith.index_cast %add3A_774 : i32 to index
        %get3A_845 = arith.constant 96 : index
        %get3A_846 = tpu.vector_load %arg13[%get3A_844, %get3A_845] {strides = array<i32>} : memref<48x128xf32, #tpu.memory_space<vmem>>, vector<16xf32>,
        %sub3A_847 = arith.subf %get3A_843, %get3A_846 : vector<16xf32>
        %max3A_848 = arith.constant 0.000000e+00 : f32
        %max3A_849 = vector.broadcast %max3A_848 : f32 to vector<16xf32>
        %max3A_850 = arith.maximumf %sub3A_847, %max3A_849 : vector<16xf32>
        %mul3A_851 = arith.mulf %max3A_850, %get3A_22 : vector<16xf32>
        %get3A_852 = arith.index_cast %add3A_774 : i32 to index
        %get3A_853 = arith.constant 112 : index
        %get3A_854 = tpu.vector_load %arg11[%get3A_852, %get3A_853] {strides = array<i32>} : memref<48x128xf32, #tpu.memory_space<vmem>>, vector<16xf32>,
        %get3A_855 = arith.index_cast %add3A_774 : i32 to index
        %get3A_856 = arith.constant 112 : index
        %get3A_857 = tpu.vector_load %arg13[%get3A_855, %get3A_856] {strides = array<i32>} : memref<48x128xf32, #tpu.memory_space<vmem>>, vector<16xf32>,
        %sub3A_858 = arith.subf %get3A_854, %get3A_857 : vector<16xf32>
        %max3A_859 = arith.constant 0.000000e+00 : f32
        %max3A_860 = vector.broadcast %max3A_859 : f32 to vector<16xf32>
        %max3A_861 = arith.maximumf %sub3A_858, %max3A_860 : vector<16xf32>
        %mul3A_862 = arith.mulf %max3A_861, %get3A_22 : vector<16xf32>
        %reduce_sum3A_863 = arith.constant true
        %reduce_sum3A_864 = vector.broadcast %reduce_sum3A_863 : i1 to vector<16xi1>
        %reduce_sum3A_865 = tpu.scan <sum>, %mul3A_785 masked %reduce_sum3A_864 : vector<16xf32>, vector<16xi1> -> vector<16xf32>
        %reduce_sum3A_866 = vector.extract %reduce_sum3A_865[15] : f32 from vector<16xf32>
        %reduce_sum3A_867 = arith.constant true
        %reduce_sum3A_868 = vector.broadcast %reduce_sum3A_867 : i1 to vector<16xi1>
        %reduce_sum3A_869 = tpu.scan <sum>, %mul3A_796 masked %reduce_sum3A_868 : vector<16xf32>, vector<16xi1> -> vector<16xf32>
        %reduce_sum3A_870 = vector.extract %reduce_sum3A_869[15] : f32 from vector<16xf32>
        %reduce_sum3A_871 = arith.constant true
        %reduce_sum3A_872 = vector.broadcast %reduce_sum3A_871 : i1 to vector<16xi1>
        %reduce_sum3A_873 = tpu.scan <sum>, %mul3A_807 masked %reduce_sum3A_872 : vector<16xf32>, vector<16xi1> -> vector<16xf32>
        %reduce_sum3A_874 = vector.extract %reduce_sum3A_873[15] : f32 from vector<16xf32>
        %reduce_sum3A_875 = arith.constant true
        %reduce_sum3A_876 = vector.broadcast %reduce_sum3A_875 : i1 to vector<16xi1>
        %reduce_sum3A_877 = tpu.scan <sum>, %mul3A_818 masked %reduce_sum3A_876 : vector<16xf32>, vector<16xi1> -> vector<16xf32>
        %reduce_sum3A_878 = vector.extract %reduce_sum3A_877[15] : f32 from vector<16xf32>
        %reduce_sum3A_879 = arith.constant true
        %reduce_sum3A_880 = vector.broadcast %reduce_sum3A_879 : i1 to vector<16xi1>
        %reduce_sum3A_881 = tpu.scan <sum>, %mul3A_829 masked %reduce_sum3A_880 : vector<16xf32>, vector<16xi1> -> vector<16xf32>
        %reduce_sum3A_882 = vector.extract %reduce_sum3A_881[15] : f32 from vector<16xf32>
        %reduce_sum3A_883 = arith.constant true
        %reduce_sum3A_884 = vector.broadcast %reduce_sum3A_883 : i1 to vector<16xi1>
        %reduce_sum3A_885 = tpu.scan <sum>, %mul3A_840 masked %reduce_sum3A_884 : vector<16xf32>, vector<16xi1> -> vector<16xf32>
        %reduce_sum3A_886 = vector.extract %reduce_sum3A_885[15] : f32 from vector<16xf32>
        %reduce_sum3A_887 = arith.constant true
        %reduce_sum3A_888 = vector.broadcast %reduce_sum3A_887 : i1 to vector<16xi1>
        %reduce_sum3A_889 = tpu.scan <sum>, %mul3A_851 masked %reduce_sum3A_888 : vector<16xf32>, vector<16xi1> -> vector<16xf32>
        %reduce_sum3A_890 = vector.extract %reduce_sum3A_889[15] : f32 from vector<16xf32>
        %reduce_sum3A_891 = arith.constant true
        %reduce_sum3A_892 = vector.broadcast %reduce_sum3A_891 : i1 to vector<16xi1>
        %reduce_sum3A_893 = tpu.scan <sum>, %mul3A_862 masked %reduce_sum3A_892 : vector<16xf32>, vector<16xi1> -> vector<16xf32>
        %reduce_sum3A_894 = vector.extract %reduce_sum3A_893[15] : f32 from vector<16xf32>
        %broadcast_in_dim3A_895 = arith.constant 0.000000e+00 : f32
        %broadcast_in_dim3A_896 = vector.broadcast %broadcast_in_dim3A_895 : f32 to vector<16xf32>
        %eq3A_897 = arith.constant 0 : i32
        %eq3A_898 = vector.broadcast %eq3A_897 : i32 to vector<16xi32>
        %eq3A_899 = arith.cmpi eq, %iota3A, %eq3A_898 : vector<16xi32>
        %broadcast_in_dim3A_900 = vector.broadcast %reduce_sum3A_866 : f32 to vector<16xf32>
        %select_n3A_901 = arith.select %eq3A_899, %broadcast_in_dim3A_900, %broadcast_in_dim3A_896 : vector<16xi1>, vector<16xf32>
        %eq3A_902 = arith.constant 1 : i32
        %eq3A_903 = vector.broadcast %eq3A_902 : i32 to vector<16xi32>
        %eq3A_904 = arith.cmpi eq, %iota3A, %eq3A_903 : vector<16xi32>
        %broadcast_in_dim3A_905 = vector.broadcast %reduce_sum3A_870 : f32 to vector<16xf32>
        %select_n3A_906 = arith.select %eq3A_904, %broadcast_in_dim3A_905, %select_n3A_901 : vector<16xi1>, vector<16xf32>
        %eq3A_907 = arith.constant 2 : i32
        %eq3A_908 = vector.broadcast %eq3A_907 : i32 to vector<16xi32>
        %eq3A_909 = arith.cmpi eq, %iota3A, %eq3A_908 : vector<16xi32>
        %broadcast_in_dim3A_910 = vector.broadcast %reduce_sum3A_874 : f32 to vector<16xf32>
        %select_n3A_911 = arith.select %eq3A_909, %broadcast_in_dim3A_910, %select_n3A_906 : vector<16xi1>, vector<16xf32>
        %eq3A_912 = arith.constant 3 : i32
        %eq3A_913 = vector.broadcast %eq3A_912 : i32 to vector<16xi32>
        %eq3A_914 = arith.cmpi eq, %iota3A, %eq3A_913 : vector<16xi32>
        %broadcast_in_dim3A_915 = vector.broadcast %reduce_sum3A_878 : f32 to vector<16xf32>
        %select_n3A_916 = arith.select %eq3A_914, %broadcast_in_dim3A_915, %select_n3A_911 : vector<16xi1>, vector<16xf32>
        %eq3A_917 = arith.constant 4 : i32
        %eq3A_918 = vector.broadcast %eq3A_917 : i32 to vector<16xi32>
        %eq3A_919 = arith.cmpi eq, %iota3A, %eq3A_918 : vector<16xi32>
        %broadcast_in_dim3A_920 = vector.broadcast %reduce_sum3A_882 : f32 to vector<16xf32>
        %select_n3A_921 = arith.select %eq3A_919, %broadcast_in_dim3A_920, %select_n3A_916 : vector<16xi1>, vector<16xf32>
        %eq3A_922 = arith.constant 5 : i32
        %eq3A_923 = vector.broadcast %eq3A_922 : i32 to vector<16xi32>
        %eq3A_924 = arith.cmpi eq, %iota3A, %eq3A_923 : vector<16xi32>
        %broadcast_in_dim3A_925 = vector.broadcast %reduce_sum3A_886 : f32 to vector<16xf32>
        %select_n3A_926 = arith.select %eq3A_924, %broadcast_in_dim3A_925, %select_n3A_921 : vector<16xi1>, vector<16xf32>
        %eq3A_927 = arith.constant 6 : i32
        %eq3A_928 = vector.broadcast %eq3A_927 : i32 to vector<16xi32>
        %eq3A_929 = arith.cmpi eq, %iota3A, %eq3A_928 : vector<16xi32>
        %broadcast_in_dim3A_930 = vector.broadcast %reduce_sum3A_890 : f32 to vector<16xf32>
        %select_n3A_931 = arith.select %eq3A_929, %broadcast_in_dim3A_930, %select_n3A_926 : vector<16xi1>, vector<16xf32>
        %eq3A_932 = arith.constant 7 : i32
        %eq3A_933 = vector.broadcast %eq3A_932 : i32 to vector<16xi32>
        %eq3A_934 = arith.cmpi eq, %iota3A, %eq3A_933 : vector<16xi32>
        %broadcast_in_dim3A_935 = vector.broadcast %reduce_sum3A_894 : f32 to vector<16xf32>
        %select_n3A_936 = arith.select %eq3A_934, %broadcast_in_dim3A_935, %select_n3A_931 : vector<16xi1>, vector<16xf32>
        %add3A_937 = arith.addf %select_n3A_936, %get3A_24 : vector<16xf32>
        %max3A_938 = arith.constant -5.000000e+00 : f32
        %max3A_939 = vector.broadcast %max3A_938 : f32 to vector<16xf32>
        %max3A_940 = arith.maximumf %add3A_937, %max3A_939 : vector<16xf32>
        %min3A_941 = arith.constant 5.000000e+00 : f32
        %min3A_942 = vector.broadcast %min3A_941 : f32 to vector<16xf32>
        %min3A_943 = arith.minimumf %max3A_940, %min3A_942 : vector<16xf32>
        %exp3A_944 = math.exp %min3A_943 : vector<16xf32>
        %lt3A_945 = arith.constant 8 : i32
        %lt3A_946 = vector.broadcast %lt3A_945 : i32 to vector<16xi32>
        %lt3A_947 = arith.cmpi slt, %iota3A, %lt3A_946 : vector<16xi32>
        %jit3A_948 = arith.constant 0.000000e+00 : f32
        %broadcast_in_dim3A_949 = vector.broadcast %jit3A_948 : f32 to vector<16xf32>
        %select_n3A_950 = arith.select %lt3A_947, %exp3A_944, %broadcast_in_dim3A_949 : vector<16xi1>, vector<16xf32>
        %swap3A_951 = arith.index_cast %add3A_774 : i32 to index
        %swap3A_952 = arith.constant 128 : index
        %swap3A_953 = tpu.vector_load %arg15[%swap3A_951, %swap3A_952] {strides = array<i32>} : memref<48x144xf32, #tpu.memory_space<vmem>>, vector<16xf32>,
        tpu.vector_store %arg15[%swap3A_951, %swap3A_952], %select_n3A_950 {strides = array<i32>} : memref<48x144xf32, #tpu.memory_space<vmem>>, vector<16xf32>,
        %slice3A_954 = vector.extract_strided_slice %select_n3A_950 {offsets = [0], sizes = [1], strides = [1]} : vector<16xf32> to vector<1xf32>
        %squeeze3A_955 = vector.extract %slice3A_954[0] : f32 from vector<1xf32>
        %get3A_956 = arith.index_cast %add3A_774 : i32 to index
        %get3A_957 = arith.constant 0 : index
        %get3A_958 = tpu.vector_load %arg15[%get3A_956, %get3A_957] {strides = array<i32>} : memref<48x144xf32, #tpu.memory_space<vmem>>, vector<16xf32>,
        %mul3A_959 = vector.broadcast %squeeze3A_955 : f32 to vector<16xf32>
        %mul3A_960 = arith.mulf %get3A_958, %mul3A_959 : vector<16xf32>
        %swap3A_961 = arith.index_cast %add3A_774 : i32 to index
        %swap3A_962 = arith.constant 0 : index
        %swap3A_963 = tpu.vector_load %arg15[%swap3A_961, %swap3A_962] {strides = array<i32>} : memref<48x144xf32, #tpu.memory_space<vmem>>, vector<16xf32>,
        tpu.vector_store %arg15[%swap3A_961, %swap3A_962], %mul3A_960 {strides = array<i32>} : memref<48x144xf32, #tpu.memory_space<vmem>>, vector<16xf32>,
        %slice3A_964 = vector.extract_strided_slice %select_n3A_950 {offsets = [1], sizes = [1], strides = [1]} : vector<16xf32> to vector<1xf32>
        %squeeze3A_965 = vector.extract %slice3A_964[0] : f32 from vector<1xf32>
        %get3A_966 = arith.index_cast %add3A_774 : i32 to index
        %get3A_967 = arith.constant 16 : index
        %get3A_968 = tpu.vector_load %arg15[%get3A_966, %get3A_967] {strides = array<i32>} : memref<48x144xf32, #tpu.memory_space<vmem>>, vector<16xf32>,
        %mul3A_969 = vector.broadcast %squeeze3A_965 : f32 to vector<16xf32>
        %mul3A_970 = arith.mulf %get3A_968, %mul3A_969 : vector<16xf32>
        %swap3A_971 = arith.index_cast %add3A_774 : i32 to index
        %swap3A_972 = arith.constant 16 : index
        %swap3A_973 = tpu.vector_load %arg15[%swap3A_971, %swap3A_972] {strides = array<i32>} : memref<48x144xf32, #tpu.memory_space<vmem>>, vector<16xf32>,
        tpu.vector_store %arg15[%swap3A_971, %swap3A_972], %mul3A_970 {strides = array<i32>} : memref<48x144xf32, #tpu.memory_space<vmem>>, vector<16xf32>,
        %slice3A_974 = vector.extract_strided_slice %select_n3A_950 {offsets = [2], sizes = [1], strides = [1]} : vector<16xf32> to vector<1xf32>
        %squeeze3A_975 = vector.extract %slice3A_974[0] : f32 from vector<1xf32>
        %get3A_976 = arith.index_cast %add3A_774 : i32 to index
        %get3A_977 = arith.constant 32 : index
        %get3A_978 = tpu.vector_load %arg15[%get3A_976, %get3A_977] {strides = array<i32>} : memref<48x144xf32, #tpu.memory_space<vmem>>, vector<16xf32>,
        %mul3A_979 = vector.broadcast %squeeze3A_975 : f32 to vector<16xf32>
        %mul3A_980 = arith.mulf %get3A_978, %mul3A_979 : vector<16xf32>
        %swap3A_981 = arith.index_cast %add3A_774 : i32 to index
        %swap3A_982 = arith.constant 32 : index
        %swap3A_983 = tpu.vector_load %arg15[%swap3A_981, %swap3A_982] {strides = array<i32>} : memref<48x144xf32, #tpu.memory_space<vmem>>, vector<16xf32>,
        tpu.vector_store %arg15[%swap3A_981, %swap3A_982], %mul3A_980 {strides = array<i32>} : memref<48x144xf32, #tpu.memory_space<vmem>>, vector<16xf32>,
        %slice3A_984 = vector.extract_strided_slice %select_n3A_950 {offsets = [3], sizes = [1], strides = [1]} : vector<16xf32> to vector<1xf32>
        %squeeze3A_985 = vector.extract %slice3A_984[0] : f32 from vector<1xf32>
        %get3A_986 = arith.index_cast %add3A_774 : i32 to index
        %get3A_987 = arith.constant 48 : index
        %get3A_988 = tpu.vector_load %arg15[%get3A_986, %get3A_987] {strides = array<i32>} : memref<48x144xf32, #tpu.memory_space<vmem>>, vector<16xf32>,
        %mul3A_989 = vector.broadcast %squeeze3A_985 : f32 to vector<16xf32>
        %mul3A_990 = arith.mulf %get3A_988, %mul3A_989 : vector<16xf32>
        %swap3A_991 = arith.index_cast %add3A_774 : i32 to index
        %swap3A_992 = arith.constant 48 : index
        %swap3A_993 = tpu.vector_load %arg15[%swap3A_991, %swap3A_992] {strides = array<i32>} : memref<48x144xf32, #tpu.memory_space<vmem>>, vector<16xf32>,
        tpu.vector_store %arg15[%swap3A_991, %swap3A_992], %mul3A_990 {strides = array<i32>} : memref<48x144xf32, #tpu.memory_space<vmem>>, vector<16xf32>,
        %slice3A_994 = vector.extract_strided_slice %select_n3A_950 {offsets = [4], sizes = [1], strides = [1]} : vector<16xf32> to vector<1xf32>
        %squeeze3A_995 = vector.extract %slice3A_994[0] : f32 from vector<1xf32>
        %get3A_996 = arith.index_cast %add3A_774 : i32 to index
        %get3A_997 = arith.constant 64 : index
        %get3A_998 = tpu.vector_load %arg15[%get3A_996, %get3A_997] {strides = array<i32>} : memref<48x144xf32, #tpu.memory_space<vmem>>, vector<16xf32>,
        %mul3A_999 = vector.broadcast %squeeze3A_995 : f32 to vector<16xf32>
        %mul3A_1000 = arith.mulf %get3A_998, %mul3A_999 : vector<16xf32>
        %swap3A_1001 = arith.index_cast %add3A_774 : i32 to index
        %swap3A_1002 = arith.constant 64 : index
        %swap3A_1003 = tpu.vector_load %arg15[%swap3A_1001, %swap3A_1002] {strides = array<i32>} : memref<48x144xf32, #tpu.memory_space<vmem>>, vector<16xf32>,
        tpu.vector_store %arg15[%swap3A_1001, %swap3A_1002], %mul3A_1000 {strides = array<i32>} : memref<48x144xf32, #tpu.memory_space<vmem>>, vector<16xf32>,
        %slice3A_1004 = vector.extract_strided_slice %select_n3A_950 {offsets = [5], sizes = [1], strides = [1]} : vector<16xf32> to vector<1xf32>
        %squeeze3A_1005 = vector.extract %slice3A_1004[0] : f32 from vector<1xf32>
        %get3A_1006 = arith.index_cast %add3A_774 : i32 to index
        %get3A_1007 = arith.constant 80 : index
        %get3A_1008 = tpu.vector_load %arg15[%get3A_1006, %get3A_1007] {strides = array<i32>} : memref<48x144xf32, #tpu.memory_space<vmem>>, vector<16xf32>,
        %mul3A_1009 = vector.broadcast %squeeze3A_1005 : f32 to vector<16xf32>
        %mul3A_1010 = arith.mulf %get3A_1008, %mul3A_1009 : vector<16xf32>
        %swap3A_1011 = arith.index_cast %add3A_774 : i32 to index
        %swap3A_1012 = arith.constant 80 : index
        %swap3A_1013 = tpu.vector_load %arg15[%swap3A_1011, %swap3A_1012] {strides = array<i32>} : memref<48x144xf32, #tpu.memory_space<vmem>>, vector<16xf32>,
        tpu.vector_store %arg15[%swap3A_1011, %swap3A_1012], %mul3A_1010 {strides = array<i32>} : memref<48x144xf32, #tpu.memory_space<vmem>>, vector<16xf32>,
        %slice3A_1014 = vector.extract_strided_slice %select_n3A_950 {offsets = [6], sizes = [1], strides = [1]} : vector<16xf32> to vector<1xf32>
        %squeeze3A_1015 = vector.extract %slice3A_1014[0] : f32 from vector<1xf32>
        %get3A_1016 = arith.index_cast %add3A_774 : i32 to index
        %get3A_1017 = arith.constant 96 : index
        %get3A_1018 = tpu.vector_load %arg15[%get3A_1016, %get3A_1017] {strides = array<i32>} : memref<48x144xf32, #tpu.memory_space<vmem>>, vector<16xf32>,
        %mul3A_1019 = vector.broadcast %squeeze3A_1015 : f32 to vector<16xf32>
        %mul3A_1020 = arith.mulf %get3A_1018, %mul3A_1019 : vector<16xf32>
        %swap3A_1021 = arith.index_cast %add3A_774 : i32 to index
        %swap3A_1022 = arith.constant 96 : index
        %swap3A_1023 = tpu.vector_load %arg15[%swap3A_1021, %swap3A_1022] {strides = array<i32>} : memref<48x144xf32, #tpu.memory_space<vmem>>, vector<16xf32>,
        tpu.vector_store %arg15[%swap3A_1021, %swap3A_1022], %mul3A_1020 {strides = array<i32>} : memref<48x144xf32, #tpu.memory_space<vmem>>, vector<16xf32>,
        %slice3A_1024 = vector.extract_strided_slice %select_n3A_950 {offsets = [7], sizes = [1], strides = [1]} : vector<16xf32> to vector<1xf32>
        %squeeze3A_1025 = vector.extract %slice3A_1024[0] : f32 from vector<1xf32>
        %get3A_1026 = arith.index_cast %add3A_774 : i32 to index
        %get3A_1027 = arith.constant 112 : index
        %get3A_1028 = tpu.vector_load %arg15[%get3A_1026, %get3A_1027] {strides = array<i32>} : memref<48x144xf32, #tpu.memory_space<vmem>>, vector<16xf32>,
        %mul3A_1029 = vector.broadcast %squeeze3A_1025 : f32 to vector<16xf32>
        %mul3A_1030 = arith.mulf %get3A_1028, %mul3A_1029 : vector<16xf32>
        %swap3A_1031 = arith.index_cast %add3A_774 : i32 to index
        %swap3A_1032 = arith.constant 112 : index
        %swap3A_1033 = tpu.vector_load %arg15[%swap3A_1031, %swap3A_1032] {strides = array<i32>} : memref<48x144xf32, #tpu.memory_space<vmem>>, vector<16xf32>,
        tpu.vector_store %arg15[%swap3A_1031, %swap3A_1032], %mul3A_1030 {strides = array<i32>} : memref<48x144xf32, #tpu.memory_space<vmem>>, vector<16xf32>,
        %scan3A_1034 = arith.constant 0 : i32
        scf.yield %scan3A_1034 : i32
      }
      %scan3A_354 = arith.constant 24 : i32
      %add3A_355 = arith.constant 4 : i32
      %add3A_356 = arith.addi %add3A_355, %select_n3A_347 : i32
      %dma_start3A_357 = arith.constant 0 : i32
      %dma_start3A_358 = tpu.memref_slice %arg10[%add3A_356, %dma_start3A_357] : memref<8x48xi32, #tpu.memory_space<vmem>> -> memref<1x48xi32, #tpu.memory_space<vmem>>
      %dma_start3A_359 = tpu.memref_squeeze %dma_start3A_358 : memref<1x48xi32, #tpu.memory_space<vmem>> -> memref<48xi32, #tpu.memory_space<vmem>>
      %dma_start3A_360 = arith.constant 0 : i32
      %dma_start3A_361 = arith.constant 0 : i32
      %dma_start3A_362 = tpu.memref_slice %arg18[%dma_start3A_360, %dma_start3A_361] : memref<10008x144xf32, #tpu.memory_space<vmem_shared>> -> memref<10008x144xf32, #tpu.memory_space<vmem_shared>>
      tpu.enqueue_indirect_dma source(%arg15 : memref<48x144xf32, #tpu.memory_space<vmem>>) target(%dma_start3A_362 : memref<10008x144xf32, #tpu.memory_space<vmem_shared>>) offsets(%dma_start3A_359 : memref<48xi32, #tpu.memory_space<vmem>>) semaphore(%arg22 : memref<!tpu.dma_semaphore, #tpu.memory_space<semaphore_mem>>) {add = true}
      %add3A_363 = arith.constant 1 : i32
      %add3A_364 = arith.addi %mul3A_222, %add3A_363 : i32
      %dma_wait3A_365 = arith.constant 0 : i32
      %dma_wait3A_366 = arith.constant 0 : i32
      %dma_wait3A_367 = tpu.memref_slice %arg10[%dma_wait3A_365, %dma_wait3A_366] : memref<8x48xi32, #tpu.memory_space<vmem>> -> memref<1x48xi32, #tpu.memory_space<vmem>>
      %dma_wait3A_368 = tpu.memref_squeeze %dma_wait3A_367 : memref<1x48xi32, #tpu.memory_space<vmem>> -> memref<48xi32, #tpu.memory_space<vmem>>
      %dma_wait3A_369 = arith.constant 0 : i32
      %dma_wait3A_370 = arith.constant 0 : i32
      %dma_wait3A_371 = tpu.memref_slice %arg4[%dma_wait3A_369, %dma_wait3A_370] : memref<10000x128xf32, #tpu.memory_space<hbm>> -> memref<10000x128xf32, #tpu.memory_space<hbm>>
      tpu.wait_indirect_dma semaphore(%arg21 : memref<!tpu.dma_semaphore, #tpu.memory_space<semaphore_mem>>) src(%dma_wait3A_371 : memref<10000x128xf32, #tpu.memory_space<hbm>>) dst(%arg12 : memref<48x128xf32, #tpu.memory_space<vmem>>)
      %dma_wait3A_372 = arith.constant 4 : i32
      %dma_wait3A_373 = arith.constant 0 : i32
      %dma_wait3A_374 = tpu.memref_slice %arg10[%dma_wait3A_372, %dma_wait3A_373] : memref<8x48xi32, #tpu.memory_space<vmem>> -> memref<1x48xi32, #tpu.memory_space<vmem>>
      %dma_wait3A_375 = tpu.memref_squeeze %dma_wait3A_374 : memref<1x48xi32, #tpu.memory_space<vmem>> -> memref<48xi32, #tpu.memory_space<vmem>>
      %dma_wait3A_376 = arith.constant 0 : i32
      %dma_wait3A_377 = arith.constant 0 : i32
      %dma_wait3A_378 = tpu.memref_slice %arg6[%dma_wait3A_376, %dma_wait3A_377] : memref<10000x128xf32, #tpu.memory_space<hbm>> -> memref<10000x128xf32, #tpu.memory_space<hbm>>
      tpu.wait_indirect_dma semaphore(%arg21 : memref<!tpu.dma_semaphore, #tpu.memory_space<semaphore_mem>>) src(%dma_wait3A_378 : memref<10000x128xf32, #tpu.memory_space<hbm>>) dst(%arg14 : memref<48x128xf32, #tpu.memory_space<vmem>>)
      %dma_wait3A_379 = arith.constant 0 : i32
      %dma_wait3A_380 = arith.constant 0 : i32
      %dma_wait3A_381 = tpu.memref_slice %arg10[%dma_wait3A_379, %dma_wait3A_380] : memref<8x48xi32, #tpu.memory_space<vmem>> -> memref<1x48xi32, #tpu.memory_space<vmem>>
      %dma_wait3A_382 = tpu.memref_squeeze %dma_wait3A_381 : memref<1x48xi32, #tpu.memory_space<vmem>> -> memref<48xi32, #tpu.memory_space<vmem>>
      %dma_wait3A_383 = arith.constant 0 : i32
      %dma_wait3A_384 = arith.constant 0 : i32
      %dma_wait3A_385 = tpu.memref_slice %arg5[%dma_wait3A_383, %dma_wait3A_384] : memref<10000x144xf32, #tpu.memory_space<hbm>> -> memref<10000x144xf32, #tpu.memory_space<hbm>>
      tpu.wait_indirect_dma semaphore(%arg21 : memref<!tpu.dma_semaphore, #tpu.memory_space<semaphore_mem>>) src(%dma_wait3A_385 : memref<10000x144xf32, #tpu.memory_space<hbm>>) dst(%arg16 : memref<48x144xf32, #tpu.memory_space<vmem>>)
      %add3A_386 = arith.constant 1 : i32
      %add3A_387 = arith.addi %add3A_364, %add3A_386 : i32
      %jit3A_388 = arith.constant 4 : i32
      %eq3A_389 = arith.constant 0 : i32
      %eq3A_390 = arith.cmpi eq, %jit3A_388, %eq3A_389 : i32
      %jit3A_391 = arith.constant 1 : i32
      %select_n3A_392 = arith.select %eq3A_390, %jit3A_391, %jit3A_388 : i32
      %rem3A_393 = arith.remsi %add3A_387, %select_n3A_392 : i32
      %ne3A_394 = arith.constant 0 : i32
      %ne3A_395 = arith.cmpi ne, %rem3A_393, %ne3A_394 : i32
      %lt3A_396 = arith.constant 0 : i32
      %lt3A_397 = arith.cmpi slt, %rem3A_393, %lt3A_396 : i32
      %lt3A_398 = arith.constant 0 : i32
      %lt3A_399 = arith.cmpi slt, %select_n3A_392, %lt3A_398 : i32
      %ne3A_400 = arith.xori %lt3A_397, %lt3A_399 : i1
      %and3A_401 = arith.andi %ne3A_400, %ne3A_395 : i1
      %add3A_402 = arith.addi %rem3A_393, %select_n3A_392 : i32
      %select_n3A_403 = arith.select %and3A_401, %add3A_402, %rem3A_393 : i32
      %dma_wait3A_404 = arith.constant 0 : i32
      %dma_wait3A_405 = arith.constant 0 : i32
      %dma_wait3A_406 = tpu.memref_slice %arg10[%select_n3A_403, %dma_wait3A_405] : memref<8x48xi32, #tpu.memory_space<vmem>> -> memref<1x48xi32, #tpu.memory_space<vmem>>
      %dma_wait3A_407 = tpu.memref_squeeze %dma_wait3A_406 : memref<1x48xi32, #tpu.memory_space<vmem>> -> memref<48xi32, #tpu.memory_space<vmem>>
      %dma_wait3A_408 = arith.constant 0 : i32
      %dma_wait3A_409 = tpu.memref_slice %arg2[%dma_wait3A_404, %dma_wait3A_408] : memref<32x10032xi32, #tpu.memory_space<hbm>> -> memref<1x48xi32, #tpu.memory_space<hbm>>
      %dma_wait3A_410 = tpu.memref_squeeze %dma_wait3A_409 : memref<1x48xi32, #tpu.memory_space<hbm>> -> memref<48xi32, #tpu.memory_space<hbm>>
      %dma_wait3A_411 = arith.constant 0 : i32
      %dma_wait3A_412 = tpu.memref_slice %arg10[%select_n3A_403, %dma_wait3A_411] : memref<8x48xi32, #tpu.memory_space<vmem>> -> memref<1x48xi32, #tpu.memory_space<vmem>>
      %dma_wait3A_413 = tpu.memref_squeeze %dma_wait3A_412 : memref<1x48xi32, #tpu.memory_space<vmem>> -> memref<48xi32, #tpu.memory_space<vmem>>
      %dma_wait3A_414 = arith.constant 0 : i32
      %dma_wait3A_415 = tpu.memref_slice %arg2[%dma_wait3A_404, %dma_wait3A_414] : memref<32x10032xi32, #tpu.memory_space<hbm>> -> memref<1x48xi32, #tpu.memory_space<hbm>>
      %dma_wait3A_416 = tpu.memref_squeeze %dma_wait3A_415 : memref<1x48xi32, #tpu.memory_space<hbm>> -> memref<48xi32, #tpu.memory_space<hbm>>
      tpu.wait_dma2 semaphore(%arg19 : memref<!tpu.dma_semaphore, #tpu.memory_space<semaphore_mem>>) src(%dma_wait3A_416 : memref<48xi32, #tpu.memory_space<hbm>>) dst(%dma_wait3A_413 : memref<48xi32, #tpu.memory_space<vmem>>)
      %add3A_417 = arith.constant 4 : i32
      %add3A_418 = arith.addi %add3A_417, %select_n3A_403 : i32
      %dma_wait3A_419 = arith.constant 0 : i32
      %dma_wait3A_420 = arith.constant 0 : i32
      %dma_wait3A_421 = tpu.memref_slice %arg10[%add3A_418, %dma_wait3A_420] : memref<8x48xi32, #tpu.memory_space<vmem>> -> memref<1x48xi32, #tpu.memory_space<vmem>>
      %dma_wait3A_422 = tpu.memref_squeeze %dma_wait3A_421 : memref<1x48xi32, #tpu.memory_space<vmem>> -> memref<48xi32, #tpu.memory_space<vmem>>
      %dma_wait3A_423 = arith.constant 0 : i32
      %dma_wait3A_424 = tpu.memref_slice %arg2[%dma_wait3A_419, %dma_wait3A_423] : memref<32x10032xi32, #tpu.memory_space<hbm>> -> memref<1x48xi32, #tpu.memory_space<hbm>>
      %dma_wait3A_425 = tpu.memref_squeeze %dma_wait3A_424 : memref<1x48xi32, #tpu.memory_space<hbm>> -> memref<48xi32, #tpu.memory_space<hbm>>
      %dma_wait3A_426 = arith.constant 0 : i32
      %dma_wait3A_427 = tpu.memref_slice %arg10[%add3A_418, %dma_wait3A_426] : memref<8x48xi32, #tpu.memory_space<vmem>> -> memref<1x48xi32, #tpu.memory_space<vmem>>
      %dma_wait3A_428 = tpu.memref_squeeze %dma_wait3A_427 : memref<1x48xi32, #tpu.memory_space<vmem>> -> memref<48xi32, #tpu.memory_space<vmem>>
      %dma_wait3A_429 = arith.constant 0 : i32
      %dma_wait3A_430 = tpu.memref_slice %arg2[%dma_wait3A_419, %dma_wait3A_429] : memref<32x10032xi32, #tpu.memory_space<hbm>> -> memref<1x48xi32, #tpu.memory_space<hbm>>
      %dma_wait3A_431 = tpu.memref_squeeze %dma_wait3A_430 : memref<1x48xi32, #tpu.memory_space<hbm>> -> memref<48xi32, #tpu.memory_space<hbm>>
      tpu.wait_dma2 semaphore(%arg19 : memref<!tpu.dma_semaphore, #tpu.memory_space<semaphore_mem>>) src(%dma_wait3A_431 : memref<48xi32, #tpu.memory_space<hbm>>) dst(%dma_wait3A_428 : memref<48xi32, #tpu.memory_space<vmem>>)
      %ge3A_432 = arith.constant 1 : i32
      %ge3A_433 = arith.cmpi sge, %add3A_364, %ge3A_432 : i32
      %convert_element_type3A_434 = arith.extui %ge3A_433 : i1 to i32
      %cond3A_435 = arith.constant 0 : i32
      %cond3A_436 = arith.cmpi ne, %convert_element_type3A_434, %cond3A_435 : i32
      scf.if %cond3A_436 {
        %dma_wait3A_514 = arith.constant 4 : i32
        %dma_wait3A_515 = arith.constant 0 : i32
        %dma_wait3A_516 = tpu.memref_slice %arg10[%dma_wait3A_514, %dma_wait3A_515] : memref<8x48xi32, #tpu.memory_space<vmem>> -> memref<1x48xi32, #tpu.memory_space<vmem>>
        %dma_wait3A_517 = tpu.memref_squeeze %dma_wait3A_516 : memref<1x48xi32, #tpu.memory_space<vmem>> -> memref<48xi32, #tpu.memory_space<vmem>>
        %dma_wait3A_518 = arith.constant 0 : i32
        %dma_wait3A_519 = arith.constant 0 : i32
        %dma_wait3A_520 = tpu.memref_slice %arg18[%dma_wait3A_518, %dma_wait3A_519] : memref<10008x144xf32, #tpu.memory_space<vmem_shared>> -> memref<10008x144xf32, #tpu.memory_space<vmem_shared>>
        tpu.wait_indirect_dma semaphore(%arg22 : memref<!tpu.dma_semaphore, #tpu.memory_space<semaphore_mem>>) src(%arg15 : memref<48x144xf32, #tpu.memory_space<vmem>>) dst(%dma_wait3A_520 : memref<10008x144xf32, #tpu.memory_space<vmem_shared>>)
      } else {
      }
      %add3A_437 = arith.constant 1 : i32
      %add3A_438 = arith.addi %add3A_364, %add3A_437 : i32
      %jit3A_439 = arith.constant 4 : i32
      %eq3A_440 = arith.constant 0 : i32
      %eq3A_441 = arith.cmpi eq, %jit3A_439, %eq3A_440 : i32
      %jit3A_442 = arith.constant 1 : i32
      %select_n3A_443 = arith.select %eq3A_441, %jit3A_442, %jit3A_439 : i32
      %rem3A_444 = arith.remsi %add3A_438, %select_n3A_443 : i32
      %ne3A_445 = arith.constant 0 : i32
      %ne3A_446 = arith.cmpi ne, %rem3A_444, %ne3A_445 : i32
      %lt3A_447 = arith.constant 0 : i32
      %lt3A_448 = arith.cmpi slt, %rem3A_444, %lt3A_447 : i32
      %lt3A_449 = arith.constant 0 : i32
      %lt3A_450 = arith.cmpi slt, %select_n3A_443, %lt3A_449 : i32
      %ne3A_451 = arith.xori %lt3A_448, %lt3A_450 : i1
      %and3A_452 = arith.andi %ne3A_451, %ne3A_446 : i1
      %add3A_453 = arith.addi %rem3A_444, %select_n3A_443 : i32
      %select_n3A_454 = arith.select %and3A_452, %add3A_453, %rem3A_444 : i32
      %dma_start3A_455 = arith.constant 0 : i32
      %dma_start3A_456 = tpu.memref_slice %arg10[%select_n3A_454, %dma_start3A_455] : memref<8x48xi32, #tpu.memory_space<vmem>> -> memref<1x48xi32, #tpu.memory_space<vmem>>
      %dma_start3A_457 = tpu.memref_squeeze %dma_start3A_456 : memref<1x48xi32, #tpu.memory_space<vmem>> -> memref<48xi32, #tpu.memory_space<vmem>>
      %dma_start3A_458 = arith.constant 0 : i32
      %dma_start3A_459 = arith.constant 0 : i32
      %dma_start3A_460 = tpu.memref_slice %arg4[%dma_start3A_458, %dma_start3A_459] : memref<10000x128xf32, #tpu.memory_space<hbm>> -> memref<10000x128xf32, #tpu.memory_space<hbm>>
      tpu.enqueue_indirect_dma source(%dma_start3A_460 : memref<10000x128xf32, #tpu.memory_space<hbm>>) target(%arg11 : memref<48x128xf32, #tpu.memory_space<vmem>>) offsets(%dma_start3A_457 : memref<48xi32, #tpu.memory_space<vmem>>) semaphore(%arg20 : memref<!tpu.dma_semaphore, #tpu.memory_space<semaphore_mem>>)
      %add3A_461 = arith.constant 4 : i32
      %add3A_462 = arith.addi %add3A_461, %select_n3A_454 : i32
      %dma_start3A_463 = arith.constant 0 : i32
      %dma_start3A_464 = tpu.memref_slice %arg10[%add3A_462, %dma_start3A_463] : memref<8x48xi32, #tpu.memory_space<vmem>> -> memref<1x48xi32, #tpu.memory_space<vmem>>
      %dma_start3A_465 = tpu.memref_squeeze %dma_start3A_464 : memref<1x48xi32, #tpu.memory_space<vmem>> -> memref<48xi32, #tpu.memory_space<vmem>>
      %dma_start3A_466 = arith.constant 0 : i32
      %dma_start3A_467 = arith.constant 0 : i32
      %dma_start3A_468 = tpu.memref_slice %arg6[%dma_start3A_466, %dma_start3A_467] : memref<10000x128xf32, #tpu.memory_space<hbm>> -> memref<10000x128xf32, #tpu.memory_space<hbm>>
      tpu.enqueue_indirect_dma source(%dma_start3A_468 : memref<10000x128xf32, #tpu.memory_space<hbm>>) target(%arg13 : memref<48x128xf32, #tpu.memory_space<vmem>>) offsets(%dma_start3A_465 : memref<48xi32, #tpu.memory_space<vmem>>) semaphore(%arg20 : memref<!tpu.dma_semaphore, #tpu.memory_space<semaphore_mem>>)
      %dma_start3A_469 = arith.constant 0 : i32
      %dma_start3A_470 = tpu.memref_slice %arg10[%select_n3A_454, %dma_start3A_469] : memref<8x48xi32, #tpu.memory_space<vmem>> -> memref<1x48xi32, #tpu.memory_space<vmem>>
      %dma_start3A_471 = tpu.memref_squeeze %dma_start3A_470 : memref<1x48xi32, #tpu.memory_space<vmem>> -> memref<48xi32, #tpu.memory_space<vmem>>
      %dma_start3A_472 = arith.constant 0 : i32
      %dma_start3A_473 = arith.constant 0 : i32
      %dma_start3A_474 = tpu.memref_slice %arg5[%dma_start3A_472, %dma_start3A_473] : memref<10000x144xf32, #tpu.memory_space<hbm>> -> memref<10000x144xf32, #tpu.memory_space<hbm>>
      tpu.enqueue_indirect_dma source(%dma_start3A_474 : memref<10000x144xf32, #tpu.memory_space<hbm>>) target(%arg15 : memref<48x144xf32, #tpu.memory_space<vmem>>) offsets(%dma_start3A_471 : memref<48xi32, #tpu.memory_space<vmem>>) semaphore(%arg20 : memref<!tpu.dma_semaphore, #tpu.memory_space<semaphore_mem>>)
      %add3A_475 = arith.constant 3 : i32
      %add3A_476 = arith.addi %add3A_364, %add3A_475 : i32
      %lt3A_477 = arith.constant 209 : i32
      %lt3A_478 = arith.cmpi slt, %add3A_476, %lt3A_477 : i32
      %convert_element_type3A_479 = arith.extui %lt3A_478 : i1 to i32
      %cond3A_480 = arith.constant 0 : i32
      %cond3A_481 = arith.cmpi ne, %convert_element_type3A_479, %cond3A_480 : i32
      scf.if %cond3A_481 {
        %add3A_514 = arith.constant 3 : i32
        %add3A_515 = arith.addi %add3A_364, %add3A_514 : i32
        %jit3A_516 = arith.constant 4 : i32
        %eq3A_517 = arith.constant 0 : i32
        %eq3A_518 = arith.cmpi eq, %jit3A_516, %eq3A_517 : i32
        %jit3A_519 = arith.constant 1 : i32
        %select_n3A_520 = arith.select %eq3A_518, %jit3A_519, %jit3A_516 : i32
        %rem3A_521 = arith.remsi %add3A_515, %select_n3A_520 : i32
        %ne3A_522 = arith.constant 0 : i32
        %ne3A_523 = arith.cmpi ne, %rem3A_521, %ne3A_522 : i32
        %lt3A_524 = arith.constant 0 : i32
        %lt3A_525 = arith.cmpi slt, %rem3A_521, %lt3A_524 : i32
        %lt3A_526 = arith.constant 0 : i32
        %lt3A_527 = arith.cmpi slt, %select_n3A_520, %lt3A_526 : i32
        %ne3A_528 = arith.xori %lt3A_525, %lt3A_527 : i1
        %and3A_529 = arith.andi %ne3A_528, %ne3A_523 : i1
        %add3A_530 = arith.addi %rem3A_521, %select_n3A_520 : i32
        %select_n3A_531 = arith.select %and3A_529, %add3A_530, %rem3A_521 : i32
        %mul3A_532 = arith.constant 48 : i32
        %mul3A_533 = arith.muli %add3A_515, %mul3A_532 : i32
        %dma_start3A_534 = arith.constant 0 : i32
        %dma_start3A_535 = tpu.memref_slice %arg10[%select_n3A_531, %dma_start3A_534] : memref<8x48xi32, #tpu.memory_space<vmem>> -> memref<1x48xi32, #tpu.memory_space<vmem>>
        %dma_start3A_536 = tpu.memref_squeeze %dma_start3A_535 : memref<1x48xi32, #tpu.memory_space<vmem>> -> memref<48xi32, #tpu.memory_space<vmem>>
        %dma_start3A_537 = tpu.memref_slice %arg2[%add3A, %mul3A_533] : memref<32x10032xi32, #tpu.memory_space<hbm>> -> memref<1x48xi32, #tpu.memory_space<hbm>>
        %dma_start3A_538 = tpu.memref_squeeze %dma_start3A_537 : memref<1x48xi32, #tpu.memory_space<hbm>> -> memref<48xi32, #tpu.memory_space<hbm>>
        %dma_start3A_539 = arith.constant 0 : i32
        %dma_start3A_540 = tpu.memref_slice %arg10[%select_n3A_531, %dma_start3A_539] : memref<8x48xi32, #tpu.memory_space<vmem>> -> memref<1x48xi32, #tpu.memory_space<vmem>>
        %dma_start3A_541 = tpu.memref_squeeze %dma_start3A_540 : memref<1x48xi32, #tpu.memory_space<vmem>> -> memref<48xi32, #tpu.memory_space<vmem>>
        %dma_start3A_542 = tpu.memref_slice %arg2[%add3A, %mul3A_533] : memref<32x10032xi32, #tpu.memory_space<hbm>> -> memref<1x48xi32, #tpu.memory_space<hbm>>
        %dma_start3A_543 = tpu.memref_squeeze %dma_start3A_542 : memref<1x48xi32, #tpu.memory_space<hbm>> -> memref<48xi32, #tpu.memory_space<hbm>>
        tpu.enqueue_dma source(%dma_start3A_543 : memref<48xi32, #tpu.memory_space<hbm>>) target(%dma_start3A_541 : memref<48xi32, #tpu.memory_space<vmem>>) target_semaphore(%arg19 : memref<!tpu.dma_semaphore, #tpu.memory_space<semaphore_mem>>)
        %mul3A_544 = arith.constant 48 : i32
        %mul3A_545 = arith.muli %add3A_515, %mul3A_544 : i32
        %add3A_546 = arith.constant 4 : i32
        %add3A_547 = arith.addi %add3A_546, %select_n3A_531 : i32
        %dma_start3A_548 = arith.constant 0 : i32
        %dma_start3A_549 = tpu.memref_slice %arg10[%add3A_547, %dma_start3A_548] : memref<8x48xi32, #tpu.memory_space<vmem>> -> memref<1x48xi32, #tpu.memory_space<vmem>>
        %dma_start3A_550 = tpu.memref_squeeze %dma_start3A_549 : memref<1x48xi32, #tpu.memory_space<vmem>> -> memref<48xi32, #tpu.memory_space<vmem>>
        %dma_start3A_551 = tpu.memref_slice %arg3[%add3A, %mul3A_545] : memref<32x10032xi32, #tpu.memory_space<hbm>> -> memref<1x48xi32, #tpu.memory_space<hbm>>
        %dma_start3A_552 = tpu.memref_squeeze %dma_start3A_551 : memref<1x48xi32, #tpu.memory_space<hbm>> -> memref<48xi32, #tpu.memory_space<hbm>>
        %dma_start3A_553 = arith.constant 0 : i32
        %dma_start3A_554 = tpu.memref_slice %arg10[%add3A_547, %dma_start3A_553] : memref<8x48xi32, #tpu.memory_space<vmem>> -> memref<1x48xi32, #tpu.memory_space<vmem>>
        %dma_start3A_555 = tpu.memref_squeeze %dma_start3A_554 : memref<1x48xi32, #tpu.memory_space<vmem>> -> memref<48xi32, #tpu.memory_space<vmem>>
        %dma_start3A_556 = tpu.memref_slice %arg3[%add3A, %mul3A_545] : memref<32x10032xi32, #tpu.memory_space<hbm>> -> memref<1x48xi32, #tpu.memory_space<hbm>>
        %dma_start3A_557 = tpu.memref_squeeze %dma_start3A_556 : memref<1x48xi32, #tpu.memory_space<hbm>> -> memref<48xi32, #tpu.memory_space<hbm>>
        tpu.enqueue_dma source(%dma_start3A_557 : memref<48xi32, #tpu.memory_space<hbm>>) target(%dma_start3A_555 : memref<48xi32, #tpu.memory_space<vmem>>) target_semaphore(%arg19 : memref<!tpu.dma_semaphore, #tpu.memory_space<semaphore_mem>>)
      } else {
      }
      %jit3A_482 = arith.constant 4 : i32
      %eq3A_483 = arith.constant 0 : i32
      %eq3A_484 = arith.cmpi eq, %jit3A_482, %eq3A_483 : i32
      %jit3A_485 = arith.constant 1 : i32
      %select_n3A_486 = arith.select %eq3A_484, %jit3A_485, %jit3A_482 : i32
      %rem3A_487 = arith.remsi %add3A_364, %select_n3A_486 : i32
      %ne3A_488 = arith.constant 0 : i32
      %ne3A_489 = arith.cmpi ne, %rem3A_487, %ne3A_488 : i32
      %lt3A_490 = arith.constant 0 : i32
      %lt3A_491 = arith.cmpi slt, %rem3A_487, %lt3A_490 : i32
      %lt3A_492 = arith.constant 0 : i32
      %lt3A_493 = arith.cmpi slt, %select_n3A_486, %lt3A_492 : i32
      %ne3A_494 = arith.xori %lt3A_491, %lt3A_493 : i1
      %and3A_495 = arith.andi %ne3A_494, %ne3A_489 : i1
      %add3A_496 = arith.addi %rem3A_487, %select_n3A_486 : i32
      %select_n3A_497 = arith.select %and3A_495, %add3A_496, %rem3A_487 : i32
      %scan3A_498 = arith.constant 0 : i32
      %scan3A_499 = arith.constant 0 : i32
      %scan3A_500 = arith.constant 24 : i32
      %scan3A_501 = arith.addi %scan3A_499, %scan3A_500 : i32
      %scan3A_502 = arith.constant 1 : i32
      %scan3A_503 = scf.for %scan3A_514 = %scan3A_499 to %scan3A_501 step %scan3A_502 iter_args(%scan3A_515 = %scan3A_498) -> (i32)  : i32 {
        %mul3A_516 = arith.constant 2 : i32
        %mul3A_517 = arith.muli %scan3A_514, %mul3A_516 : i32
        %add3A_518 = arith.constant 0 : i32
        %add3A_519 = arith.addi %mul3A_517, %add3A_518 : i32
        %get3A_520 = arith.index_cast %add3A_519 : i32 to index
        %get3A_521 = arith.constant 0 : index
        %get3A_522 = tpu.vector_load %arg12[%get3A_520, %get3A_521] {strides = array<i32>} : memref<48x128xf32, #tpu.memory_space<vmem>>, vector<16xf32>,
        %get3A_523 = arith.index_cast %add3A_519 : i32 to index
        %get3A_524 = arith.constant 0 : index
        %get3A_525 = tpu.vector_load %arg14[%get3A_523, %get3A_524] {strides = array<i32>} : memref<48x128xf32, #tpu.memory_space<vmem>>, vector<16xf32>,
        %sub3A = arith.subf %get3A_522, %get3A_525 : vector<16xf32>
        %max3A = arith.constant 0.000000e+00 : f32
        %max3A_526 = vector.broadcast %max3A : f32 to vector<16xf32>
        %max3A_527 = arith.maximumf %sub3A, %max3A_526 : vector<16xf32>
        %mul3A_528 = arith.mulf %max3A_527, %get3A_22 : vector<16xf32>
        %get3A_529 = arith.index_cast %add3A_519 : i32 to index
        %get3A_530 = arith.constant 16 : index
        %get3A_531 = tpu.vector_load %arg12[%get3A_529, %get3A_530] {strides = array<i32>} : memref<48x128xf32, #tpu.memory_space<vmem>>, vector<16xf32>,
        %get3A_532 = arith.index_cast %add3A_519 : i32 to index
        %get3A_533 = arith.constant 16 : index
        %get3A_534 = tpu.vector_load %arg14[%get3A_532, %get3A_533] {strides = array<i32>} : memref<48x128xf32, #tpu.memory_space<vmem>>, vector<16xf32>,
        %sub3A_535 = arith.subf %get3A_531, %get3A_534 : vector<16xf32>
        %max3A_536 = arith.constant 0.000000e+00 : f32
        %max3A_537 = vector.broadcast %max3A_536 : f32 to vector<16xf32>
        %max3A_538 = arith.maximumf %sub3A_535, %max3A_537 : vector<16xf32>
        %mul3A_539 = arith.mulf %max3A_538, %get3A_22 : vector<16xf32>
        %get3A_540 = arith.index_cast %add3A_519 : i32 to index
        %get3A_541 = arith.constant 32 : index
        %get3A_542 = tpu.vector_load %arg12[%get3A_540, %get3A_541] {strides = array<i32>} : memref<48x128xf32, #tpu.memory_space<vmem>>, vector<16xf32>,
        %get3A_543 = arith.index_cast %add3A_519 : i32 to index
        %get3A_544 = arith.constant 32 : index
        %get3A_545 = tpu.vector_load %arg14[%get3A_543, %get3A_544] {strides = array<i32>} : memref<48x128xf32, #tpu.memory_space<vmem>>, vector<16xf32>,
        %sub3A_546 = arith.subf %get3A_542, %get3A_545 : vector<16xf32>
        %max3A_547 = arith.constant 0.000000e+00 : f32
        %max3A_548 = vector.broadcast %max3A_547 : f32 to vector<16xf32>
        %max3A_549 = arith.maximumf %sub3A_546, %max3A_548 : vector<16xf32>
        %mul3A_550 = arith.mulf %max3A_549, %get3A_22 : vector<16xf32>
        %get3A_551 = arith.index_cast %add3A_519 : i32 to index
        %get3A_552 = arith.constant 48 : index
        %get3A_553 = tpu.vector_load %arg12[%get3A_551, %get3A_552] {strides = array<i32>} : memref<48x128xf32, #tpu.memory_space<vmem>>, vector<16xf32>,
        %get3A_554 = arith.index_cast %add3A_519 : i32 to index
        %get3A_555 = arith.constant 48 : index
        %get3A_556 = tpu.vector_load %arg14[%get3A_554, %get3A_555] {strides = array<i32>} : memref<48x128xf32, #tpu.memory_space<vmem>>, vector<16xf32>,
        %sub3A_557 = arith.subf %get3A_553, %get3A_556 : vector<16xf32>
        %max3A_558 = arith.constant 0.000000e+00 : f32
        %max3A_559 = vector.broadcast %max3A_558 : f32 to vector<16xf32>
        %max3A_560 = arith.maximumf %sub3A_557, %max3A_559 : vector<16xf32>
        %mul3A_561 = arith.mulf %max3A_560, %get3A_22 : vector<16xf32>
        %get3A_562 = arith.index_cast %add3A_519 : i32 to index
        %get3A_563 = arith.constant 64 : index
        %get3A_564 = tpu.vector_load %arg12[%get3A_562, %get3A_563] {strides = array<i32>} : memref<48x128xf32, #tpu.memory_space<vmem>>, vector<16xf32>,
        %get3A_565 = arith.index_cast %add3A_519 : i32 to index
        %get3A_566 = arith.constant 64 : index
        %get3A_567 = tpu.vector_load %arg14[%get3A_565, %get3A_566] {strides = array<i32>} : memref<48x128xf32, #tpu.memory_space<vmem>>, vector<16xf32>,
        %sub3A_568 = arith.subf %get3A_564, %get3A_567 : vector<16xf32>
        %max3A_569 = arith.constant 0.000000e+00 : f32
        %max3A_570 = vector.broadcast %max3A_569 : f32 to vector<16xf32>
        %max3A_571 = arith.maximumf %sub3A_568, %max3A_570 : vector<16xf32>
        %mul3A_572 = arith.mulf %max3A_571, %get3A_22 : vector<16xf32>
        %get3A_573 = arith.index_cast %add3A_519 : i32 to index
        %get3A_574 = arith.constant 80 : index
        %get3A_575 = tpu.vector_load %arg12[%get3A_573, %get3A_574] {strides = array<i32>} : memref<48x128xf32, #tpu.memory_space<vmem>>, vector<16xf32>,
        %get3A_576 = arith.index_cast %add3A_519 : i32 to index
        %get3A_577 = arith.constant 80 : index
        %get3A_578 = tpu.vector_load %arg14[%get3A_576, %get3A_577] {strides = array<i32>} : memref<48x128xf32, #tpu.memory_space<vmem>>, vector<16xf32>,
        %sub3A_579 = arith.subf %get3A_575, %get3A_578 : vector<16xf32>
        %max3A_580 = arith.constant 0.000000e+00 : f32
        %max3A_581 = vector.broadcast %max3A_580 : f32 to vector<16xf32>
        %max3A_582 = arith.maximumf %sub3A_579, %max3A_581 : vector<16xf32>
        %mul3A_583 = arith.mulf %max3A_582, %get3A_22 : vector<16xf32>
        %get3A_584 = arith.index_cast %add3A_519 : i32 to index
        %get3A_585 = arith.constant 96 : index
        %get3A_586 = tpu.vector_load %arg12[%get3A_584, %get3A_585] {strides = array<i32>} : memref<48x128xf32, #tpu.memory_space<vmem>>, vector<16xf32>,
        %get3A_587 = arith.index_cast %add3A_519 : i32 to index
        %get3A_588 = arith.constant 96 : index
        %get3A_589 = tpu.vector_load %arg14[%get3A_587, %get3A_588] {strides = array<i32>} : memref<48x128xf32, #tpu.memory_space<vmem>>, vector<16xf32>,
        %sub3A_590 = arith.subf %get3A_586, %get3A_589 : vector<16xf32>
        %max3A_591 = arith.constant 0.000000e+00 : f32
        %max3A_592 = vector.broadcast %max3A_591 : f32 to vector<16xf32>
        %max3A_593 = arith.maximumf %sub3A_590, %max3A_592 : vector<16xf32>
        %mul3A_594 = arith.mulf %max3A_593, %get3A_22 : vector<16xf32>
        %get3A_595 = arith.index_cast %add3A_519 : i32 to index
        %get3A_596 = arith.constant 112 : index
        %get3A_597 = tpu.vector_load %arg12[%get3A_595, %get3A_596] {strides = array<i32>} : memref<48x128xf32, #tpu.memory_space<vmem>>, vector<16xf32>,
        %get3A_598 = arith.index_cast %add3A_519 : i32 to index
        %get3A_599 = arith.constant 112 : index
        %get3A_600 = tpu.vector_load %arg14[%get3A_598, %get3A_599] {strides = array<i32>} : memref<48x128xf32, #tpu.memory_space<vmem>>, vector<16xf32>,
        %sub3A_601 = arith.subf %get3A_597, %get3A_600 : vector<16xf32>
        %max3A_602 = arith.constant 0.000000e+00 : f32
        %max3A_603 = vector.broadcast %max3A_602 : f32 to vector<16xf32>
        %max3A_604 = arith.maximumf %sub3A_601, %max3A_603 : vector<16xf32>
        %mul3A_605 = arith.mulf %max3A_604, %get3A_22 : vector<16xf32>
        %reduce_sum3A = arith.constant true
        %reduce_sum3A_606 = vector.broadcast %reduce_sum3A : i1 to vector<16xi1>
        %reduce_sum3A_607 = tpu.scan <sum>, %mul3A_528 masked %reduce_sum3A_606 : vector<16xf32>, vector<16xi1> -> vector<16xf32>
        %reduce_sum3A_608 = vector.extract %reduce_sum3A_607[15] : f32 from vector<16xf32>
        %reduce_sum3A_609 = arith.constant true
        %reduce_sum3A_610 = vector.broadcast %reduce_sum3A_609 : i1 to vector<16xi1>
        %reduce_sum3A_611 = tpu.scan <sum>, %mul3A_539 masked %reduce_sum3A_610 : vector<16xf32>, vector<16xi1> -> vector<16xf32>
        %reduce_sum3A_612 = vector.extract %reduce_sum3A_611[15] : f32 from vector<16xf32>
        %reduce_sum3A_613 = arith.constant true
        %reduce_sum3A_614 = vector.broadcast %reduce_sum3A_613 : i1 to vector<16xi1>
        %reduce_sum3A_615 = tpu.scan <sum>, %mul3A_550 masked %reduce_sum3A_614 : vector<16xf32>, vector<16xi1> -> vector<16xf32>
        %reduce_sum3A_616 = vector.extract %reduce_sum3A_615[15] : f32 from vector<16xf32>
        %reduce_sum3A_617 = arith.constant true
        %reduce_sum3A_618 = vector.broadcast %reduce_sum3A_617 : i1 to vector<16xi1>
        %reduce_sum3A_619 = tpu.scan <sum>, %mul3A_561 masked %reduce_sum3A_618 : vector<16xf32>, vector<16xi1> -> vector<16xf32>
        %reduce_sum3A_620 = vector.extract %reduce_sum3A_619[15] : f32 from vector<16xf32>
        %reduce_sum3A_621 = arith.constant true
        %reduce_sum3A_622 = vector.broadcast %reduce_sum3A_621 : i1 to vector<16xi1>
        %reduce_sum3A_623 = tpu.scan <sum>, %mul3A_572 masked %reduce_sum3A_622 : vector<16xf32>, vector<16xi1> -> vector<16xf32>
        %reduce_sum3A_624 = vector.extract %reduce_sum3A_623[15] : f32 from vector<16xf32>
        %reduce_sum3A_625 = arith.constant true
        %reduce_sum3A_626 = vector.broadcast %reduce_sum3A_625 : i1 to vector<16xi1>
        %reduce_sum3A_627 = tpu.scan <sum>, %mul3A_583 masked %reduce_sum3A_626 : vector<16xf32>, vector<16xi1> -> vector<16xf32>
        %reduce_sum3A_628 = vector.extract %reduce_sum3A_627[15] : f32 from vector<16xf32>
        %reduce_sum3A_629 = arith.constant true
        %reduce_sum3A_630 = vector.broadcast %reduce_sum3A_629 : i1 to vector<16xi1>
        %reduce_sum3A_631 = tpu.scan <sum>, %mul3A_594 masked %reduce_sum3A_630 : vector<16xf32>, vector<16xi1> -> vector<16xf32>
        %reduce_sum3A_632 = vector.extract %reduce_sum3A_631[15] : f32 from vector<16xf32>
        %reduce_sum3A_633 = arith.constant true
        %reduce_sum3A_634 = vector.broadcast %reduce_sum3A_633 : i1 to vector<16xi1>
        %reduce_sum3A_635 = tpu.scan <sum>, %mul3A_605 masked %reduce_sum3A_634 : vector<16xf32>, vector<16xi1> -> vector<16xf32>
        %reduce_sum3A_636 = vector.extract %reduce_sum3A_635[15] : f32 from vector<16xf32>
        %broadcast_in_dim3A_637 = arith.constant 0.000000e+00 : f32
        %broadcast_in_dim3A_638 = vector.broadcast %broadcast_in_dim3A_637 : f32 to vector<16xf32>
        %eq3A_639 = arith.constant 0 : i32
        %eq3A_640 = vector.broadcast %eq3A_639 : i32 to vector<16xi32>
        %eq3A_641 = arith.cmpi eq, %iota3A, %eq3A_640 : vector<16xi32>
        %broadcast_in_dim3A_642 = vector.broadcast %reduce_sum3A_608 : f32 to vector<16xf32>
        %select_n3A_643 = arith.select %eq3A_641, %broadcast_in_dim3A_642, %broadcast_in_dim3A_638 : vector<16xi1>, vector<16xf32>
        %eq3A_644 = arith.constant 1 : i32
        %eq3A_645 = vector.broadcast %eq3A_644 : i32 to vector<16xi32>
        %eq3A_646 = arith.cmpi eq, %iota3A, %eq3A_645 : vector<16xi32>
        %broadcast_in_dim3A_647 = vector.broadcast %reduce_sum3A_612 : f32 to vector<16xf32>
        %select_n3A_648 = arith.select %eq3A_646, %broadcast_in_dim3A_647, %select_n3A_643 : vector<16xi1>, vector<16xf32>
        %eq3A_649 = arith.constant 2 : i32
        %eq3A_650 = vector.broadcast %eq3A_649 : i32 to vector<16xi32>
        %eq3A_651 = arith.cmpi eq, %iota3A, %eq3A_650 : vector<16xi32>
        %broadcast_in_dim3A_652 = vector.broadcast %reduce_sum3A_616 : f32 to vector<16xf32>
        %select_n3A_653 = arith.select %eq3A_651, %broadcast_in_dim3A_652, %select_n3A_648 : vector<16xi1>, vector<16xf32>
        %eq3A_654 = arith.constant 3 : i32
        %eq3A_655 = vector.broadcast %eq3A_654 : i32 to vector<16xi32>
        %eq3A_656 = arith.cmpi eq, %iota3A, %eq3A_655 : vector<16xi32>
        %broadcast_in_dim3A_657 = vector.broadcast %reduce_sum3A_620 : f32 to vector<16xf32>
        %select_n3A_658 = arith.select %eq3A_656, %broadcast_in_dim3A_657, %select_n3A_653 : vector<16xi1>, vector<16xf32>
        %eq3A_659 = arith.constant 4 : i32
        %eq3A_660 = vector.broadcast %eq3A_659 : i32 to vector<16xi32>
        %eq3A_661 = arith.cmpi eq, %iota3A, %eq3A_660 : vector<16xi32>
        %broadcast_in_dim3A_662 = vector.broadcast %reduce_sum3A_624 : f32 to vector<16xf32>
        %select_n3A_663 = arith.select %eq3A_661, %broadcast_in_dim3A_662, %select_n3A_658 : vector<16xi1>, vector<16xf32>
        %eq3A_664 = arith.constant 5 : i32
        %eq3A_665 = vector.broadcast %eq3A_664 : i32 to vector<16xi32>
        %eq3A_666 = arith.cmpi eq, %iota3A, %eq3A_665 : vector<16xi32>
        %broadcast_in_dim3A_667 = vector.broadcast %reduce_sum3A_628 : f32 to vector<16xf32>
        %select_n3A_668 = arith.select %eq3A_666, %broadcast_in_dim3A_667, %select_n3A_663 : vector<16xi1>, vector<16xf32>
        %eq3A_669 = arith.constant 6 : i32
        %eq3A_670 = vector.broadcast %eq3A_669 : i32 to vector<16xi32>
        %eq3A_671 = arith.cmpi eq, %iota3A, %eq3A_670 : vector<16xi32>
        %broadcast_in_dim3A_672 = vector.broadcast %reduce_sum3A_632 : f32 to vector<16xf32>
        %select_n3A_673 = arith.select %eq3A_671, %broadcast_in_dim3A_672, %select_n3A_668 : vector<16xi1>, vector<16xf32>
        %eq3A_674 = arith.constant 7 : i32
        %eq3A_675 = vector.broadcast %eq3A_674 : i32 to vector<16xi32>
        %eq3A_676 = arith.cmpi eq, %iota3A, %eq3A_675 : vector<16xi32>
        %broadcast_in_dim3A_677 = vector.broadcast %reduce_sum3A_636 : f32 to vector<16xf32>
        %select_n3A_678 = arith.select %eq3A_676, %broadcast_in_dim3A_677, %select_n3A_673 : vector<16xi1>, vector<16xf32>
        %add3A_679 = arith.addf %select_n3A_678, %get3A_24 : vector<16xf32>
        %max3A_680 = arith.constant -5.000000e+00 : f32
        %max3A_681 = vector.broadcast %max3A_680 : f32 to vector<16xf32>
        %max3A_682 = arith.maximumf %add3A_679, %max3A_681 : vector<16xf32>
        %min3A = arith.constant 5.000000e+00 : f32
        %min3A_683 = vector.broadcast %min3A : f32 to vector<16xf32>
        %min3A_684 = arith.minimumf %max3A_682, %min3A_683 : vector<16xf32>
        %exp3A = math.exp %min3A_684 : vector<16xf32>
        %lt3A_685 = arith.constant 8 : i32
        %lt3A_686 = vector.broadcast %lt3A_685 : i32 to vector<16xi32>
        %lt3A_687 = arith.cmpi slt, %iota3A, %lt3A_686 : vector<16xi32>
        %jit3A_688 = arith.constant 0.000000e+00 : f32
        %broadcast_in_dim3A_689 = vector.broadcast %jit3A_688 : f32 to vector<16xf32>
        %select_n3A_690 = arith.select %lt3A_687, %exp3A, %broadcast_in_dim3A_689 : vector<16xi1>, vector<16xf32>
        %swap3A = arith.index_cast %add3A_519 : i32 to index
        %swap3A_691 = arith.constant 128 : index
        %swap3A_692 = tpu.vector_load %arg16[%swap3A, %swap3A_691] {strides = array<i32>} : memref<48x144xf32, #tpu.memory_space<vmem>>, vector<16xf32>,
        tpu.vector_store %arg16[%swap3A, %swap3A_691], %select_n3A_690 {strides = array<i32>} : memref<48x144xf32, #tpu.memory_space<vmem>>, vector<16xf32>,
        %slice3A = vector.extract_strided_slice %select_n3A_690 {offsets = [0], sizes = [1], strides = [1]} : vector<16xf32> to vector<1xf32>
        %squeeze3A = vector.extract %slice3A[0] : f32 from vector<1xf32>
        %get3A_693 = arith.index_cast %add3A_519 : i32 to index
        %get3A_694 = arith.constant 0 : index
        %get3A_695 = tpu.vector_load %arg16[%get3A_693, %get3A_694] {strides = array<i32>} : memref<48x144xf32, #tpu.memory_space<vmem>>, vector<16xf32>,
        %mul3A_696 = vector.broadcast %squeeze3A : f32 to vector<16xf32>
        %mul3A_697 = arith.mulf %get3A_695, %mul3A_696 : vector<16xf32>
        %swap3A_698 = arith.index_cast %add3A_519 : i32 to index
        %swap3A_699 = arith.constant 0 : index
        %swap3A_700 = tpu.vector_load %arg16[%swap3A_698, %swap3A_699] {strides = array<i32>} : memref<48x144xf32, #tpu.memory_space<vmem>>, vector<16xf32>,
        tpu.vector_store %arg16[%swap3A_698, %swap3A_699], %mul3A_697 {strides = array<i32>} : memref<48x144xf32, #tpu.memory_space<vmem>>, vector<16xf32>,
        %slice3A_701 = vector.extract_strided_slice %select_n3A_690 {offsets = [1], sizes = [1], strides = [1]} : vector<16xf32> to vector<1xf32>
        %squeeze3A_702 = vector.extract %slice3A_701[0] : f32 from vector<1xf32>
        %get3A_703 = arith.index_cast %add3A_519 : i32 to index
        %get3A_704 = arith.constant 16 : index
        %get3A_705 = tpu.vector_load %arg16[%get3A_703, %get3A_704] {strides = array<i32>} : memref<48x144xf32, #tpu.memory_space<vmem>>, vector<16xf32>,
        %mul3A_706 = vector.broadcast %squeeze3A_702 : f32 to vector<16xf32>
        %mul3A_707 = arith.mulf %get3A_705, %mul3A_706 : vector<16xf32>
        %swap3A_708 = arith.index_cast %add3A_519 : i32 to index
        %swap3A_709 = arith.constant 16 : index
        %swap3A_710 = tpu.vector_load %arg16[%swap3A_708, %swap3A_709] {strides = array<i32>} : memref<48x144xf32, #tpu.memory_space<vmem>>, vector<16xf32>,
        tpu.vector_store %arg16[%swap3A_708, %swap3A_709], %mul3A_707 {strides = array<i32>} : memref<48x144xf32, #tpu.memory_space<vmem>>, vector<16xf32>,
        %slice3A_711 = vector.extract_strided_slice %select_n3A_690 {offsets = [2], sizes = [1], strides = [1]} : vector<16xf32> to vector<1xf32>
        %squeeze3A_712 = vector.extract %slice3A_711[0] : f32 from vector<1xf32>
        %get3A_713 = arith.index_cast %add3A_519 : i32 to index
        %get3A_714 = arith.constant 32 : index
        %get3A_715 = tpu.vector_load %arg16[%get3A_713, %get3A_714] {strides = array<i32>} : memref<48x144xf32, #tpu.memory_space<vmem>>, vector<16xf32>,
        %mul3A_716 = vector.broadcast %squeeze3A_712 : f32 to vector<16xf32>
        %mul3A_717 = arith.mulf %get3A_715, %mul3A_716 : vector<16xf32>
        %swap3A_718 = arith.index_cast %add3A_519 : i32 to index
        %swap3A_719 = arith.constant 32 : index
        %swap3A_720 = tpu.vector_load %arg16[%swap3A_718, %swap3A_719] {strides = array<i32>} : memref<48x144xf32, #tpu.memory_space<vmem>>, vector<16xf32>,
        tpu.vector_store %arg16[%swap3A_718, %swap3A_719], %mul3A_717 {strides = array<i32>} : memref<48x144xf32, #tpu.memory_space<vmem>>, vector<16xf32>,
        %slice3A_721 = vector.extract_strided_slice %select_n3A_690 {offsets = [3], sizes = [1], strides = [1]} : vector<16xf32> to vector<1xf32>
        %squeeze3A_722 = vector.extract %slice3A_721[0] : f32 from vector<1xf32>
        %get3A_723 = arith.index_cast %add3A_519 : i32 to index
        %get3A_724 = arith.constant 48 : index
        %get3A_725 = tpu.vector_load %arg16[%get3A_723, %get3A_724] {strides = array<i32>} : memref<48x144xf32, #tpu.memory_space<vmem>>, vector<16xf32>,
        %mul3A_726 = vector.broadcast %squeeze3A_722 : f32 to vector<16xf32>
        %mul3A_727 = arith.mulf %get3A_725, %mul3A_726 : vector<16xf32>
        %swap3A_728 = arith.index_cast %add3A_519 : i32 to index
        %swap3A_729 = arith.constant 48 : index
        %swap3A_730 = tpu.vector_load %arg16[%swap3A_728, %swap3A_729] {strides = array<i32>} : memref<48x144xf32, #tpu.memory_space<vmem>>, vector<16xf32>,
        tpu.vector_store %arg16[%swap3A_728, %swap3A_729], %mul3A_727 {strides = array<i32>} : memref<48x144xf32, #tpu.memory_space<vmem>>, vector<16xf32>,
        %slice3A_731 = vector.extract_strided_slice %select_n3A_690 {offsets = [4], sizes = [1], strides = [1]} : vector<16xf32> to vector<1xf32>
        %squeeze3A_732 = vector.extract %slice3A_731[0] : f32 from vector<1xf32>
        %get3A_733 = arith.index_cast %add3A_519 : i32 to index
        %get3A_734 = arith.constant 64 : index
        %get3A_735 = tpu.vector_load %arg16[%get3A_733, %get3A_734] {strides = array<i32>} : memref<48x144xf32, #tpu.memory_space<vmem>>, vector<16xf32>,
        %mul3A_736 = vector.broadcast %squeeze3A_732 : f32 to vector<16xf32>
        %mul3A_737 = arith.mulf %get3A_735, %mul3A_736 : vector<16xf32>
        %swap3A_738 = arith.index_cast %add3A_519 : i32 to index
        %swap3A_739 = arith.constant 64 : index
        %swap3A_740 = tpu.vector_load %arg16[%swap3A_738, %swap3A_739] {strides = array<i32>} : memref<48x144xf32, #tpu.memory_space<vmem>>, vector<16xf32>,
        tpu.vector_store %arg16[%swap3A_738, %swap3A_739], %mul3A_737 {strides = array<i32>} : memref<48x144xf32, #tpu.memory_space<vmem>>, vector<16xf32>,
        %slice3A_741 = vector.extract_strided_slice %select_n3A_690 {offsets = [5], sizes = [1], strides = [1]} : vector<16xf32> to vector<1xf32>
        %squeeze3A_742 = vector.extract %slice3A_741[0] : f32 from vector<1xf32>
        %get3A_743 = arith.index_cast %add3A_519 : i32 to index
        %get3A_744 = arith.constant 80 : index
        %get3A_745 = tpu.vector_load %arg16[%get3A_743, %get3A_744] {strides = array<i32>} : memref<48x144xf32, #tpu.memory_space<vmem>>, vector<16xf32>,
        %mul3A_746 = vector.broadcast %squeeze3A_742 : f32 to vector<16xf32>
        %mul3A_747 = arith.mulf %get3A_745, %mul3A_746 : vector<16xf32>
        %swap3A_748 = arith.index_cast %add3A_519 : i32 to index
        %swap3A_749 = arith.constant 80 : index
        %swap3A_750 = tpu.vector_load %arg16[%swap3A_748, %swap3A_749] {strides = array<i32>} : memref<48x144xf32, #tpu.memory_space<vmem>>, vector<16xf32>,
        tpu.vector_store %arg16[%swap3A_748, %swap3A_749], %mul3A_747 {strides = array<i32>} : memref<48x144xf32, #tpu.memory_space<vmem>>, vector<16xf32>,
        %slice3A_751 = vector.extract_strided_slice %select_n3A_690 {offsets = [6], sizes = [1], strides = [1]} : vector<16xf32> to vector<1xf32>
        %squeeze3A_752 = vector.extract %slice3A_751[0] : f32 from vector<1xf32>
        %get3A_753 = arith.index_cast %add3A_519 : i32 to index
        %get3A_754 = arith.constant 96 : index
        %get3A_755 = tpu.vector_load %arg16[%get3A_753, %get3A_754] {strides = array<i32>} : memref<48x144xf32, #tpu.memory_space<vmem>>, vector<16xf32>,
        %mul3A_756 = vector.broadcast %squeeze3A_752 : f32 to vector<16xf32>
        %mul3A_757 = arith.mulf %get3A_755, %mul3A_756 : vector<16xf32>
        %swap3A_758 = arith.index_cast %add3A_519 : i32 to index
        %swap3A_759 = arith.constant 96 : index
        %swap3A_760 = tpu.vector_load %arg16[%swap3A_758, %swap3A_759] {strides = array<i32>} : memref<48x144xf32, #tpu.memory_space<vmem>>, vector<16xf32>,
        tpu.vector_store %arg16[%swap3A_758, %swap3A_759], %mul3A_757 {strides = array<i32>} : memref<48x144xf32, #tpu.memory_space<vmem>>, vector<16xf32>,
        %slice3A_761 = vector.extract_strided_slice %select_n3A_690 {offsets = [7], sizes = [1], strides = [1]} : vector<16xf32> to vector<1xf32>
        %squeeze3A_762 = vector.extract %slice3A_761[0] : f32 from vector<1xf32>
        %get3A_763 = arith.index_cast %add3A_519 : i32 to index
        %get3A_764 = arith.constant 112 : index
        %get3A_765 = tpu.vector_load %arg16[%get3A_763, %get3A_764] {strides = array<i32>} : memref<48x144xf32, #tpu.memory_space<vmem>>, vector<16xf32>,
        %mul3A_766 = vector.broadcast %squeeze3A_762 : f32 to vector<16xf32>
        %mul3A_767 = arith.mulf %get3A_765, %mul3A_766 : vector<16xf32>
        %swap3A_768 = arith.index_cast %add3A_519 : i32 to index
        %swap3A_769 = arith.constant 112 : index
        %swap3A_770 = tpu.vector_load %arg16[%swap3A_768, %swap3A_769] {strides = array<i32>} : memref<48x144xf32, #tpu.memory_space<vmem>>, vector<16xf32>,
        tpu.vector_store %arg16[%swap3A_768, %swap3A_769], %mul3A_767 {strides = array<i32>} : memref<48x144xf32, #tpu.memory_space<vmem>>, vector<16xf32>,
        %mul3A_771 = arith.constant 2 : i32
        %mul3A_772 = arith.muli %scan3A_514, %mul3A_771 : i32
        %add3A_773 = arith.constant 1 : i32
        %add3A_774 = arith.addi %mul3A_772, %add3A_773 : i32
        %get3A_775 = arith.index_cast %add3A_774 : i32 to index
        %get3A_776 = arith.constant 0 : index
        %get3A_777 = tpu.vector_load %arg12[%get3A_775, %get3A_776] {strides = array<i32>} : memref<48x128xf32, #tpu.memory_space<vmem>>, vector<16xf32>,
        %get3A_778 = arith.index_cast %add3A_774 : i32 to index
        %get3A_779 = arith.constant 0 : index
        %get3A_780 = tpu.vector_load %arg14[%get3A_778, %get3A_779] {strides = array<i32>} : memref<48x128xf32, #tpu.memory_space<vmem>>, vector<16xf32>,
        %sub3A_781 = arith.subf %get3A_777, %get3A_780 : vector<16xf32>
        %max3A_782 = arith.constant 0.000000e+00 : f32
        %max3A_783 = vector.broadcast %max3A_782 : f32 to vector<16xf32>
        %max3A_784 = arith.maximumf %sub3A_781, %max3A_783 : vector<16xf32>
        %mul3A_785 = arith.mulf %max3A_784, %get3A_22 : vector<16xf32>
        %get3A_786 = arith.index_cast %add3A_774 : i32 to index
        %get3A_787 = arith.constant 16 : index
        %get3A_788 = tpu.vector_load %arg12[%get3A_786, %get3A_787] {strides = array<i32>} : memref<48x128xf32, #tpu.memory_space<vmem>>, vector<16xf32>,
        %get3A_789 = arith.index_cast %add3A_774 : i32 to index
        %get3A_790 = arith.constant 16 : index
        %get3A_791 = tpu.vector_load %arg14[%get3A_789, %get3A_790] {strides = array<i32>} : memref<48x128xf32, #tpu.memory_space<vmem>>, vector<16xf32>,
        %sub3A_792 = arith.subf %get3A_788, %get3A_791 : vector<16xf32>
        %max3A_793 = arith.constant 0.000000e+00 : f32
        %max3A_794 = vector.broadcast %max3A_793 : f32 to vector<16xf32>
        %max3A_795 = arith.maximumf %sub3A_792, %max3A_794 : vector<16xf32>
        %mul3A_796 = arith.mulf %max3A_795, %get3A_22 : vector<16xf32>
        %get3A_797 = arith.index_cast %add3A_774 : i32 to index
        %get3A_798 = arith.constant 32 : index
        %get3A_799 = tpu.vector_load %arg12[%get3A_797, %get3A_798] {strides = array<i32>} : memref<48x128xf32, #tpu.memory_space<vmem>>, vector<16xf32>,
        %get3A_800 = arith.index_cast %add3A_774 : i32 to index
        %get3A_801 = arith.constant 32 : index
        %get3A_802 = tpu.vector_load %arg14[%get3A_800, %get3A_801] {strides = array<i32>} : memref<48x128xf32, #tpu.memory_space<vmem>>, vector<16xf32>,
        %sub3A_803 = arith.subf %get3A_799, %get3A_802 : vector<16xf32>
        %max3A_804 = arith.constant 0.000000e+00 : f32
        %max3A_805 = vector.broadcast %max3A_804 : f32 to vector<16xf32>
        %max3A_806 = arith.maximumf %sub3A_803, %max3A_805 : vector<16xf32>
        %mul3A_807 = arith.mulf %max3A_806, %get3A_22 : vector<16xf32>
        %get3A_808 = arith.index_cast %add3A_774 : i32 to index
        %get3A_809 = arith.constant 48 : index
        %get3A_810 = tpu.vector_load %arg12[%get3A_808, %get3A_809] {strides = array<i32>} : memref<48x128xf32, #tpu.memory_space<vmem>>, vector<16xf32>,
        %get3A_811 = arith.index_cast %add3A_774 : i32 to index
        %get3A_812 = arith.constant 48 : index
        %get3A_813 = tpu.vector_load %arg14[%get3A_811, %get3A_812] {strides = array<i32>} : memref<48x128xf32, #tpu.memory_space<vmem>>, vector<16xf32>,
        %sub3A_814 = arith.subf %get3A_810, %get3A_813 : vector<16xf32>
        %max3A_815 = arith.constant 0.000000e+00 : f32
        %max3A_816 = vector.broadcast %max3A_815 : f32 to vector<16xf32>
        %max3A_817 = arith.maximumf %sub3A_814, %max3A_816 : vector<16xf32>
        %mul3A_818 = arith.mulf %max3A_817, %get3A_22 : vector<16xf32>
        %get3A_819 = arith.index_cast %add3A_774 : i32 to index
        %get3A_820 = arith.constant 64 : index
        %get3A_821 = tpu.vector_load %arg12[%get3A_819, %get3A_820] {strides = array<i32>} : memref<48x128xf32, #tpu.memory_space<vmem>>, vector<16xf32>,
        %get3A_822 = arith.index_cast %add3A_774 : i32 to index
        %get3A_823 = arith.constant 64 : index
        %get3A_824 = tpu.vector_load %arg14[%get3A_822, %get3A_823] {strides = array<i32>} : memref<48x128xf32, #tpu.memory_space<vmem>>, vector<16xf32>,
        %sub3A_825 = arith.subf %get3A_821, %get3A_824 : vector<16xf32>
        %max3A_826 = arith.constant 0.000000e+00 : f32
        %max3A_827 = vector.broadcast %max3A_826 : f32 to vector<16xf32>
        %max3A_828 = arith.maximumf %sub3A_825, %max3A_827 : vector<16xf32>
        %mul3A_829 = arith.mulf %max3A_828, %get3A_22 : vector<16xf32>
        %get3A_830 = arith.index_cast %add3A_774 : i32 to index
        %get3A_831 = arith.constant 80 : index
        %get3A_832 = tpu.vector_load %arg12[%get3A_830, %get3A_831] {strides = array<i32>} : memref<48x128xf32, #tpu.memory_space<vmem>>, vector<16xf32>,
        %get3A_833 = arith.index_cast %add3A_774 : i32 to index
        %get3A_834 = arith.constant 80 : index
        %get3A_835 = tpu.vector_load %arg14[%get3A_833, %get3A_834] {strides = array<i32>} : memref<48x128xf32, #tpu.memory_space<vmem>>, vector<16xf32>,
        %sub3A_836 = arith.subf %get3A_832, %get3A_835 : vector<16xf32>
        %max3A_837 = arith.constant 0.000000e+00 : f32
        %max3A_838 = vector.broadcast %max3A_837 : f32 to vector<16xf32>
        %max3A_839 = arith.maximumf %sub3A_836, %max3A_838 : vector<16xf32>
        %mul3A_840 = arith.mulf %max3A_839, %get3A_22 : vector<16xf32>
        %get3A_841 = arith.index_cast %add3A_774 : i32 to index
        %get3A_842 = arith.constant 96 : index
        %get3A_843 = tpu.vector_load %arg12[%get3A_841, %get3A_842] {strides = array<i32>} : memref<48x128xf32, #tpu.memory_space<vmem>>, vector<16xf32>,
        %get3A_844 = arith.index_cast %add3A_774 : i32 to index
        %get3A_845 = arith.constant 96 : index
        %get3A_846 = tpu.vector_load %arg14[%get3A_844, %get3A_845] {strides = array<i32>} : memref<48x128xf32, #tpu.memory_space<vmem>>, vector<16xf32>,
        %sub3A_847 = arith.subf %get3A_843, %get3A_846 : vector<16xf32>
        %max3A_848 = arith.constant 0.000000e+00 : f32
        %max3A_849 = vector.broadcast %max3A_848 : f32 to vector<16xf32>
        %max3A_850 = arith.maximumf %sub3A_847, %max3A_849 : vector<16xf32>
        %mul3A_851 = arith.mulf %max3A_850, %get3A_22 : vector<16xf32>
        %get3A_852 = arith.index_cast %add3A_774 : i32 to index
        %get3A_853 = arith.constant 112 : index
        %get3A_854 = tpu.vector_load %arg12[%get3A_852, %get3A_853] {strides = array<i32>} : memref<48x128xf32, #tpu.memory_space<vmem>>, vector<16xf32>,
        %get3A_855 = arith.index_cast %add3A_774 : i32 to index
        %get3A_856 = arith.constant 112 : index
        %get3A_857 = tpu.vector_load %arg14[%get3A_855, %get3A_856] {strides = array<i32>} : memref<48x128xf32, #tpu.memory_space<vmem>>, vector<16xf32>,
        %sub3A_858 = arith.subf %get3A_854, %get3A_857 : vector<16xf32>
        %max3A_859 = arith.constant 0.000000e+00 : f32
        %max3A_860 = vector.broadcast %max3A_859 : f32 to vector<16xf32>
        %max3A_861 = arith.maximumf %sub3A_858, %max3A_860 : vector<16xf32>
        %mul3A_862 = arith.mulf %max3A_861, %get3A_22 : vector<16xf32>
        %reduce_sum3A_863 = arith.constant true
        %reduce_sum3A_864 = vector.broadcast %reduce_sum3A_863 : i1 to vector<16xi1>
        %reduce_sum3A_865 = tpu.scan <sum>, %mul3A_785 masked %reduce_sum3A_864 : vector<16xf32>, vector<16xi1> -> vector<16xf32>
        %reduce_sum3A_866 = vector.extract %reduce_sum3A_865[15] : f32 from vector<16xf32>
        %reduce_sum3A_867 = arith.constant true
        %reduce_sum3A_868 = vector.broadcast %reduce_sum3A_867 : i1 to vector<16xi1>
        %reduce_sum3A_869 = tpu.scan <sum>, %mul3A_796 masked %reduce_sum3A_868 : vector<16xf32>, vector<16xi1> -> vector<16xf32>
        %reduce_sum3A_870 = vector.extract %reduce_sum3A_869[15] : f32 from vector<16xf32>
        %reduce_sum3A_871 = arith.constant true
        %reduce_sum3A_872 = vector.broadcast %reduce_sum3A_871 : i1 to vector<16xi1>
        %reduce_sum3A_873 = tpu.scan <sum>, %mul3A_807 masked %reduce_sum3A_872 : vector<16xf32>, vector<16xi1> -> vector<16xf32>
        %reduce_sum3A_874 = vector.extract %reduce_sum3A_873[15] : f32 from vector<16xf32>
        %reduce_sum3A_875 = arith.constant true
        %reduce_sum3A_876 = vector.broadcast %reduce_sum3A_875 : i1 to vector<16xi1>
        %reduce_sum3A_877 = tpu.scan <sum>, %mul3A_818 masked %reduce_sum3A_876 : vector<16xf32>, vector<16xi1> -> vector<16xf32>
        %reduce_sum3A_878 = vector.extract %reduce_sum3A_877[15] : f32 from vector<16xf32>
        %reduce_sum3A_879 = arith.constant true
        %reduce_sum3A_880 = vector.broadcast %reduce_sum3A_879 : i1 to vector<16xi1>
        %reduce_sum3A_881 = tpu.scan <sum>, %mul3A_829 masked %reduce_sum3A_880 : vector<16xf32>, vector<16xi1> -> vector<16xf32>
        %reduce_sum3A_882 = vector.extract %reduce_sum3A_881[15] : f32 from vector<16xf32>
        %reduce_sum3A_883 = arith.constant true
        %reduce_sum3A_884 = vector.broadcast %reduce_sum3A_883 : i1 to vector<16xi1>
        %reduce_sum3A_885 = tpu.scan <sum>, %mul3A_840 masked %reduce_sum3A_884 : vector<16xf32>, vector<16xi1> -> vector<16xf32>
        %reduce_sum3A_886 = vector.extract %reduce_sum3A_885[15] : f32 from vector<16xf32>
        %reduce_sum3A_887 = arith.constant true
        %reduce_sum3A_888 = vector.broadcast %reduce_sum3A_887 : i1 to vector<16xi1>
        %reduce_sum3A_889 = tpu.scan <sum>, %mul3A_851 masked %reduce_sum3A_888 : vector<16xf32>, vector<16xi1> -> vector<16xf32>
        %reduce_sum3A_890 = vector.extract %reduce_sum3A_889[15] : f32 from vector<16xf32>
        %reduce_sum3A_891 = arith.constant true
        %reduce_sum3A_892 = vector.broadcast %reduce_sum3A_891 : i1 to vector<16xi1>
        %reduce_sum3A_893 = tpu.scan <sum>, %mul3A_862 masked %reduce_sum3A_892 : vector<16xf32>, vector<16xi1> -> vector<16xf32>
        %reduce_sum3A_894 = vector.extract %reduce_sum3A_893[15] : f32 from vector<16xf32>
        %broadcast_in_dim3A_895 = arith.constant 0.000000e+00 : f32
        %broadcast_in_dim3A_896 = vector.broadcast %broadcast_in_dim3A_895 : f32 to vector<16xf32>
        %eq3A_897 = arith.constant 0 : i32
        %eq3A_898 = vector.broadcast %eq3A_897 : i32 to vector<16xi32>
        %eq3A_899 = arith.cmpi eq, %iota3A, %eq3A_898 : vector<16xi32>
        %broadcast_in_dim3A_900 = vector.broadcast %reduce_sum3A_866 : f32 to vector<16xf32>
        %select_n3A_901 = arith.select %eq3A_899, %broadcast_in_dim3A_900, %broadcast_in_dim3A_896 : vector<16xi1>, vector<16xf32>
        %eq3A_902 = arith.constant 1 : i32
        %eq3A_903 = vector.broadcast %eq3A_902 : i32 to vector<16xi32>
        %eq3A_904 = arith.cmpi eq, %iota3A, %eq3A_903 : vector<16xi32>
        %broadcast_in_dim3A_905 = vector.broadcast %reduce_sum3A_870 : f32 to vector<16xf32>
        %select_n3A_906 = arith.select %eq3A_904, %broadcast_in_dim3A_905, %select_n3A_901 : vector<16xi1>, vector<16xf32>
        %eq3A_907 = arith.constant 2 : i32
        %eq3A_908 = vector.broadcast %eq3A_907 : i32 to vector<16xi32>
        %eq3A_909 = arith.cmpi eq, %iota3A, %eq3A_908 : vector<16xi32>
        %broadcast_in_dim3A_910 = vector.broadcast %reduce_sum3A_874 : f32 to vector<16xf32>
        %select_n3A_911 = arith.select %eq3A_909, %broadcast_in_dim3A_910, %select_n3A_906 : vector<16xi1>, vector<16xf32>
        %eq3A_912 = arith.constant 3 : i32
        %eq3A_913 = vector.broadcast %eq3A_912 : i32 to vector<16xi32>
        %eq3A_914 = arith.cmpi eq, %iota3A, %eq3A_913 : vector<16xi32>
        %broadcast_in_dim3A_915 = vector.broadcast %reduce_sum3A_878 : f32 to vector<16xf32>
        %select_n3A_916 = arith.select %eq3A_914, %broadcast_in_dim3A_915, %select_n3A_911 : vector<16xi1>, vector<16xf32>
        %eq3A_917 = arith.constant 4 : i32
        %eq3A_918 = vector.broadcast %eq3A_917 : i32 to vector<16xi32>
        %eq3A_919 = arith.cmpi eq, %iota3A, %eq3A_918 : vector<16xi32>
        %broadcast_in_dim3A_920 = vector.broadcast %reduce_sum3A_882 : f32 to vector<16xf32>
        %select_n3A_921 = arith.select %eq3A_919, %broadcast_in_dim3A_920, %select_n3A_916 : vector<16xi1>, vector<16xf32>
        %eq3A_922 = arith.constant 5 : i32
        %eq3A_923 = vector.broadcast %eq3A_922 : i32 to vector<16xi32>
        %eq3A_924 = arith.cmpi eq, %iota3A, %eq3A_923 : vector<16xi32>
        %broadcast_in_dim3A_925 = vector.broadcast %reduce_sum3A_886 : f32 to vector<16xf32>
        %select_n3A_926 = arith.select %eq3A_924, %broadcast_in_dim3A_925, %select_n3A_921 : vector<16xi1>, vector<16xf32>
        %eq3A_927 = arith.constant 6 : i32
        %eq3A_928 = vector.broadcast %eq3A_927 : i32 to vector<16xi32>
        %eq3A_929 = arith.cmpi eq, %iota3A, %eq3A_928 : vector<16xi32>
        %broadcast_in_dim3A_930 = vector.broadcast %reduce_sum3A_890 : f32 to vector<16xf32>
        %select_n3A_931 = arith.select %eq3A_929, %broadcast_in_dim3A_930, %select_n3A_926 : vector<16xi1>, vector<16xf32>
        %eq3A_932 = arith.constant 7 : i32
        %eq3A_933 = vector.broadcast %eq3A_932 : i32 to vector<16xi32>
        %eq3A_934 = arith.cmpi eq, %iota3A, %eq3A_933 : vector<16xi32>
        %broadcast_in_dim3A_935 = vector.broadcast %reduce_sum3A_894 : f32 to vector<16xf32>
        %select_n3A_936 = arith.select %eq3A_934, %broadcast_in_dim3A_935, %select_n3A_931 : vector<16xi1>, vector<16xf32>
        %add3A_937 = arith.addf %select_n3A_936, %get3A_24 : vector<16xf32>
        %max3A_938 = arith.constant -5.000000e+00 : f32
        %max3A_939 = vector.broadcast %max3A_938 : f32 to vector<16xf32>
        %max3A_940 = arith.maximumf %add3A_937, %max3A_939 : vector<16xf32>
        %min3A_941 = arith.constant 5.000000e+00 : f32
        %min3A_942 = vector.broadcast %min3A_941 : f32 to vector<16xf32>
        %min3A_943 = arith.minimumf %max3A_940, %min3A_942 : vector<16xf32>
        %exp3A_944 = math.exp %min3A_943 : vector<16xf32>
        %lt3A_945 = arith.constant 8 : i32
        %lt3A_946 = vector.broadcast %lt3A_945 : i32 to vector<16xi32>
        %lt3A_947 = arith.cmpi slt, %iota3A, %lt3A_946 : vector<16xi32>
        %jit3A_948 = arith.constant 0.000000e+00 : f32
        %broadcast_in_dim3A_949 = vector.broadcast %jit3A_948 : f32 to vector<16xf32>
        %select_n3A_950 = arith.select %lt3A_947, %exp3A_944, %broadcast_in_dim3A_949 : vector<16xi1>, vector<16xf32>
        %swap3A_951 = arith.index_cast %add3A_774 : i32 to index
        %swap3A_952 = arith.constant 128 : index
        %swap3A_953 = tpu.vector_load %arg16[%swap3A_951, %swap3A_952] {strides = array<i32>} : memref<48x144xf32, #tpu.memory_space<vmem>>, vector<16xf32>,
        tpu.vector_store %arg16[%swap3A_951, %swap3A_952], %select_n3A_950 {strides = array<i32>} : memref<48x144xf32, #tpu.memory_space<vmem>>, vector<16xf32>,
        %slice3A_954 = vector.extract_strided_slice %select_n3A_950 {offsets = [0], sizes = [1], strides = [1]} : vector<16xf32> to vector<1xf32>
        %squeeze3A_955 = vector.extract %slice3A_954[0] : f32 from vector<1xf32>
        %get3A_956 = arith.index_cast %add3A_774 : i32 to index
        %get3A_957 = arith.constant 0 : index
        %get3A_958 = tpu.vector_load %arg16[%get3A_956, %get3A_957] {strides = array<i32>} : memref<48x144xf32, #tpu.memory_space<vmem>>, vector<16xf32>,
        %mul3A_959 = vector.broadcast %squeeze3A_955 : f32 to vector<16xf32>
        %mul3A_960 = arith.mulf %get3A_958, %mul3A_959 : vector<16xf32>
        %swap3A_961 = arith.index_cast %add3A_774 : i32 to index
        %swap3A_962 = arith.constant 0 : index
        %swap3A_963 = tpu.vector_load %arg16[%swap3A_961, %swap3A_962] {strides = array<i32>} : memref<48x144xf32, #tpu.memory_space<vmem>>, vector<16xf32>,
        tpu.vector_store %arg16[%swap3A_961, %swap3A_962], %mul3A_960 {strides = array<i32>} : memref<48x144xf32, #tpu.memory_space<vmem>>, vector<16xf32>,
        %slice3A_964 = vector.extract_strided_slice %select_n3A_950 {offsets = [1], sizes = [1], strides = [1]} : vector<16xf32> to vector<1xf32>
        %squeeze3A_965 = vector.extract %slice3A_964[0] : f32 from vector<1xf32>
        %get3A_966 = arith.index_cast %add3A_774 : i32 to index
        %get3A_967 = arith.constant 16 : index
        %get3A_968 = tpu.vector_load %arg16[%get3A_966, %get3A_967] {strides = array<i32>} : memref<48x144xf32, #tpu.memory_space<vmem>>, vector<16xf32>,
        %mul3A_969 = vector.broadcast %squeeze3A_965 : f32 to vector<16xf32>
        %mul3A_970 = arith.mulf %get3A_968, %mul3A_969 : vector<16xf32>
        %swap3A_971 = arith.index_cast %add3A_774 : i32 to index
        %swap3A_972 = arith.constant 16 : index
        %swap3A_973 = tpu.vector_load %arg16[%swap3A_971, %swap3A_972] {strides = array<i32>} : memref<48x144xf32, #tpu.memory_space<vmem>>, vector<16xf32>,
        tpu.vector_store %arg16[%swap3A_971, %swap3A_972], %mul3A_970 {strides = array<i32>} : memref<48x144xf32, #tpu.memory_space<vmem>>, vector<16xf32>,
        %slice3A_974 = vector.extract_strided_slice %select_n3A_950 {offsets = [2], sizes = [1], strides = [1]} : vector<16xf32> to vector<1xf32>
        %squeeze3A_975 = vector.extract %slice3A_974[0] : f32 from vector<1xf32>
        %get3A_976 = arith.index_cast %add3A_774 : i32 to index
        %get3A_977 = arith.constant 32 : index
        %get3A_978 = tpu.vector_load %arg16[%get3A_976, %get3A_977] {strides = array<i32>} : memref<48x144xf32, #tpu.memory_space<vmem>>, vector<16xf32>,
        %mul3A_979 = vector.broadcast %squeeze3A_975 : f32 to vector<16xf32>
        %mul3A_980 = arith.mulf %get3A_978, %mul3A_979 : vector<16xf32>
        %swap3A_981 = arith.index_cast %add3A_774 : i32 to index
        %swap3A_982 = arith.constant 32 : index
        %swap3A_983 = tpu.vector_load %arg16[%swap3A_981, %swap3A_982] {strides = array<i32>} : memref<48x144xf32, #tpu.memory_space<vmem>>, vector<16xf32>,
        tpu.vector_store %arg16[%swap3A_981, %swap3A_982], %mul3A_980 {strides = array<i32>} : memref<48x144xf32, #tpu.memory_space<vmem>>, vector<16xf32>,
        %slice3A_984 = vector.extract_strided_slice %select_n3A_950 {offsets = [3], sizes = [1], strides = [1]} : vector<16xf32> to vector<1xf32>
        %squeeze3A_985 = vector.extract %slice3A_984[0] : f32 from vector<1xf32>
        %get3A_986 = arith.index_cast %add3A_774 : i32 to index
        %get3A_987 = arith.constant 48 : index
        %get3A_988 = tpu.vector_load %arg16[%get3A_986, %get3A_987] {strides = array<i32>} : memref<48x144xf32, #tpu.memory_space<vmem>>, vector<16xf32>,
        %mul3A_989 = vector.broadcast %squeeze3A_985 : f32 to vector<16xf32>
        %mul3A_990 = arith.mulf %get3A_988, %mul3A_989 : vector<16xf32>
        %swap3A_991 = arith.index_cast %add3A_774 : i32 to index
        %swap3A_992 = arith.constant 48 : index
        %swap3A_993 = tpu.vector_load %arg16[%swap3A_991, %swap3A_992] {strides = array<i32>} : memref<48x144xf32, #tpu.memory_space<vmem>>, vector<16xf32>,
        tpu.vector_store %arg16[%swap3A_991, %swap3A_992], %mul3A_990 {strides = array<i32>} : memref<48x144xf32, #tpu.memory_space<vmem>>, vector<16xf32>,
        %slice3A_994 = vector.extract_strided_slice %select_n3A_950 {offsets = [4], sizes = [1], strides = [1]} : vector<16xf32> to vector<1xf32>
        %squeeze3A_995 = vector.extract %slice3A_994[0] : f32 from vector<1xf32>
        %get3A_996 = arith.index_cast %add3A_774 : i32 to index
        %get3A_997 = arith.constant 64 : index
        %get3A_998 = tpu.vector_load %arg16[%get3A_996, %get3A_997] {strides = array<i32>} : memref<48x144xf32, #tpu.memory_space<vmem>>, vector<16xf32>,
        %mul3A_999 = vector.broadcast %squeeze3A_995 : f32 to vector<16xf32>
        %mul3A_1000 = arith.mulf %get3A_998, %mul3A_999 : vector<16xf32>
        %swap3A_1001 = arith.index_cast %add3A_774 : i32 to index
        %swap3A_1002 = arith.constant 64 : index
        %swap3A_1003 = tpu.vector_load %arg16[%swap3A_1001, %swap3A_1002] {strides = array<i32>} : memref<48x144xf32, #tpu.memory_space<vmem>>, vector<16xf32>,
        tpu.vector_store %arg16[%swap3A_1001, %swap3A_1002], %mul3A_1000 {strides = array<i32>} : memref<48x144xf32, #tpu.memory_space<vmem>>, vector<16xf32>,
        %slice3A_1004 = vector.extract_strided_slice %select_n3A_950 {offsets = [5], sizes = [1], strides = [1]} : vector<16xf32> to vector<1xf32>
        %squeeze3A_1005 = vector.extract %slice3A_1004[0] : f32 from vector<1xf32>
        %get3A_1006 = arith.index_cast %add3A_774 : i32 to index
        %get3A_1007 = arith.constant 80 : index
        %get3A_1008 = tpu.vector_load %arg16[%get3A_1006, %get3A_1007] {strides = array<i32>} : memref<48x144xf32, #tpu.memory_space<vmem>>, vector<16xf32>,
        %mul3A_1009 = vector.broadcast %squeeze3A_1005 : f32 to vector<16xf32>
        %mul3A_1010 = arith.mulf %get3A_1008, %mul3A_1009 : vector<16xf32>
        %swap3A_1011 = arith.index_cast %add3A_774 : i32 to index
        %swap3A_1012 = arith.constant 80 : index
        %swap3A_1013 = tpu.vector_load %arg16[%swap3A_1011, %swap3A_1012] {strides = array<i32>} : memref<48x144xf32, #tpu.memory_space<vmem>>, vector<16xf32>,
        tpu.vector_store %arg16[%swap3A_1011, %swap3A_1012], %mul3A_1010 {strides = array<i32>} : memref<48x144xf32, #tpu.memory_space<vmem>>, vector<16xf32>,
        %slice3A_1014 = vector.extract_strided_slice %select_n3A_950 {offsets = [6], sizes = [1], strides = [1]} : vector<16xf32> to vector<1xf32>
        %squeeze3A_1015 = vector.extract %slice3A_1014[0] : f32 from vector<1xf32>
        %get3A_1016 = arith.index_cast %add3A_774 : i32 to index
        %get3A_1017 = arith.constant 96 : index
        %get3A_1018 = tpu.vector_load %arg16[%get3A_1016, %get3A_1017] {strides = array<i32>} : memref<48x144xf32, #tpu.memory_space<vmem>>, vector<16xf32>,
        %mul3A_1019 = vector.broadcast %squeeze3A_1015 : f32 to vector<16xf32>
        %mul3A_1020 = arith.mulf %get3A_1018, %mul3A_1019 : vector<16xf32>
        %swap3A_1021 = arith.index_cast %add3A_774 : i32 to index
        %swap3A_1022 = arith.constant 96 : index
        %swap3A_1023 = tpu.vector_load %arg16[%swap3A_1021, %swap3A_1022] {strides = array<i32>} : memref<48x144xf32, #tpu.memory_space<vmem>>, vector<16xf32>,
        tpu.vector_store %arg16[%swap3A_1021, %swap3A_1022], %mul3A_1020 {strides = array<i32>} : memref<48x144xf32, #tpu.memory_space<vmem>>, vector<16xf32>,
        %slice3A_1024 = vector.extract_strided_slice %select_n3A_950 {offsets = [7], sizes = [1], strides = [1]} : vector<16xf32> to vector<1xf32>
        %squeeze3A_1025 = vector.extract %slice3A_1024[0] : f32 from vector<1xf32>
        %get3A_1026 = arith.index_cast %add3A_774 : i32 to index
        %get3A_1027 = arith.constant 112 : index
        %get3A_1028 = tpu.vector_load %arg16[%get3A_1026, %get3A_1027] {strides = array<i32>} : memref<48x144xf32, #tpu.memory_space<vmem>>, vector<16xf32>,
        %mul3A_1029 = vector.broadcast %squeeze3A_1025 : f32 to vector<16xf32>
        %mul3A_1030 = arith.mulf %get3A_1028, %mul3A_1029 : vector<16xf32>
        %swap3A_1031 = arith.index_cast %add3A_774 : i32 to index
        %swap3A_1032 = arith.constant 112 : index
        %swap3A_1033 = tpu.vector_load %arg16[%swap3A_1031, %swap3A_1032] {strides = array<i32>} : memref<48x144xf32, #tpu.memory_space<vmem>>, vector<16xf32>,
        tpu.vector_store %arg16[%swap3A_1031, %swap3A_1032], %mul3A_1030 {strides = array<i32>} : memref<48x144xf32, #tpu.memory_space<vmem>>, vector<16xf32>,
        %scan3A_1034 = arith.constant 0 : i32
        scf.yield %scan3A_1034 : i32
      }
      %scan3A_504 = arith.constant 24 : i32
      %add3A_505 = arith.constant 4 : i32
      %add3A_506 = arith.addi %add3A_505, %select_n3A_497 : i32
      %dma_start3A_507 = arith.constant 0 : i32
      %dma_start3A_508 = tpu.memref_slice %arg10[%add3A_506, %dma_start3A_507] : memref<8x48xi32, #tpu.memory_space<vmem>> -> memref<1x48xi32, #tpu.memory_space<vmem>>
      %dma_start3A_509 = tpu.memref_squeeze %dma_start3A_508 : memref<1x48xi32, #tpu.memory_space<vmem>> -> memref<48xi32, #tpu.memory_space<vmem>>
      %dma_start3A_510 = arith.constant 0 : i32
      %dma_start3A_511 = arith.constant 0 : i32
      %dma_start3A_512 = tpu.memref_slice %arg18[%dma_start3A_510, %dma_start3A_511] : memref<10008x144xf32, #tpu.memory_space<vmem_shared>> -> memref<10008x144xf32, #tpu.memory_space<vmem_shared>>
      tpu.enqueue_indirect_dma source(%arg16 : memref<48x144xf32, #tpu.memory_space<vmem>>) target(%dma_start3A_512 : memref<10008x144xf32, #tpu.memory_space<vmem_shared>>) offsets(%dma_start3A_509 : memref<48xi32, #tpu.memory_space<vmem>>) semaphore(%arg23 : memref<!tpu.dma_semaphore, #tpu.memory_space<semaphore_mem>>) {add = true}
      %scan3A_513 = arith.constant 0 : i32
      scf.yield %scan3A_513 : i32
    }
    %scan3A_156 = arith.constant 104 : i32
    %dma_wait3A_157 = arith.constant 0 : i32
    %dma_wait3A_158 = arith.constant 0 : i32
    %dma_wait3A_159 = tpu.memref_slice %arg10[%dma_wait3A_157, %dma_wait3A_158] : memref<8x48xi32, #tpu.memory_space<vmem>> -> memref<1x48xi32, #tpu.memory_space<vmem>>
    %dma_wait3A_160 = tpu.memref_squeeze %dma_wait3A_159 : memref<1x48xi32, #tpu.memory_space<vmem>> -> memref<48xi32, #tpu.memory_space<vmem>>
    %dma_wait3A_161 = arith.constant 0 : i32
    %dma_wait3A_162 = arith.constant 0 : i32
    %dma_wait3A_163 = tpu.memref_slice %arg4[%dma_wait3A_161, %dma_wait3A_162] : memref<10000x128xf32, #tpu.memory_space<hbm>> -> memref<10000x128xf32, #tpu.memory_space<hbm>>
    tpu.wait_indirect_dma semaphore(%arg20 : memref<!tpu.dma_semaphore, #tpu.memory_space<semaphore_mem>>) src(%dma_wait3A_163 : memref<10000x128xf32, #tpu.memory_space<hbm>>) dst(%arg11 : memref<48x128xf32, #tpu.memory_space<vmem>>)
    %dma_wait3A_164 = arith.constant 4 : i32
    %dma_wait3A_165 = arith.constant 0 : i32
    %dma_wait3A_166 = tpu.memref_slice %arg10[%dma_wait3A_164, %dma_wait3A_165] : memref<8x48xi32, #tpu.memory_space<vmem>> -> memref<1x48xi32, #tpu.memory_space<vmem>>
    %dma_wait3A_167 = tpu.memref_squeeze %dma_wait3A_166 : memref<1x48xi32, #tpu.memory_space<vmem>> -> memref<48xi32, #tpu.memory_space<vmem>>
    %dma_wait3A_168 = arith.constant 0 : i32
    %dma_wait3A_169 = arith.constant 0 : i32
    %dma_wait3A_170 = tpu.memref_slice %arg6[%dma_wait3A_168, %dma_wait3A_169] : memref<10000x128xf32, #tpu.memory_space<hbm>> -> memref<10000x128xf32, #tpu.memory_space<hbm>>
    tpu.wait_indirect_dma semaphore(%arg20 : memref<!tpu.dma_semaphore, #tpu.memory_space<semaphore_mem>>) src(%dma_wait3A_170 : memref<10000x128xf32, #tpu.memory_space<hbm>>) dst(%arg13 : memref<48x128xf32, #tpu.memory_space<vmem>>)
    %dma_wait3A_171 = arith.constant 0 : i32
    %dma_wait3A_172 = arith.constant 0 : i32
    %dma_wait3A_173 = tpu.memref_slice %arg10[%dma_wait3A_171, %dma_wait3A_172] : memref<8x48xi32, #tpu.memory_space<vmem>> -> memref<1x48xi32, #tpu.memory_space<vmem>>
    %dma_wait3A_174 = tpu.memref_squeeze %dma_wait3A_173 : memref<1x48xi32, #tpu.memory_space<vmem>> -> memref<48xi32, #tpu.memory_space<vmem>>
    %dma_wait3A_175 = arith.constant 0 : i32
    %dma_wait3A_176 = arith.constant 0 : i32
    %dma_wait3A_177 = tpu.memref_slice %arg5[%dma_wait3A_175, %dma_wait3A_176] : memref<10000x144xf32, #tpu.memory_space<hbm>> -> memref<10000x144xf32, #tpu.memory_space<hbm>>
    tpu.wait_indirect_dma semaphore(%arg20 : memref<!tpu.dma_semaphore, #tpu.memory_space<semaphore_mem>>) src(%dma_wait3A_177 : memref<10000x144xf32, #tpu.memory_space<hbm>>) dst(%arg15 : memref<48x144xf32, #tpu.memory_space<vmem>>)
    %dma_wait3A_178 = arith.constant 4 : i32
    %dma_wait3A_179 = arith.constant 0 : i32
    %dma_wait3A_180 = tpu.memref_slice %arg10[%dma_wait3A_178, %dma_wait3A_179] : memref<8x48xi32, #tpu.memory_space<vmem>> -> memref<1x48xi32, #tpu.memory_space<vmem>>
    %dma_wait3A_181 = tpu.memref_squeeze %dma_wait3A_180 : memref<1x48xi32, #tpu.memory_space<vmem>> -> memref<48xi32, #tpu.memory_space<vmem>>
    %dma_wait3A_182 = arith.constant 0 : i32
    %dma_wait3A_183 = arith.constant 0 : i32
    %dma_wait3A_184 = tpu.memref_slice %arg18[%dma_wait3A_182, %dma_wait3A_183] : memref<10008x144xf32, #tpu.memory_space<vmem_shared>> -> memref<10008x144xf32, #tpu.memory_space<vmem_shared>>
    tpu.wait_indirect_dma semaphore(%arg23 : memref<!tpu.dma_semaphore, #tpu.memory_space<semaphore_mem>>) src(%arg16 : memref<48x144xf32, #tpu.memory_space<vmem>>) dst(%dma_wait3A_184 : memref<10008x144xf32, #tpu.memory_space<vmem_shared>>)
    %scan3A_185 = arith.constant 0 : i32
    %scan3A_186 = arith.constant 0 : i32
    %scan3A_187 = arith.constant 24 : i32
    %scan3A_188 = arith.addi %scan3A_186, %scan3A_187 : i32
    %scan3A_189 = arith.constant 1 : i32
    %scan3A_190 = scf.for %scan3A_219 = %scan3A_186 to %scan3A_188 step %scan3A_189 iter_args(%scan3A_220 = %scan3A_185) -> (i32)  : i32 {
      %mul3A_221 = arith.constant 2 : i32
      %mul3A_222 = arith.muli %scan3A_219, %mul3A_221 : i32
      %add3A_223 = arith.constant 0 : i32
      %add3A_224 = arith.addi %mul3A_222, %add3A_223 : i32
      %get3A_225 = arith.index_cast %add3A_224 : i32 to index
      %get3A_226 = arith.constant 0 : index
      %get3A_227 = tpu.vector_load %arg11[%get3A_225, %get3A_226] {strides = array<i32>} : memref<48x128xf32, #tpu.memory_space<vmem>>, vector<16xf32>,
      %get3A_228 = arith.index_cast %add3A_224 : i32 to index
      %get3A_229 = arith.constant 0 : index
      %get3A_230 = tpu.vector_load %arg13[%get3A_228, %get3A_229] {strides = array<i32>} : memref<48x128xf32, #tpu.memory_space<vmem>>, vector<16xf32>,
      %sub3A = arith.subf %get3A_227, %get3A_230 : vector<16xf32>
      %max3A = arith.constant 0.000000e+00 : f32
      %max3A_231 = vector.broadcast %max3A : f32 to vector<16xf32>
      %max3A_232 = arith.maximumf %sub3A, %max3A_231 : vector<16xf32>
      %mul3A_233 = arith.mulf %max3A_232, %get3A_22 : vector<16xf32>
      %get3A_234 = arith.index_cast %add3A_224 : i32 to index
      %get3A_235 = arith.constant 16 : index
      %get3A_236 = tpu.vector_load %arg11[%get3A_234, %get3A_235] {strides = array<i32>} : memref<48x128xf32, #tpu.memory_space<vmem>>, vector<16xf32>,
      %get3A_237 = arith.index_cast %add3A_224 : i32 to index
      %get3A_238 = arith.constant 16 : index
      %get3A_239 = tpu.vector_load %arg13[%get3A_237, %get3A_238] {strides = array<i32>} : memref<48x128xf32, #tpu.memory_space<vmem>>, vector<16xf32>,
      %sub3A_240 = arith.subf %get3A_236, %get3A_239 : vector<16xf32>
      %max3A_241 = arith.constant 0.000000e+00 : f32
      %max3A_242 = vector.broadcast %max3A_241 : f32 to vector<16xf32>
      %max3A_243 = arith.maximumf %sub3A_240, %max3A_242 : vector<16xf32>
      %mul3A_244 = arith.mulf %max3A_243, %get3A_22 : vector<16xf32>
      %get3A_245 = arith.index_cast %add3A_224 : i32 to index
      %get3A_246 = arith.constant 32 : index
      %get3A_247 = tpu.vector_load %arg11[%get3A_245, %get3A_246] {strides = array<i32>} : memref<48x128xf32, #tpu.memory_space<vmem>>, vector<16xf32>,
      %get3A_248 = arith.index_cast %add3A_224 : i32 to index
      %get3A_249 = arith.constant 32 : index
      %get3A_250 = tpu.vector_load %arg13[%get3A_248, %get3A_249] {strides = array<i32>} : memref<48x128xf32, #tpu.memory_space<vmem>>, vector<16xf32>,
      %sub3A_251 = arith.subf %get3A_247, %get3A_250 : vector<16xf32>
      %max3A_252 = arith.constant 0.000000e+00 : f32
      %max3A_253 = vector.broadcast %max3A_252 : f32 to vector<16xf32>
      %max3A_254 = arith.maximumf %sub3A_251, %max3A_253 : vector<16xf32>
      %mul3A_255 = arith.mulf %max3A_254, %get3A_22 : vector<16xf32>
      %get3A_256 = arith.index_cast %add3A_224 : i32 to index
      %get3A_257 = arith.constant 48 : index
      %get3A_258 = tpu.vector_load %arg11[%get3A_256, %get3A_257] {strides = array<i32>} : memref<48x128xf32, #tpu.memory_space<vmem>>, vector<16xf32>,
      %get3A_259 = arith.index_cast %add3A_224 : i32 to index
      %get3A_260 = arith.constant 48 : index
      %get3A_261 = tpu.vector_load %arg13[%get3A_259, %get3A_260] {strides = array<i32>} : memref<48x128xf32, #tpu.memory_space<vmem>>, vector<16xf32>,
      %sub3A_262 = arith.subf %get3A_258, %get3A_261 : vector<16xf32>
      %max3A_263 = arith.constant 0.000000e+00 : f32
      %max3A_264 = vector.broadcast %max3A_263 : f32 to vector<16xf32>
      %max3A_265 = arith.maximumf %sub3A_262, %max3A_264 : vector<16xf32>
      %mul3A_266 = arith.mulf %max3A_265, %get3A_22 : vector<16xf32>
      %get3A_267 = arith.index_cast %add3A_224 : i32 to index
      %get3A_268 = arith.constant 64 : index
      %get3A_269 = tpu.vector_load %arg11[%get3A_267, %get3A_268] {strides = array<i32>} : memref<48x128xf32, #tpu.memory_space<vmem>>, vector<16xf32>,
      %get3A_270 = arith.index_cast %add3A_224 : i32 to index
      %get3A_271 = arith.constant 64 : index
      %get3A_272 = tpu.vector_load %arg13[%get3A_270, %get3A_271] {strides = array<i32>} : memref<48x128xf32, #tpu.memory_space<vmem>>, vector<16xf32>,
      %sub3A_273 = arith.subf %get3A_269, %get3A_272 : vector<16xf32>
      %max3A_274 = arith.constant 0.000000e+00 : f32
      %max3A_275 = vector.broadcast %max3A_274 : f32 to vector<16xf32>
      %max3A_276 = arith.maximumf %sub3A_273, %max3A_275 : vector<16xf32>
      %mul3A_277 = arith.mulf %max3A_276, %get3A_22 : vector<16xf32>
      %get3A_278 = arith.index_cast %add3A_224 : i32 to index
      %get3A_279 = arith.constant 80 : index
      %get3A_280 = tpu.vector_load %arg11[%get3A_278, %get3A_279] {strides = array<i32>} : memref<48x128xf32, #tpu.memory_space<vmem>>, vector<16xf32>,
      %get3A_281 = arith.index_cast %add3A_224 : i32 to index
      %get3A_282 = arith.constant 80 : index
      %get3A_283 = tpu.vector_load %arg13[%get3A_281, %get3A_282] {strides = array<i32>} : memref<48x128xf32, #tpu.memory_space<vmem>>, vector<16xf32>,
      %sub3A_284 = arith.subf %get3A_280, %get3A_283 : vector<16xf32>
      %max3A_285 = arith.constant 0.000000e+00 : f32
      %max3A_286 = vector.broadcast %max3A_285 : f32 to vector<16xf32>
      %max3A_287 = arith.maximumf %sub3A_284, %max3A_286 : vector<16xf32>
      %mul3A_288 = arith.mulf %max3A_287, %get3A_22 : vector<16xf32>
      %get3A_289 = arith.index_cast %add3A_224 : i32 to index
      %get3A_290 = arith.constant 96 : index
      %get3A_291 = tpu.vector_load %arg11[%get3A_289, %get3A_290] {strides = array<i32>} : memref<48x128xf32, #tpu.memory_space<vmem>>, vector<16xf32>,
      %get3A_292 = arith.index_cast %add3A_224 : i32 to index
      %get3A_293 = arith.constant 96 : index
      %get3A_294 = tpu.vector_load %arg13[%get3A_292, %get3A_293] {strides = array<i32>} : memref<48x128xf32, #tpu.memory_space<vmem>>, vector<16xf32>,
      %sub3A_295 = arith.subf %get3A_291, %get3A_294 : vector<16xf32>
      %max3A_296 = arith.constant 0.000000e+00 : f32
      %max3A_297 = vector.broadcast %max3A_296 : f32 to vector<16xf32>
      %max3A_298 = arith.maximumf %sub3A_295, %max3A_297 : vector<16xf32>
      %mul3A_299 = arith.mulf %max3A_298, %get3A_22 : vector<16xf32>
      %get3A_300 = arith.index_cast %add3A_224 : i32 to index
      %get3A_301 = arith.constant 112 : index
      %get3A_302 = tpu.vector_load %arg11[%get3A_300, %get3A_301] {strides = array<i32>} : memref<48x128xf32, #tpu.memory_space<vmem>>, vector<16xf32>,
      %get3A_303 = arith.index_cast %add3A_224 : i32 to index
      %get3A_304 = arith.constant 112 : index
      %get3A_305 = tpu.vector_load %arg13[%get3A_303, %get3A_304] {strides = array<i32>} : memref<48x128xf32, #tpu.memory_space<vmem>>, vector<16xf32>,
      %sub3A_306 = arith.subf %get3A_302, %get3A_305 : vector<16xf32>
      %max3A_307 = arith.constant 0.000000e+00 : f32
      %max3A_308 = vector.broadcast %max3A_307 : f32 to vector<16xf32>
      %max3A_309 = arith.maximumf %sub3A_306, %max3A_308 : vector<16xf32>
      %mul3A_310 = arith.mulf %max3A_309, %get3A_22 : vector<16xf32>
      %reduce_sum3A = arith.constant true
      %reduce_sum3A_311 = vector.broadcast %reduce_sum3A : i1 to vector<16xi1>
      %reduce_sum3A_312 = tpu.scan <sum>, %mul3A_233 masked %reduce_sum3A_311 : vector<16xf32>, vector<16xi1> -> vector<16xf32>
      %reduce_sum3A_313 = vector.extract %reduce_sum3A_312[15] : f32 from vector<16xf32>
      %reduce_sum3A_314 = arith.constant true
      %reduce_sum3A_315 = vector.broadcast %reduce_sum3A_314 : i1 to vector<16xi1>
      %reduce_sum3A_316 = tpu.scan <sum>, %mul3A_244 masked %reduce_sum3A_315 : vector<16xf32>, vector<16xi1> -> vector<16xf32>
      %reduce_sum3A_317 = vector.extract %reduce_sum3A_316[15] : f32 from vector<16xf32>
      %reduce_sum3A_318 = arith.constant true
      %reduce_sum3A_319 = vector.broadcast %reduce_sum3A_318 : i1 to vector<16xi1>
      %reduce_sum3A_320 = tpu.scan <sum>, %mul3A_255 masked %reduce_sum3A_319 : vector<16xf32>, vector<16xi1> -> vector<16xf32>
      %reduce_sum3A_321 = vector.extract %reduce_sum3A_320[15] : f32 from vector<16xf32>
      %reduce_sum3A_322 = arith.constant true
      %reduce_sum3A_323 = vector.broadcast %reduce_sum3A_322 : i1 to vector<16xi1>
      %reduce_sum3A_324 = tpu.scan <sum>, %mul3A_266 masked %reduce_sum3A_323 : vector<16xf32>, vector<16xi1> -> vector<16xf32>
      %reduce_sum3A_325 = vector.extract %reduce_sum3A_324[15] : f32 from vector<16xf32>
      %reduce_sum3A_326 = arith.constant true
      %reduce_sum3A_327 = vector.broadcast %reduce_sum3A_326 : i1 to vector<16xi1>
      %reduce_sum3A_328 = tpu.scan <sum>, %mul3A_277 masked %reduce_sum3A_327 : vector<16xf32>, vector<16xi1> -> vector<16xf32>
      %reduce_sum3A_329 = vector.extract %reduce_sum3A_328[15] : f32 from vector<16xf32>
      %reduce_sum3A_330 = arith.constant true
      %reduce_sum3A_331 = vector.broadcast %reduce_sum3A_330 : i1 to vector<16xi1>
      %reduce_sum3A_332 = tpu.scan <sum>, %mul3A_288 masked %reduce_sum3A_331 : vector<16xf32>, vector<16xi1> -> vector<16xf32>
      %reduce_sum3A_333 = vector.extract %reduce_sum3A_332[15] : f32 from vector<16xf32>
      %reduce_sum3A_334 = arith.constant true
      %reduce_sum3A_335 = vector.broadcast %reduce_sum3A_334 : i1 to vector<16xi1>
      %reduce_sum3A_336 = tpu.scan <sum>, %mul3A_299 masked %reduce_sum3A_335 : vector<16xf32>, vector<16xi1> -> vector<16xf32>
      %reduce_sum3A_337 = vector.extract %reduce_sum3A_336[15] : f32 from vector<16xf32>
      %reduce_sum3A_338 = arith.constant true
      %reduce_sum3A_339 = vector.broadcast %reduce_sum3A_338 : i1 to vector<16xi1>
      %reduce_sum3A_340 = tpu.scan <sum>, %mul3A_310 masked %reduce_sum3A_339 : vector<16xf32>, vector<16xi1> -> vector<16xf32>
      %reduce_sum3A_341 = vector.extract %reduce_sum3A_340[15] : f32 from vector<16xf32>
      %broadcast_in_dim3A_342 = arith.constant 0.000000e+00 : f32
      %broadcast_in_dim3A_343 = vector.broadcast %broadcast_in_dim3A_342 : f32 to vector<16xf32>
      %eq3A = arith.constant 0 : i32
      %eq3A_344 = vector.broadcast %eq3A : i32 to vector<16xi32>
      %eq3A_345 = arith.cmpi eq, %iota3A, %eq3A_344 : vector<16xi32>
      %broadcast_in_dim3A_346 = vector.broadcast %reduce_sum3A_313 : f32 to vector<16xf32>
      %select_n3A = arith.select %eq3A_345, %broadcast_in_dim3A_346, %broadcast_in_dim3A_343 : vector<16xi1>, vector<16xf32>
      %eq3A_347 = arith.constant 1 : i32
      %eq3A_348 = vector.broadcast %eq3A_347 : i32 to vector<16xi32>
      %eq3A_349 = arith.cmpi eq, %iota3A, %eq3A_348 : vector<16xi32>
      %broadcast_in_dim3A_350 = vector.broadcast %reduce_sum3A_317 : f32 to vector<16xf32>
      %select_n3A_351 = arith.select %eq3A_349, %broadcast_in_dim3A_350, %select_n3A : vector<16xi1>, vector<16xf32>
      %eq3A_352 = arith.constant 2 : i32
      %eq3A_353 = vector.broadcast %eq3A_352 : i32 to vector<16xi32>
      %eq3A_354 = arith.cmpi eq, %iota3A, %eq3A_353 : vector<16xi32>
      %broadcast_in_dim3A_355 = vector.broadcast %reduce_sum3A_321 : f32 to vector<16xf32>
      %select_n3A_356 = arith.select %eq3A_354, %broadcast_in_dim3A_355, %select_n3A_351 : vector<16xi1>, vector<16xf32>
      %eq3A_357 = arith.constant 3 : i32
      %eq3A_358 = vector.broadcast %eq3A_357 : i32 to vector<16xi32>
      %eq3A_359 = arith.cmpi eq, %iota3A, %eq3A_358 : vector<16xi32>
      %broadcast_in_dim3A_360 = vector.broadcast %reduce_sum3A_325 : f32 to vector<16xf32>
      %select_n3A_361 = arith.select %eq3A_359, %broadcast_in_dim3A_360, %select_n3A_356 : vector<16xi1>, vector<16xf32>
      %eq3A_362 = arith.constant 4 : i32
      %eq3A_363 = vector.broadcast %eq3A_362 : i32 to vector<16xi32>
      %eq3A_364 = arith.cmpi eq, %iota3A, %eq3A_363 : vector<16xi32>
      %broadcast_in_dim3A_365 = vector.broadcast %reduce_sum3A_329 : f32 to vector<16xf32>
      %select_n3A_366 = arith.select %eq3A_364, %broadcast_in_dim3A_365, %select_n3A_361 : vector<16xi1>, vector<16xf32>
      %eq3A_367 = arith.constant 5 : i32
      %eq3A_368 = vector.broadcast %eq3A_367 : i32 to vector<16xi32>
      %eq3A_369 = arith.cmpi eq, %iota3A, %eq3A_368 : vector<16xi32>
      %broadcast_in_dim3A_370 = vector.broadcast %reduce_sum3A_333 : f32 to vector<16xf32>
      %select_n3A_371 = arith.select %eq3A_369, %broadcast_in_dim3A_370, %select_n3A_366 : vector<16xi1>, vector<16xf32>
      %eq3A_372 = arith.constant 6 : i32
      %eq3A_373 = vector.broadcast %eq3A_372 : i32 to vector<16xi32>
      %eq3A_374 = arith.cmpi eq, %iota3A, %eq3A_373 : vector<16xi32>
      %broadcast_in_dim3A_375 = vector.broadcast %reduce_sum3A_337 : f32 to vector<16xf32>
      %select_n3A_376 = arith.select %eq3A_374, %broadcast_in_dim3A_375, %select_n3A_371 : vector<16xi1>, vector<16xf32>
      %eq3A_377 = arith.constant 7 : i32
      %eq3A_378 = vector.broadcast %eq3A_377 : i32 to vector<16xi32>
      %eq3A_379 = arith.cmpi eq, %iota3A, %eq3A_378 : vector<16xi32>
      %broadcast_in_dim3A_380 = vector.broadcast %reduce_sum3A_341 : f32 to vector<16xf32>
      %select_n3A_381 = arith.select %eq3A_379, %broadcast_in_dim3A_380, %select_n3A_376 : vector<16xi1>, vector<16xf32>
      %add3A_382 = arith.addf %select_n3A_381, %get3A_24 : vector<16xf32>
      %max3A_383 = arith.constant -5.000000e+00 : f32
      %max3A_384 = vector.broadcast %max3A_383 : f32 to vector<16xf32>
      %max3A_385 = arith.maximumf %add3A_382, %max3A_384 : vector<16xf32>
      %min3A = arith.constant 5.000000e+00 : f32
      %min3A_386 = vector.broadcast %min3A : f32 to vector<16xf32>
      %min3A_387 = arith.minimumf %max3A_385, %min3A_386 : vector<16xf32>
      %exp3A = math.exp %min3A_387 : vector<16xf32>
      %lt3A_388 = arith.constant 8 : i32
      %lt3A_389 = vector.broadcast %lt3A_388 : i32 to vector<16xi32>
      %lt3A_390 = arith.cmpi slt, %iota3A, %lt3A_389 : vector<16xi32>
      %jit3A = arith.constant 0.000000e+00 : f32
      %broadcast_in_dim3A_391 = vector.broadcast %jit3A : f32 to vector<16xf32>
      %select_n3A_392 = arith.select %lt3A_390, %exp3A, %broadcast_in_dim3A_391 : vector<16xi1>, vector<16xf32>
      %swap3A = arith.index_cast %add3A_224 : i32 to index
      %swap3A_393 = arith.constant 128 : index
      %swap3A_394 = tpu.vector_load %arg15[%swap3A, %swap3A_393] {strides = array<i32>} : memref<48x144xf32, #tpu.memory_space<vmem>>, vector<16xf32>,
      tpu.vector_store %arg15[%swap3A, %swap3A_393], %select_n3A_392 {strides = array<i32>} : memref<48x144xf32, #tpu.memory_space<vmem>>, vector<16xf32>,
      %slice3A = vector.extract_strided_slice %select_n3A_392 {offsets = [0], sizes = [1], strides = [1]} : vector<16xf32> to vector<1xf32>
      %squeeze3A = vector.extract %slice3A[0] : f32 from vector<1xf32>
      %get3A_395 = arith.index_cast %add3A_224 : i32 to index
      %get3A_396 = arith.constant 0 : index
      %get3A_397 = tpu.vector_load %arg15[%get3A_395, %get3A_396] {strides = array<i32>} : memref<48x144xf32, #tpu.memory_space<vmem>>, vector<16xf32>,
      %mul3A_398 = vector.broadcast %squeeze3A : f32 to vector<16xf32>
      %mul3A_399 = arith.mulf %get3A_397, %mul3A_398 : vector<16xf32>
      %swap3A_400 = arith.index_cast %add3A_224 : i32 to index
      %swap3A_401 = arith.constant 0 : index
      %swap3A_402 = tpu.vector_load %arg15[%swap3A_400, %swap3A_401] {strides = array<i32>} : memref<48x144xf32, #tpu.memory_space<vmem>>, vector<16xf32>,
      tpu.vector_store %arg15[%swap3A_400, %swap3A_401], %mul3A_399 {strides = array<i32>} : memref<48x144xf32, #tpu.memory_space<vmem>>, vector<16xf32>,
      %slice3A_403 = vector.extract_strided_slice %select_n3A_392 {offsets = [1], sizes = [1], strides = [1]} : vector<16xf32> to vector<1xf32>
      %squeeze3A_404 = vector.extract %slice3A_403[0] : f32 from vector<1xf32>
      %get3A_405 = arith.index_cast %add3A_224 : i32 to index
      %get3A_406 = arith.constant 16 : index
      %get3A_407 = tpu.vector_load %arg15[%get3A_405, %get3A_406] {strides = array<i32>} : memref<48x144xf32, #tpu.memory_space<vmem>>, vector<16xf32>,
      %mul3A_408 = vector.broadcast %squeeze3A_404 : f32 to vector<16xf32>
      %mul3A_409 = arith.mulf %get3A_407, %mul3A_408 : vector<16xf32>
      %swap3A_410 = arith.index_cast %add3A_224 : i32 to index
      %swap3A_411 = arith.constant 16 : index
      %swap3A_412 = tpu.vector_load %arg15[%swap3A_410, %swap3A_411] {strides = array<i32>} : memref<48x144xf32, #tpu.memory_space<vmem>>, vector<16xf32>,
      tpu.vector_store %arg15[%swap3A_410, %swap3A_411], %mul3A_409 {strides = array<i32>} : memref<48x144xf32, #tpu.memory_space<vmem>>, vector<16xf32>,
      %slice3A_413 = vector.extract_strided_slice %select_n3A_392 {offsets = [2], sizes = [1], strides = [1]} : vector<16xf32> to vector<1xf32>
      %squeeze3A_414 = vector.extract %slice3A_413[0] : f32 from vector<1xf32>
      %get3A_415 = arith.index_cast %add3A_224 : i32 to index
      %get3A_416 = arith.constant 32 : index
      %get3A_417 = tpu.vector_load %arg15[%get3A_415, %get3A_416] {strides = array<i32>} : memref<48x144xf32, #tpu.memory_space<vmem>>, vector<16xf32>,
      %mul3A_418 = vector.broadcast %squeeze3A_414 : f32 to vector<16xf32>
      %mul3A_419 = arith.mulf %get3A_417, %mul3A_418 : vector<16xf32>
      %swap3A_420 = arith.index_cast %add3A_224 : i32 to index
      %swap3A_421 = arith.constant 32 : index
      %swap3A_422 = tpu.vector_load %arg15[%swap3A_420, %swap3A_421] {strides = array<i32>} : memref<48x144xf32, #tpu.memory_space<vmem>>, vector<16xf32>,
      tpu.vector_store %arg15[%swap3A_420, %swap3A_421], %mul3A_419 {strides = array<i32>} : memref<48x144xf32, #tpu.memory_space<vmem>>, vector<16xf32>,
      %slice3A_423 = vector.extract_strided_slice %select_n3A_392 {offsets = [3], sizes = [1], strides = [1]} : vector<16xf32> to vector<1xf32>
      %squeeze3A_424 = vector.extract %slice3A_423[0] : f32 from vector<1xf32>
      %get3A_425 = arith.index_cast %add3A_224 : i32 to index
      %get3A_426 = arith.constant 48 : index
      %get3A_427 = tpu.vector_load %arg15[%get3A_425, %get3A_426] {strides = array<i32>} : memref<48x144xf32, #tpu.memory_space<vmem>>, vector<16xf32>,
      %mul3A_428 = vector.broadcast %squeeze3A_424 : f32 to vector<16xf32>
      %mul3A_429 = arith.mulf %get3A_427, %mul3A_428 : vector<16xf32>
      %swap3A_430 = arith.index_cast %add3A_224 : i32 to index
      %swap3A_431 = arith.constant 48 : index
      %swap3A_432 = tpu.vector_load %arg15[%swap3A_430, %swap3A_431] {strides = array<i32>} : memref<48x144xf32, #tpu.memory_space<vmem>>, vector<16xf32>,
      tpu.vector_store %arg15[%swap3A_430, %swap3A_431], %mul3A_429 {strides = array<i32>} : memref<48x144xf32, #tpu.memory_space<vmem>>, vector<16xf32>,
      %slice3A_433 = vector.extract_strided_slice %select_n3A_392 {offsets = [4], sizes = [1], strides = [1]} : vector<16xf32> to vector<1xf32>
      %squeeze3A_434 = vector.extract %slice3A_433[0] : f32 from vector<1xf32>
      %get3A_435 = arith.index_cast %add3A_224 : i32 to index
      %get3A_436 = arith.constant 64 : index
      %get3A_437 = tpu.vector_load %arg15[%get3A_435, %get3A_436] {strides = array<i32>} : memref<48x144xf32, #tpu.memory_space<vmem>>, vector<16xf32>,
      %mul3A_438 = vector.broadcast %squeeze3A_434 : f32 to vector<16xf32>
      %mul3A_439 = arith.mulf %get3A_437, %mul3A_438 : vector<16xf32>
      %swap3A_440 = arith.index_cast %add3A_224 : i32 to index
      %swap3A_441 = arith.constant 64 : index
      %swap3A_442 = tpu.vector_load %arg15[%swap3A_440, %swap3A_441] {strides = array<i32>} : memref<48x144xf32, #tpu.memory_space<vmem>>, vector<16xf32>,
      tpu.vector_store %arg15[%swap3A_440, %swap3A_441], %mul3A_439 {strides = array<i32>} : memref<48x144xf32, #tpu.memory_space<vmem>>, vector<16xf32>,
      %slice3A_443 = vector.extract_strided_slice %select_n3A_392 {offsets = [5], sizes = [1], strides = [1]} : vector<16xf32> to vector<1xf32>
      %squeeze3A_444 = vector.extract %slice3A_443[0] : f32 from vector<1xf32>
      %get3A_445 = arith.index_cast %add3A_224 : i32 to index
      %get3A_446 = arith.constant 80 : index
      %get3A_447 = tpu.vector_load %arg15[%get3A_445, %get3A_446] {strides = array<i32>} : memref<48x144xf32, #tpu.memory_space<vmem>>, vector<16xf32>,
      %mul3A_448 = vector.broadcast %squeeze3A_444 : f32 to vector<16xf32>
      %mul3A_449 = arith.mulf %get3A_447, %mul3A_448 : vector<16xf32>
      %swap3A_450 = arith.index_cast %add3A_224 : i32 to index
      %swap3A_451 = arith.constant 80 : index
      %swap3A_452 = tpu.vector_load %arg15[%swap3A_450, %swap3A_451] {strides = array<i32>} : memref<48x144xf32, #tpu.memory_space<vmem>>, vector<16xf32>,
      tpu.vector_store %arg15[%swap3A_450, %swap3A_451], %mul3A_449 {strides = array<i32>} : memref<48x144xf32, #tpu.memory_space<vmem>>, vector<16xf32>,
      %slice3A_453 = vector.extract_strided_slice %select_n3A_392 {offsets = [6], sizes = [1], strides = [1]} : vector<16xf32> to vector<1xf32>
      %squeeze3A_454 = vector.extract %slice3A_453[0] : f32 from vector<1xf32>
      %get3A_455 = arith.index_cast %add3A_224 : i32 to index
      %get3A_456 = arith.constant 96 : index
      %get3A_457 = tpu.vector_load %arg15[%get3A_455, %get3A_456] {strides = array<i32>} : memref<48x144xf32, #tpu.memory_space<vmem>>, vector<16xf32>,
      %mul3A_458 = vector.broadcast %squeeze3A_454 : f32 to vector<16xf32>
      %mul3A_459 = arith.mulf %get3A_457, %mul3A_458 : vector<16xf32>
      %swap3A_460 = arith.index_cast %add3A_224 : i32 to index
      %swap3A_461 = arith.constant 96 : index
      %swap3A_462 = tpu.vector_load %arg15[%swap3A_460, %swap3A_461] {strides = array<i32>} : memref<48x144xf32, #tpu.memory_space<vmem>>, vector<16xf32>,
      tpu.vector_store %arg15[%swap3A_460, %swap3A_461], %mul3A_459 {strides = array<i32>} : memref<48x144xf32, #tpu.memory_space<vmem>>, vector<16xf32>,
      %slice3A_463 = vector.extract_strided_slice %select_n3A_392 {offsets = [7], sizes = [1], strides = [1]} : vector<16xf32> to vector<1xf32>
      %squeeze3A_464 = vector.extract %slice3A_463[0] : f32 from vector<1xf32>
      %get3A_465 = arith.index_cast %add3A_224 : i32 to index
      %get3A_466 = arith.constant 112 : index
      %get3A_467 = tpu.vector_load %arg15[%get3A_465, %get3A_466] {strides = array<i32>} : memref<48x144xf32, #tpu.memory_space<vmem>>, vector<16xf32>,
      %mul3A_468 = vector.broadcast %squeeze3A_464 : f32 to vector<16xf32>
      %mul3A_469 = arith.mulf %get3A_467, %mul3A_468 : vector<16xf32>
      %swap3A_470 = arith.index_cast %add3A_224 : i32 to index
      %swap3A_471 = arith.constant 112 : index
      %swap3A_472 = tpu.vector_load %arg15[%swap3A_470, %swap3A_471] {strides = array<i32>} : memref<48x144xf32, #tpu.memory_space<vmem>>, vector<16xf32>,
      tpu.vector_store %arg15[%swap3A_470, %swap3A_471], %mul3A_469 {strides = array<i32>} : memref<48x144xf32, #tpu.memory_space<vmem>>, vector<16xf32>,
      %mul3A_473 = arith.constant 2 : i32
      %mul3A_474 = arith.muli %scan3A_219, %mul3A_473 : i32
      %add3A_475 = arith.constant 1 : i32
      %add3A_476 = arith.addi %mul3A_474, %add3A_475 : i32
      %get3A_477 = arith.index_cast %add3A_476 : i32 to index
      %get3A_478 = arith.constant 0 : index
      %get3A_479 = tpu.vector_load %arg11[%get3A_477, %get3A_478] {strides = array<i32>} : memref<48x128xf32, #tpu.memory_space<vmem>>, vector<16xf32>,
      %get3A_480 = arith.index_cast %add3A_476 : i32 to index
      %get3A_481 = arith.constant 0 : index
      %get3A_482 = tpu.vector_load %arg13[%get3A_480, %get3A_481] {strides = array<i32>} : memref<48x128xf32, #tpu.memory_space<vmem>>, vector<16xf32>,
      %sub3A_483 = arith.subf %get3A_479, %get3A_482 : vector<16xf32>
      %max3A_484 = arith.constant 0.000000e+00 : f32
      %max3A_485 = vector.broadcast %max3A_484 : f32 to vector<16xf32>
      %max3A_486 = arith.maximumf %sub3A_483, %max3A_485 : vector<16xf32>
      %mul3A_487 = arith.mulf %max3A_486, %get3A_22 : vector<16xf32>
      %get3A_488 = arith.index_cast %add3A_476 : i32 to index
      %get3A_489 = arith.constant 16 : index
      %get3A_490 = tpu.vector_load %arg11[%get3A_488, %get3A_489] {strides = array<i32>} : memref<48x128xf32, #tpu.memory_space<vmem>>, vector<16xf32>,
      %get3A_491 = arith.index_cast %add3A_476 : i32 to index
      %get3A_492 = arith.constant 16 : index
      %get3A_493 = tpu.vector_load %arg13[%get3A_491, %get3A_492] {strides = array<i32>} : memref<48x128xf32, #tpu.memory_space<vmem>>, vector<16xf32>,
      %sub3A_494 = arith.subf %get3A_490, %get3A_493 : vector<16xf32>
      %max3A_495 = arith.constant 0.000000e+00 : f32
      %max3A_496 = vector.broadcast %max3A_495 : f32 to vector<16xf32>
      %max3A_497 = arith.maximumf %sub3A_494, %max3A_496 : vector<16xf32>
      %mul3A_498 = arith.mulf %max3A_497, %get3A_22 : vector<16xf32>
      %get3A_499 = arith.index_cast %add3A_476 : i32 to index
      %get3A_500 = arith.constant 32 : index
      %get3A_501 = tpu.vector_load %arg11[%get3A_499, %get3A_500] {strides = array<i32>} : memref<48x128xf32, #tpu.memory_space<vmem>>, vector<16xf32>,
      %get3A_502 = arith.index_cast %add3A_476 : i32 to index
      %get3A_503 = arith.constant 32 : index
      %get3A_504 = tpu.vector_load %arg13[%get3A_502, %get3A_503] {strides = array<i32>} : memref<48x128xf32, #tpu.memory_space<vmem>>, vector<16xf32>,
      %sub3A_505 = arith.subf %get3A_501, %get3A_504 : vector<16xf32>
      %max3A_506 = arith.constant 0.000000e+00 : f32
      %max3A_507 = vector.broadcast %max3A_506 : f32 to vector<16xf32>
      %max3A_508 = arith.maximumf %sub3A_505, %max3A_507 : vector<16xf32>
      %mul3A_509 = arith.mulf %max3A_508, %get3A_22 : vector<16xf32>
      %get3A_510 = arith.index_cast %add3A_476 : i32 to index
      %get3A_511 = arith.constant 48 : index
      %get3A_512 = tpu.vector_load %arg11[%get3A_510, %get3A_511] {strides = array<i32>} : memref<48x128xf32, #tpu.memory_space<vmem>>, vector<16xf32>,
      %get3A_513 = arith.index_cast %add3A_476 : i32 to index
      %get3A_514 = arith.constant 48 : index
      %get3A_515 = tpu.vector_load %arg13[%get3A_513, %get3A_514] {strides = array<i32>} : memref<48x128xf32, #tpu.memory_space<vmem>>, vector<16xf32>,
      %sub3A_516 = arith.subf %get3A_512, %get3A_515 : vector<16xf32>
      %max3A_517 = arith.constant 0.000000e+00 : f32
      %max3A_518 = vector.broadcast %max3A_517 : f32 to vector<16xf32>
      %max3A_519 = arith.maximumf %sub3A_516, %max3A_518 : vector<16xf32>
      %mul3A_520 = arith.mulf %max3A_519, %get3A_22 : vector<16xf32>
      %get3A_521 = arith.index_cast %add3A_476 : i32 to index
      %get3A_522 = arith.constant 64 : index
      %get3A_523 = tpu.vector_load %arg11[%get3A_521, %get3A_522] {strides = array<i32>} : memref<48x128xf32, #tpu.memory_space<vmem>>, vector<16xf32>,
      %get3A_524 = arith.index_cast %add3A_476 : i32 to index
      %get3A_525 = arith.constant 64 : index
      %get3A_526 = tpu.vector_load %arg13[%get3A_524, %get3A_525] {strides = array<i32>} : memref<48x128xf32, #tpu.memory_space<vmem>>, vector<16xf32>,
      %sub3A_527 = arith.subf %get3A_523, %get3A_526 : vector<16xf32>
      %max3A_528 = arith.constant 0.000000e+00 : f32
      %max3A_529 = vector.broadcast %max3A_528 : f32 to vector<16xf32>
      %max3A_530 = arith.maximumf %sub3A_527, %max3A_529 : vector<16xf32>
      %mul3A_531 = arith.mulf %max3A_530, %get3A_22 : vector<16xf32>
      %get3A_532 = arith.index_cast %add3A_476 : i32 to index
      %get3A_533 = arith.constant 80 : index
      %get3A_534 = tpu.vector_load %arg11[%get3A_532, %get3A_533] {strides = array<i32>} : memref<48x128xf32, #tpu.memory_space<vmem>>, vector<16xf32>,
      %get3A_535 = arith.index_cast %add3A_476 : i32 to index
      %get3A_536 = arith.constant 80 : index
      %get3A_537 = tpu.vector_load %arg13[%get3A_535, %get3A_536] {strides = array<i32>} : memref<48x128xf32, #tpu.memory_space<vmem>>, vector<16xf32>,
      %sub3A_538 = arith.subf %get3A_534, %get3A_537 : vector<16xf32>
      %max3A_539 = arith.constant 0.000000e+00 : f32
      %max3A_540 = vector.broadcast %max3A_539 : f32 to vector<16xf32>
      %max3A_541 = arith.maximumf %sub3A_538, %max3A_540 : vector<16xf32>
      %mul3A_542 = arith.mulf %max3A_541, %get3A_22 : vector<16xf32>
      %get3A_543 = arith.index_cast %add3A_476 : i32 to index
      %get3A_544 = arith.constant 96 : index
      %get3A_545 = tpu.vector_load %arg11[%get3A_543, %get3A_544] {strides = array<i32>} : memref<48x128xf32, #tpu.memory_space<vmem>>, vector<16xf32>,
      %get3A_546 = arith.index_cast %add3A_476 : i32 to index
      %get3A_547 = arith.constant 96 : index
      %get3A_548 = tpu.vector_load %arg13[%get3A_546, %get3A_547] {strides = array<i32>} : memref<48x128xf32, #tpu.memory_space<vmem>>, vector<16xf32>,
      %sub3A_549 = arith.subf %get3A_545, %get3A_548 : vector<16xf32>
      %max3A_550 = arith.constant 0.000000e+00 : f32
      %max3A_551 = vector.broadcast %max3A_550 : f32 to vector<16xf32>
      %max3A_552 = arith.maximumf %sub3A_549, %max3A_551 : vector<16xf32>
      %mul3A_553 = arith.mulf %max3A_552, %get3A_22 : vector<16xf32>
      %get3A_554 = arith.index_cast %add3A_476 : i32 to index
      %get3A_555 = arith.constant 112 : index
      %get3A_556 = tpu.vector_load %arg11[%get3A_554, %get3A_555] {strides = array<i32>} : memref<48x128xf32, #tpu.memory_space<vmem>>, vector<16xf32>,
      %get3A_557 = arith.index_cast %add3A_476 : i32 to index
      %get3A_558 = arith.constant 112 : index
      %get3A_559 = tpu.vector_load %arg13[%get3A_557, %get3A_558] {strides = array<i32>} : memref<48x128xf32, #tpu.memory_space<vmem>>, vector<16xf32>,
      %sub3A_560 = arith.subf %get3A_556, %get3A_559 : vector<16xf32>
      %max3A_561 = arith.constant 0.000000e+00 : f32
      %max3A_562 = vector.broadcast %max3A_561 : f32 to vector<16xf32>
      %max3A_563 = arith.maximumf %sub3A_560, %max3A_562 : vector<16xf32>
      %mul3A_564 = arith.mulf %max3A_563, %get3A_22 : vector<16xf32>
      %reduce_sum3A_565 = arith.constant true
      %reduce_sum3A_566 = vector.broadcast %reduce_sum3A_565 : i1 to vector<16xi1>
      %reduce_sum3A_567 = tpu.scan <sum>, %mul3A_487 masked %reduce_sum3A_566 : vector<16xf32>, vector<16xi1> -> vector<16xf32>
      %reduce_sum3A_568 = vector.extract %reduce_sum3A_567[15] : f32 from vector<16xf32>
      %reduce_sum3A_569 = arith.constant true
      %reduce_sum3A_570 = vector.broadcast %reduce_sum3A_569 : i1 to vector<16xi1>
      %reduce_sum3A_571 = tpu.scan <sum>, %mul3A_498 masked %reduce_sum3A_570 : vector<16xf32>, vector<16xi1> -> vector<16xf32>
      %reduce_sum3A_572 = vector.extract %reduce_sum3A_571[15] : f32 from vector<16xf32>
      %reduce_sum3A_573 = arith.constant true
      %reduce_sum3A_574 = vector.broadcast %reduce_sum3A_573 : i1 to vector<16xi1>
      %reduce_sum3A_575 = tpu.scan <sum>, %mul3A_509 masked %reduce_sum3A_574 : vector<16xf32>, vector<16xi1> -> vector<16xf32>
      %reduce_sum3A_576 = vector.extract %reduce_sum3A_575[15] : f32 from vector<16xf32>
      %reduce_sum3A_577 = arith.constant true
      %reduce_sum3A_578 = vector.broadcast %reduce_sum3A_577 : i1 to vector<16xi1>
      %reduce_sum3A_579 = tpu.scan <sum>, %mul3A_520 masked %reduce_sum3A_578 : vector<16xf32>, vector<16xi1> -> vector<16xf32>
      %reduce_sum3A_580 = vector.extract %reduce_sum3A_579[15] : f32 from vector<16xf32>
      %reduce_sum3A_581 = arith.constant true
      %reduce_sum3A_582 = vector.broadcast %reduce_sum3A_581 : i1 to vector<16xi1>
      %reduce_sum3A_583 = tpu.scan <sum>, %mul3A_531 masked %reduce_sum3A_582 : vector<16xf32>, vector<16xi1> -> vector<16xf32>
      %reduce_sum3A_584 = vector.extract %reduce_sum3A_583[15] : f32 from vector<16xf32>
      %reduce_sum3A_585 = arith.constant true
      %reduce_sum3A_586 = vector.broadcast %reduce_sum3A_585 : i1 to vector<16xi1>
      %reduce_sum3A_587 = tpu.scan <sum>, %mul3A_542 masked %reduce_sum3A_586 : vector<16xf32>, vector<16xi1> -> vector<16xf32>
      %reduce_sum3A_588 = vector.extract %reduce_sum3A_587[15] : f32 from vector<16xf32>
      %reduce_sum3A_589 = arith.constant true
      %reduce_sum3A_590 = vector.broadcast %reduce_sum3A_589 : i1 to vector<16xi1>
      %reduce_sum3A_591 = tpu.scan <sum>, %mul3A_553 masked %reduce_sum3A_590 : vector<16xf32>, vector<16xi1> -> vector<16xf32>
      %reduce_sum3A_592 = vector.extract %reduce_sum3A_591[15] : f32 from vector<16xf32>
      %reduce_sum3A_593 = arith.constant true
      %reduce_sum3A_594 = vector.broadcast %reduce_sum3A_593 : i1 to vector<16xi1>
      %reduce_sum3A_595 = tpu.scan <sum>, %mul3A_564 masked %reduce_sum3A_594 : vector<16xf32>, vector<16xi1> -> vector<16xf32>
      %reduce_sum3A_596 = vector.extract %reduce_sum3A_595[15] : f32 from vector<16xf32>
      %broadcast_in_dim3A_597 = arith.constant 0.000000e+00 : f32
      %broadcast_in_dim3A_598 = vector.broadcast %broadcast_in_dim3A_597 : f32 to vector<16xf32>
      %eq3A_599 = arith.constant 0 : i32
      %eq3A_600 = vector.broadcast %eq3A_599 : i32 to vector<16xi32>
      %eq3A_601 = arith.cmpi eq, %iota3A, %eq3A_600 : vector<16xi32>
      %broadcast_in_dim3A_602 = vector.broadcast %reduce_sum3A_568 : f32 to vector<16xf32>
      %select_n3A_603 = arith.select %eq3A_601, %broadcast_in_dim3A_602, %broadcast_in_dim3A_598 : vector<16xi1>, vector<16xf32>
      %eq3A_604 = arith.constant 1 : i32
      %eq3A_605 = vector.broadcast %eq3A_604 : i32 to vector<16xi32>
      %eq3A_606 = arith.cmpi eq, %iota3A, %eq3A_605 : vector<16xi32>
      %broadcast_in_dim3A_607 = vector.broadcast %reduce_sum3A_572 : f32 to vector<16xf32>
      %select_n3A_608 = arith.select %eq3A_606, %broadcast_in_dim3A_607, %select_n3A_603 : vector<16xi1>, vector<16xf32>
      %eq3A_609 = arith.constant 2 : i32
      %eq3A_610 = vector.broadcast %eq3A_609 : i32 to vector<16xi32>
      %eq3A_611 = arith.cmpi eq, %iota3A, %eq3A_610 : vector<16xi32>
      %broadcast_in_dim3A_612 = vector.broadcast %reduce_sum3A_576 : f32 to vector<16xf32>
      %select_n3A_613 = arith.select %eq3A_611, %broadcast_in_dim3A_612, %select_n3A_608 : vector<16xi1>, vector<16xf32>
      %eq3A_614 = arith.constant 3 : i32
      %eq3A_615 = vector.broadcast %eq3A_614 : i32 to vector<16xi32>
      %eq3A_616 = arith.cmpi eq, %iota3A, %eq3A_615 : vector<16xi32>
      %broadcast_in_dim3A_617 = vector.broadcast %reduce_sum3A_580 : f32 to vector<16xf32>
      %select_n3A_618 = arith.select %eq3A_616, %broadcast_in_dim3A_617, %select_n3A_613 : vector<16xi1>, vector<16xf32>
      %eq3A_619 = arith.constant 4 : i32
      %eq3A_620 = vector.broadcast %eq3A_619 : i32 to vector<16xi32>
      %eq3A_621 = arith.cmpi eq, %iota3A, %eq3A_620 : vector<16xi32>
      %broadcast_in_dim3A_622 = vector.broadcast %reduce_sum3A_584 : f32 to vector<16xf32>
      %select_n3A_623 = arith.select %eq3A_621, %broadcast_in_dim3A_622, %select_n3A_618 : vector<16xi1>, vector<16xf32>
      %eq3A_624 = arith.constant 5 : i32
      %eq3A_625 = vector.broadcast %eq3A_624 : i32 to vector<16xi32>
      %eq3A_626 = arith.cmpi eq, %iota3A, %eq3A_625 : vector<16xi32>
      %broadcast_in_dim3A_627 = vector.broadcast %reduce_sum3A_588 : f32 to vector<16xf32>
      %select_n3A_628 = arith.select %eq3A_626, %broadcast_in_dim3A_627, %select_n3A_623 : vector<16xi1>, vector<16xf32>
      %eq3A_629 = arith.constant 6 : i32
      %eq3A_630 = vector.broadcast %eq3A_629 : i32 to vector<16xi32>
      %eq3A_631 = arith.cmpi eq, %iota3A, %eq3A_630 : vector<16xi32>
      %broadcast_in_dim3A_632 = vector.broadcast %reduce_sum3A_592 : f32 to vector<16xf32>
      %select_n3A_633 = arith.select %eq3A_631, %broadcast_in_dim3A_632, %select_n3A_628 : vector<16xi1>, vector<16xf32>
      %eq3A_634 = arith.constant 7 : i32
      %eq3A_635 = vector.broadcast %eq3A_634 : i32 to vector<16xi32>
      %eq3A_636 = arith.cmpi eq, %iota3A, %eq3A_635 : vector<16xi32>
      %broadcast_in_dim3A_637 = vector.broadcast %reduce_sum3A_596 : f32 to vector<16xf32>
      %select_n3A_638 = arith.select %eq3A_636, %broadcast_in_dim3A_637, %select_n3A_633 : vector<16xi1>, vector<16xf32>
      %add3A_639 = arith.addf %select_n3A_638, %get3A_24 : vector<16xf32>
      %max3A_640 = arith.constant -5.000000e+00 : f32
      %max3A_641 = vector.broadcast %max3A_640 : f32 to vector<16xf32>
      %max3A_642 = arith.maximumf %add3A_639, %max3A_641 : vector<16xf32>
      %min3A_643 = arith.constant 5.000000e+00 : f32
      %min3A_644 = vector.broadcast %min3A_643 : f32 to vector<16xf32>
      %min3A_645 = arith.minimumf %max3A_642, %min3A_644 : vector<16xf32>
      %exp3A_646 = math.exp %min3A_645 : vector<16xf32>
      %lt3A_647 = arith.constant 8 : i32
      %lt3A_648 = vector.broadcast %lt3A_647 : i32 to vector<16xi32>
      %lt3A_649 = arith.cmpi slt, %iota3A, %lt3A_648 : vector<16xi32>
      %jit3A_650 = arith.constant 0.000000e+00 : f32
      %broadcast_in_dim3A_651 = vector.broadcast %jit3A_650 : f32 to vector<16xf32>
      %select_n3A_652 = arith.select %lt3A_649, %exp3A_646, %broadcast_in_dim3A_651 : vector<16xi1>, vector<16xf32>
      %swap3A_653 = arith.index_cast %add3A_476 : i32 to index
      %swap3A_654 = arith.constant 128 : index
      %swap3A_655 = tpu.vector_load %arg15[%swap3A_653, %swap3A_654] {strides = array<i32>} : memref<48x144xf32, #tpu.memory_space<vmem>>, vector<16xf32>,
      tpu.vector_store %arg15[%swap3A_653, %swap3A_654], %select_n3A_652 {strides = array<i32>} : memref<48x144xf32, #tpu.memory_space<vmem>>, vector<16xf32>,
      %slice3A_656 = vector.extract_strided_slice %select_n3A_652 {offsets = [0], sizes = [1], strides = [1]} : vector<16xf32> to vector<1xf32>
      %squeeze3A_657 = vector.extract %slice3A_656[0] : f32 from vector<1xf32>
      %get3A_658 = arith.index_cast %add3A_476 : i32 to index
      %get3A_659 = arith.constant 0 : index
      %get3A_660 = tpu.vector_load %arg15[%get3A_658, %get3A_659] {strides = array<i32>} : memref<48x144xf32, #tpu.memory_space<vmem>>, vector<16xf32>,
      %mul3A_661 = vector.broadcast %squeeze3A_657 : f32 to vector<16xf32>
      %mul3A_662 = arith.mulf %get3A_660, %mul3A_661 : vector<16xf32>
      %swap3A_663 = arith.index_cast %add3A_476 : i32 to index
      %swap3A_664 = arith.constant 0 : index
      %swap3A_665 = tpu.vector_load %arg15[%swap3A_663, %swap3A_664] {strides = array<i32>} : memref<48x144xf32, #tpu.memory_space<vmem>>, vector<16xf32>,
      tpu.vector_store %arg15[%swap3A_663, %swap3A_664], %mul3A_662 {strides = array<i32>} : memref<48x144xf32, #tpu.memory_space<vmem>>, vector<16xf32>,
      %slice3A_666 = vector.extract_strided_slice %select_n3A_652 {offsets = [1], sizes = [1], strides = [1]} : vector<16xf32> to vector<1xf32>
      %squeeze3A_667 = vector.extract %slice3A_666[0] : f32 from vector<1xf32>
      %get3A_668 = arith.index_cast %add3A_476 : i32 to index
      %get3A_669 = arith.constant 16 : index
      %get3A_670 = tpu.vector_load %arg15[%get3A_668, %get3A_669] {strides = array<i32>} : memref<48x144xf32, #tpu.memory_space<vmem>>, vector<16xf32>,
      %mul3A_671 = vector.broadcast %squeeze3A_667 : f32 to vector<16xf32>
      %mul3A_672 = arith.mulf %get3A_670, %mul3A_671 : vector<16xf32>
      %swap3A_673 = arith.index_cast %add3A_476 : i32 to index
      %swap3A_674 = arith.constant 16 : index
      %swap3A_675 = tpu.vector_load %arg15[%swap3A_673, %swap3A_674] {strides = array<i32>} : memref<48x144xf32, #tpu.memory_space<vmem>>, vector<16xf32>,
      tpu.vector_store %arg15[%swap3A_673, %swap3A_674], %mul3A_672 {strides = array<i32>} : memref<48x144xf32, #tpu.memory_space<vmem>>, vector<16xf32>,
      %slice3A_676 = vector.extract_strided_slice %select_n3A_652 {offsets = [2], sizes = [1], strides = [1]} : vector<16xf32> to vector<1xf32>
      %squeeze3A_677 = vector.extract %slice3A_676[0] : f32 from vector<1xf32>
      %get3A_678 = arith.index_cast %add3A_476 : i32 to index
      %get3A_679 = arith.constant 32 : index
      %get3A_680 = tpu.vector_load %arg15[%get3A_678, %get3A_679] {strides = array<i32>} : memref<48x144xf32, #tpu.memory_space<vmem>>, vector<16xf32>,
      %mul3A_681 = vector.broadcast %squeeze3A_677 : f32 to vector<16xf32>
      %mul3A_682 = arith.mulf %get3A_680, %mul3A_681 : vector<16xf32>
      %swap3A_683 = arith.index_cast %add3A_476 : i32 to index
      %swap3A_684 = arith.constant 32 : index
      %swap3A_685 = tpu.vector_load %arg15[%swap3A_683, %swap3A_684] {strides = array<i32>} : memref<48x144xf32, #tpu.memory_space<vmem>>, vector<16xf32>,
      tpu.vector_store %arg15[%swap3A_683, %swap3A_684], %mul3A_682 {strides = array<i32>} : memref<48x144xf32, #tpu.memory_space<vmem>>, vector<16xf32>,
      %slice3A_686 = vector.extract_strided_slice %select_n3A_652 {offsets = [3], sizes = [1], strides = [1]} : vector<16xf32> to vector<1xf32>
      %squeeze3A_687 = vector.extract %slice3A_686[0] : f32 from vector<1xf32>
      %get3A_688 = arith.index_cast %add3A_476 : i32 to index
      %get3A_689 = arith.constant 48 : index
      %get3A_690 = tpu.vector_load %arg15[%get3A_688, %get3A_689] {strides = array<i32>} : memref<48x144xf32, #tpu.memory_space<vmem>>, vector<16xf32>,
      %mul3A_691 = vector.broadcast %squeeze3A_687 : f32 to vector<16xf32>
      %mul3A_692 = arith.mulf %get3A_690, %mul3A_691 : vector<16xf32>
      %swap3A_693 = arith.index_cast %add3A_476 : i32 to index
      %swap3A_694 = arith.constant 48 : index
      %swap3A_695 = tpu.vector_load %arg15[%swap3A_693, %swap3A_694] {strides = array<i32>} : memref<48x144xf32, #tpu.memory_space<vmem>>, vector<16xf32>,
      tpu.vector_store %arg15[%swap3A_693, %swap3A_694], %mul3A_692 {strides = array<i32>} : memref<48x144xf32, #tpu.memory_space<vmem>>, vector<16xf32>,
      %slice3A_696 = vector.extract_strided_slice %select_n3A_652 {offsets = [4], sizes = [1], strides = [1]} : vector<16xf32> to vector<1xf32>
      %squeeze3A_697 = vector.extract %slice3A_696[0] : f32 from vector<1xf32>
      %get3A_698 = arith.index_cast %add3A_476 : i32 to index
      %get3A_699 = arith.constant 64 : index
      %get3A_700 = tpu.vector_load %arg15[%get3A_698, %get3A_699] {strides = array<i32>} : memref<48x144xf32, #tpu.memory_space<vmem>>, vector<16xf32>,
      %mul3A_701 = vector.broadcast %squeeze3A_697 : f32 to vector<16xf32>
      %mul3A_702 = arith.mulf %get3A_700, %mul3A_701 : vector<16xf32>
      %swap3A_703 = arith.index_cast %add3A_476 : i32 to index
      %swap3A_704 = arith.constant 64 : index
      %swap3A_705 = tpu.vector_load %arg15[%swap3A_703, %swap3A_704] {strides = array<i32>} : memref<48x144xf32, #tpu.memory_space<vmem>>, vector<16xf32>,
      tpu.vector_store %arg15[%swap3A_703, %swap3A_704], %mul3A_702 {strides = array<i32>} : memref<48x144xf32, #tpu.memory_space<vmem>>, vector<16xf32>,
      %slice3A_706 = vector.extract_strided_slice %select_n3A_652 {offsets = [5], sizes = [1], strides = [1]} : vector<16xf32> to vector<1xf32>
      %squeeze3A_707 = vector.extract %slice3A_706[0] : f32 from vector<1xf32>
      %get3A_708 = arith.index_cast %add3A_476 : i32 to index
      %get3A_709 = arith.constant 80 : index
      %get3A_710 = tpu.vector_load %arg15[%get3A_708, %get3A_709] {strides = array<i32>} : memref<48x144xf32, #tpu.memory_space<vmem>>, vector<16xf32>,
      %mul3A_711 = vector.broadcast %squeeze3A_707 : f32 to vector<16xf32>
      %mul3A_712 = arith.mulf %get3A_710, %mul3A_711 : vector<16xf32>
      %swap3A_713 = arith.index_cast %add3A_476 : i32 to index
      %swap3A_714 = arith.constant 80 : index
      %swap3A_715 = tpu.vector_load %arg15[%swap3A_713, %swap3A_714] {strides = array<i32>} : memref<48x144xf32, #tpu.memory_space<vmem>>, vector<16xf32>,
      tpu.vector_store %arg15[%swap3A_713, %swap3A_714], %mul3A_712 {strides = array<i32>} : memref<48x144xf32, #tpu.memory_space<vmem>>, vector<16xf32>,
      %slice3A_716 = vector.extract_strided_slice %select_n3A_652 {offsets = [6], sizes = [1], strides = [1]} : vector<16xf32> to vector<1xf32>
      %squeeze3A_717 = vector.extract %slice3A_716[0] : f32 from vector<1xf32>
      %get3A_718 = arith.index_cast %add3A_476 : i32 to index
      %get3A_719 = arith.constant 96 : index
      %get3A_720 = tpu.vector_load %arg15[%get3A_718, %get3A_719] {strides = array<i32>} : memref<48x144xf32, #tpu.memory_space<vmem>>, vector<16xf32>,
      %mul3A_721 = vector.broadcast %squeeze3A_717 : f32 to vector<16xf32>
      %mul3A_722 = arith.mulf %get3A_720, %mul3A_721 : vector<16xf32>
      %swap3A_723 = arith.index_cast %add3A_476 : i32 to index
      %swap3A_724 = arith.constant 96 : index
      %swap3A_725 = tpu.vector_load %arg15[%swap3A_723, %swap3A_724] {strides = array<i32>} : memref<48x144xf32, #tpu.memory_space<vmem>>, vector<16xf32>,
      tpu.vector_store %arg15[%swap3A_723, %swap3A_724], %mul3A_722 {strides = array<i32>} : memref<48x144xf32, #tpu.memory_space<vmem>>, vector<16xf32>,
      %slice3A_726 = vector.extract_strided_slice %select_n3A_652 {offsets = [7], sizes = [1], strides = [1]} : vector<16xf32> to vector<1xf32>
      %squeeze3A_727 = vector.extract %slice3A_726[0] : f32 from vector<1xf32>
      %get3A_728 = arith.index_cast %add3A_476 : i32 to index
      %get3A_729 = arith.constant 112 : index
      %get3A_730 = tpu.vector_load %arg15[%get3A_728, %get3A_729] {strides = array<i32>} : memref<48x144xf32, #tpu.memory_space<vmem>>, vector<16xf32>,
      %mul3A_731 = vector.broadcast %squeeze3A_727 : f32 to vector<16xf32>
      %mul3A_732 = arith.mulf %get3A_730, %mul3A_731 : vector<16xf32>
      %swap3A_733 = arith.index_cast %add3A_476 : i32 to index
      %swap3A_734 = arith.constant 112 : index
      %swap3A_735 = tpu.vector_load %arg15[%swap3A_733, %swap3A_734] {strides = array<i32>} : memref<48x144xf32, #tpu.memory_space<vmem>>, vector<16xf32>,
      tpu.vector_store %arg15[%swap3A_733, %swap3A_734], %mul3A_732 {strides = array<i32>} : memref<48x144xf32, #tpu.memory_space<vmem>>, vector<16xf32>,
      %scan3A_736 = arith.constant 0 : i32
      scf.yield %scan3A_736 : i32
    }
    %scan3A_191 = arith.constant 24 : i32
    %dma_start3A_192 = arith.constant 4 : i32
    %dma_start3A_193 = arith.constant 0 : i32
    %dma_start3A_194 = tpu.memref_slice %arg10[%dma_start3A_192, %dma_start3A_193] : memref<8x48xi32, #tpu.memory_space<vmem>> -> memref<1x48xi32, #tpu.memory_space<vmem>>
    %dma_start3A_195 = tpu.memref_squeeze %dma_start3A_194 : memref<1x48xi32, #tpu.memory_space<vmem>> -> memref<48xi32, #tpu.memory_space<vmem>>
    %dma_start3A_196 = arith.constant 0 : i32
    %dma_start3A_197 = arith.constant 0 : i32
    %dma_start3A_198 = tpu.memref_slice %arg18[%dma_start3A_196, %dma_start3A_197] : memref<10008x144xf32, #tpu.memory_space<vmem_shared>> -> memref<10008x144xf32, #tpu.memory_space<vmem_shared>>
    tpu.enqueue_indirect_dma source(%arg15 : memref<48x144xf32, #tpu.memory_space<vmem>>) target(%dma_start3A_198 : memref<10008x144xf32, #tpu.memory_space<vmem_shared>>) offsets(%dma_start3A_195 : memref<48xi32, #tpu.memory_space<vmem>>) semaphore(%arg22 : memref<!tpu.dma_semaphore, #tpu.memory_space<semaphore_mem>>) {add = true}
    %dma_wait3A_199 = arith.constant 4 : i32
    %dma_wait3A_200 = arith.constant 0 : i32
    %dma_wait3A_201 = tpu.memref_slice %arg10[%dma_wait3A_199, %dma_wait3A_200] : memref<8x48xi32, #tpu.memory_space<vmem>> -> memref<1x48xi32, #tpu.memory_space<vmem>>
    %dma_wait3A_202 = tpu.memref_squeeze %dma_wait3A_201 : memref<1x48xi32, #tpu.memory_space<vmem>> -> memref<48xi32, #tpu.memory_space<vmem>>
    %dma_wait3A_203 = arith.constant 0 : i32
    %dma_wait3A_204 = arith.constant 0 : i32
    %dma_wait3A_205 = tpu.memref_slice %arg18[%dma_wait3A_203, %dma_wait3A_204] : memref<10008x144xf32, #tpu.memory_space<vmem_shared>> -> memref<10008x144xf32, #tpu.memory_space<vmem_shared>>
    tpu.wait_indirect_dma semaphore(%arg22 : memref<!tpu.dma_semaphore, #tpu.memory_space<semaphore_mem>>) src(%arg15 : memref<48x144xf32, #tpu.memory_space<vmem>>) dst(%dma_wait3A_205 : memref<10008x144xf32, #tpu.memory_space<vmem_shared>>)
    %barrier3A_206 = arith.constant 0 : index
    tpu.barrier barrier_id(%barrier3A_206)
    %while3A_207 = arith.constant 0 : i32
    %while3A_208 = arith.constant 0 : i32
    %while3A_209 = arith.subi %add3A_10, %while3A_207 : i32
    %while3A_210 = arith.addi %while3A_207, %while3A_209 : i32
    %while3A_211 = arith.constant 1 : i32
    %while3A_212 = arith.divsi %while3A_209, %while3A_211 : i32
    %while3A_213 = arith.muli %while3A_212, %while3A_211 : i32
    %while3A_214 = arith.addi %while3A_207, %while3A_213 : i32
    %while3A_215 = arith.constant 1 : i32
    %while3A_216 = scf.for %while3A_219 = %while3A_207 to %while3A_214 step %while3A_215 iter_args(%while3A_220 = %while3A_208) -> (i32)  : i32 {
      %mul3A_221 = arith.constant 16 : i32
      %mul3A_222 = arith.muli %while3A_219, %mul3A_221 : i32
      %add3A_223 = arith.addi %arg1, %mul3A_222 : i32
      %mul3A_224 = arith.constant 24 : i32
      %mul3A_225 = arith.muli %add3A_223, %mul3A_224 : i32
      %eq3A = arith.constant 0 : i32
      %eq3A_226 = arith.cmpi eq, %arg0, %eq3A : i32
      %convert_element_type3A_227 = arith.extui %eq3A_226 : i1 to i32
      %cond3A = arith.constant 0 : i32
      %cond3A_228 = arith.cmpi ne, %convert_element_type3A_227, %cond3A : i32
      scf.if %cond3A_228 {
        "tpu.region"() ({
          %run_scoped3A = tpu.sem_alloc : memref<!tpu.dma_semaphore, #tpu.memory_space<semaphore_mem>>
          %dma_start3A_235 = arith.constant 0 : i32
          %dma_start3A_236 = tpu.memref_slice %arg8[%mul3A_225, %dma_start3A_235] : memref<10008x144xf32, #tpu.memory_space<hbm>> -> memref<24x144xf32, #tpu.memory_space<hbm>>
          %dma_start3A_237 = arith.constant 0 : i32
          %dma_start3A_238 = tpu.memref_slice %arg18[%mul3A_225, %dma_start3A_237] : memref<10008x144xf32, #tpu.memory_space<vmem_shared>> -> memref<24x144xf32, #tpu.memory_space<vmem_shared>>
          tpu.enqueue_dma source(%dma_start3A_238 : memref<24x144xf32, #tpu.memory_space<vmem_shared>>) target(%dma_start3A_236 : memref<24x144xf32, #tpu.memory_space<hbm>>) target_semaphore(%run_scoped3A : memref<!tpu.dma_semaphore, #tpu.memory_space<semaphore_mem>>)
          %dma_wait3A_239 = arith.constant 0 : i32
          %dma_wait3A_240 = tpu.memref_slice %arg8[%mul3A_225, %dma_wait3A_239] : memref<10008x144xf32, #tpu.memory_space<hbm>> -> memref<24x144xf32, #tpu.memory_space<hbm>>
          %dma_wait3A_241 = arith.constant 0 : i32
          %dma_wait3A_242 = tpu.memref_slice %arg18[%mul3A_225, %dma_wait3A_241] : memref<10008x144xf32, #tpu.memory_space<vmem_shared>> -> memref<24x144xf32, #tpu.memory_space<vmem_shared>>
          tpu.wait_dma2 semaphore(%run_scoped3A : memref<!tpu.dma_semaphore, #tpu.memory_space<semaphore_mem>>) src(%dma_wait3A_242 : memref<24x144xf32, #tpu.memory_space<vmem_shared>>) dst(%dma_wait3A_240 : memref<24x144xf32, #tpu.memory_space<hbm>>)
          tpu.yield
        }) : () -> ()
      } else {
      }
      %eq3A_229 = arith.constant 1 : i32
      %eq3A_230 = arith.cmpi eq, %arg0, %eq3A_229 : i32
      %convert_element_type3A_231 = arith.extui %eq3A_230 : i1 to i32
      %cond3A_232 = arith.constant 0 : i32
      %cond3A_233 = arith.cmpi ne, %convert_element_type3A_231, %cond3A_232 : i32
      scf.if %cond3A_233 {
        "tpu.region"() ({
          %run_scoped3A = tpu.sem_alloc : memref<!tpu.dma_semaphore, #tpu.memory_space<semaphore_mem>>
          %dma_start3A_235 = arith.constant 0 : i32
          %dma_start3A_236 = tpu.memref_slice %arg9[%mul3A_225, %dma_start3A_235] : memref<10008x144xf32, #tpu.memory_space<hbm>> -> memref<24x144xf32, #tpu.memory_space<hbm>>
          %dma_start3A_237 = arith.constant 0 : i32
          %dma_start3A_238 = tpu.memref_slice %arg18[%mul3A_225, %dma_start3A_237] : memref<10008x144xf32, #tpu.memory_space<vmem_shared>> -> memref<24x144xf32, #tpu.memory_space<vmem_shared>>
          tpu.enqueue_dma source(%dma_start3A_238 : memref<24x144xf32, #tpu.memory_space<vmem_shared>>) target(%dma_start3A_236 : memref<24x144xf32, #tpu.memory_space<hbm>>) target_semaphore(%run_scoped3A : memref<!tpu.dma_semaphore, #tpu.memory_space<semaphore_mem>>)
          %dma_wait3A_239 = arith.constant 0 : i32
          %dma_wait3A_240 = tpu.memref_slice %arg9[%mul3A_225, %dma_wait3A_239] : memref<10008x144xf32, #tpu.memory_space<hbm>> -> memref<24x144xf32, #tpu.memory_space<hbm>>
          %dma_wait3A_241 = arith.constant 0 : i32
          %dma_wait3A_242 = tpu.memref_slice %arg18[%mul3A_225, %dma_wait3A_241] : memref<10008x144xf32, #tpu.memory_space<vmem_shared>> -> memref<24x144xf32, #tpu.memory_space<vmem_shared>>
          tpu.wait_dma2 semaphore(%run_scoped3A : memref<!tpu.dma_semaphore, #tpu.memory_space<semaphore_mem>>) src(%dma_wait3A_242 : memref<24x144xf32, #tpu.memory_space<vmem_shared>>) dst(%dma_wait3A_240 : memref<24x144xf32, #tpu.memory_space<hbm>>)
          tpu.yield
        }) : () -> ()
      } else {
      }
      %while3A_234 = arith.constant 0 : i32
      scf.yield %while3A_234 : i32
    }
    %while3A_217 = arith.constant 1 : i32
    %while3A_218 = scf.for %while3A_219 = %while3A_214 to %while3A_210 step %while3A_217 iter_args(%while3A_220 = %while3A_216) -> (i32)  : i32 {
      %mul3A_221 = arith.constant 16 : i32
      %mul3A_222 = arith.muli %while3A_219, %mul3A_221 : i32
      %add3A_223 = arith.addi %arg1, %mul3A_222 : i32
      %mul3A_224 = arith.constant 24 : i32
      %mul3A_225 = arith.muli %add3A_223, %mul3A_224 : i32
      %eq3A = arith.constant 0 : i32
      %eq3A_226 = arith.cmpi eq, %arg0, %eq3A : i32
      %convert_element_type3A_227 = arith.extui %eq3A_226 : i1 to i32
      %cond3A = arith.constant 0 : i32
      %cond3A_228 = arith.cmpi ne, %convert_element_type3A_227, %cond3A : i32
      scf.if %cond3A_228 {
        "tpu.region"() ({
          %run_scoped3A = tpu.sem_alloc : memref<!tpu.dma_semaphore, #tpu.memory_space<semaphore_mem>>
          %dma_start3A_235 = arith.constant 0 : i32
          %dma_start3A_236 = tpu.memref_slice %arg8[%mul3A_225, %dma_start3A_235] : memref<10008x144xf32, #tpu.memory_space<hbm>> -> memref<24x144xf32, #tpu.memory_space<hbm>>
          %dma_start3A_237 = arith.constant 0 : i32
          %dma_start3A_238 = tpu.memref_slice %arg18[%mul3A_225, %dma_start3A_237] : memref<10008x144xf32, #tpu.memory_space<vmem_shared>> -> memref<24x144xf32, #tpu.memory_space<vmem_shared>>
          tpu.enqueue_dma source(%dma_start3A_238 : memref<24x144xf32, #tpu.memory_space<vmem_shared>>) target(%dma_start3A_236 : memref<24x144xf32, #tpu.memory_space<hbm>>) target_semaphore(%run_scoped3A : memref<!tpu.dma_semaphore, #tpu.memory_space<semaphore_mem>>)
          %dma_wait3A_239 = arith.constant 0 : i32
          %dma_wait3A_240 = tpu.memref_slice %arg8[%mul3A_225, %dma_wait3A_239] : memref<10008x144xf32, #tpu.memory_space<hbm>> -> memref<24x144xf32, #tpu.memory_space<hbm>>
          %dma_wait3A_241 = arith.constant 0 : i32
          %dma_wait3A_242 = tpu.memref_slice %arg18[%mul3A_225, %dma_wait3A_241] : memref<10008x144xf32, #tpu.memory_space<vmem_shared>> -> memref<24x144xf32, #tpu.memory_space<vmem_shared>>
          tpu.wait_dma2 semaphore(%run_scoped3A : memref<!tpu.dma_semaphore, #tpu.memory_space<semaphore_mem>>) src(%dma_wait3A_242 : memref<24x144xf32, #tpu.memory_space<vmem_shared>>) dst(%dma_wait3A_240 : memref<24x144xf32, #tpu.memory_space<hbm>>)
          tpu.yield
        }) : () -> ()
      } else {
      }
      %eq3A_229 = arith.constant 1 : i32
      %eq3A_230 = arith.cmpi eq, %arg0, %eq3A_229 : i32
      %convert_element_type3A_231 = arith.extui %eq3A_230 : i1 to i32
      %cond3A_232 = arith.constant 0 : i32
      %cond3A_233 = arith.cmpi ne, %convert_element_type3A_231, %cond3A_232 : i32
      scf.if %cond3A_233 {
        "tpu.region"() ({
          %run_scoped3A = tpu.sem_alloc : memref<!tpu.dma_semaphore, #tpu.memory_space<semaphore_mem>>
          %dma_start3A_235 = arith.constant 0 : i32
          %dma_start3A_236 = tpu.memref_slice %arg9[%mul3A_225, %dma_start3A_235] : memref<10008x144xf32, #tpu.memory_space<hbm>> -> memref<24x144xf32, #tpu.memory_space<hbm>>
          %dma_start3A_237 = arith.constant 0 : i32
          %dma_start3A_238 = tpu.memref_slice %arg18[%mul3A_225, %dma_start3A_237] : memref<10008x144xf32, #tpu.memory_space<vmem_shared>> -> memref<24x144xf32, #tpu.memory_space<vmem_shared>>
          tpu.enqueue_dma source(%dma_start3A_238 : memref<24x144xf32, #tpu.memory_space<vmem_shared>>) target(%dma_start3A_236 : memref<24x144xf32, #tpu.memory_space<hbm>>) target_semaphore(%run_scoped3A : memref<!tpu.dma_semaphore, #tpu.memory_space<semaphore_mem>>)
          %dma_wait3A_239 = arith.constant 0 : i32
          %dma_wait3A_240 = tpu.memref_slice %arg9[%mul3A_225, %dma_wait3A_239] : memref<10008x144xf32, #tpu.memory_space<hbm>> -> memref<24x144xf32, #tpu.memory_space<hbm>>
          %dma_wait3A_241 = arith.constant 0 : i32
          %dma_wait3A_242 = tpu.memref_slice %arg18[%mul3A_225, %dma_wait3A_241] : memref<10008x144xf32, #tpu.memory_space<vmem_shared>> -> memref<24x144xf32, #tpu.memory_space<vmem_shared>>
          tpu.wait_dma2 semaphore(%run_scoped3A : memref<!tpu.dma_semaphore, #tpu.memory_space<semaphore_mem>>) src(%dma_wait3A_242 : memref<24x144xf32, #tpu.memory_space<vmem_shared>>) dst(%dma_wait3A_240 : memref<24x144xf32, #tpu.memory_space<hbm>>)
          tpu.yield
        }) : () -> ()
      } else {
      }
      %while3A_234 = arith.constant 0 : i32
      scf.yield %while3A_234 : i32
    }
    return
  }
}

module attributes {stable_mosaic.version = 14 : i64} {
  func.func @_s1_body(%arg0: i32, %arg1: memref<1000x128xf32, #tpu.memory_space<vmem>>, %arg2: memref<1000x8xf32, #tpu.memory_space<vmem>>, %arg3: memref<8x8xf32, #tpu.memory_space<vmem>>, %arg4: memref<1x8xf32, #tpu.memory_space<vmem>>, %arg5: memref<128x256xf32, #tpu.memory_space<vmem>>, %arg6: memref<8x256xf32, #tpu.memory_space<vmem>>, %arg7: memref<1x256xf32, #tpu.memory_space<vmem>>, %arg8: memref<128x128xf32, #tpu.memory_space<vmem>>, %arg9: memref<1x128xf32, #tpu.memory_space<vmem>>, %arg10: memref<1000x128xf32, #tpu.memory_space<vmem>>, %arg11: memref<1000x144xf32, #tpu.memory_space<vmem>>, %arg12: memref<1000x128xf32, #tpu.memory_space<vmem>>) attributes {dimension_semantics = [#tpu.dimension_semantics<arbitrary>], iteration_bounds = array<i64: 10>, scalar_prefetch = 0 : i64, scratch_operands = 0 : i64, tpu.core_type = #tpu.core_type<tc>, window_params = [{transform_indices = @transform_0, window_bounds = array<i64: 1000, 128>}, {transform_indices = @transform_1, window_bounds = array<i64: 1000, 8>}, {pipeline_mode = #tpu.pipeline_mode<synchronous>, transform_indices = @transform_2, window_bounds = array<i64: 8, 8>}, {pipeline_mode = #tpu.pipeline_mode<synchronous>, transform_indices = @transform_3, window_bounds = array<i64: 1, 8>}, {pipeline_mode = #tpu.pipeline_mode<synchronous>, transform_indices = @transform_4, window_bounds = array<i64: 128, 256>}, {pipeline_mode = #tpu.pipeline_mode<synchronous>, transform_indices = @transform_5, window_bounds = array<i64: 8, 256>}, {pipeline_mode = #tpu.pipeline_mode<synchronous>, transform_indices = @transform_6, window_bounds = array<i64: 1, 256>}, {pipeline_mode = #tpu.pipeline_mode<synchronous>, transform_indices = @transform_7, window_bounds = array<i64: 128, 128>}, {pipeline_mode = #tpu.pipeline_mode<synchronous>, transform_indices = @transform_8, window_bounds = array<i64: 1, 128>}, {transform_indices = @transform_9, window_bounds = array<i64: 1000, 128>}, {transform_indices = @transform_10, window_bounds = array<i64: 1000, 144>}, {transform_indices = @transform_11, window_bounds = array<i64: 1000, 128>}]} {
    %get3A = arith.constant 0 : index
    %get3A_0 = arith.constant 0 : index
    %get3A_1 = vector.load %arg1[%get3A, %get3A_0] : memref<1000x128xf32, #tpu.memory_space<vmem>>, vector<1000x128xf32>
    %get3A_2 = arith.constant 0 : index
    %get3A_3 = arith.constant 0 : index
    %get3A_4 = vector.load %arg2[%get3A_2, %get3A_3] : memref<1000x8xf32, #tpu.memory_space<vmem>>, vector<1000x8xf32>
    %get3A_5 = arith.constant 0 : index
    %get3A_6 = arith.constant 0 : index
    %get3A_7 = vector.load %arg3[%get3A_5, %get3A_6] : memref<8x8xf32, #tpu.memory_space<vmem>>, vector<8x8xf32>
    %dot_general3A = arith.constant dense<0.000000e+00> : vector<1000x8xf32>
    %dot_general3A_8 = tpu.matmul %get3A_4, %get3A_7, %dot_general3A {dimension_numbers = #tpu.dot_dimension_numbers<[1], [0], [0], [1], [0, 0, 1, 1], [], []>, transpose_lhs_hint = false} : vector<1000x8xf32>, vector<8x8xf32>, vector<1000x8xf32> -> vector<1000x8xf32>
    %get3A_9 = arith.constant 0 : index
    %get3A_10 = arith.constant 0 : index
    %get3A_11 = vector.load %arg4[%get3A_9, %get3A_10] : memref<1x8xf32, #tpu.memory_space<vmem>>, vector<1x8xf32>
    %add3A = vector.broadcast %get3A_11 : vector<1x8xf32> to vector<1000x8xf32>
    %add3A_12 = arith.addf %dot_general3A_8, %add3A : vector<1000x8xf32>
    %max3A = arith.constant 0.000000e+00 : f32
    %max3A_13 = vector.broadcast %max3A : f32 to vector<1000x8xf32>
    %max3A_14 = arith.maximumf %add3A_12, %max3A_13 : vector<1000x8xf32>
    %get3A_15 = arith.constant 0 : index
    %get3A_16 = arith.constant 0 : index
    %get3A_17 = vector.load %arg5[%get3A_15, %get3A_16] : memref<128x256xf32, #tpu.memory_space<vmem>>, vector<128x256xf32>
    %dot_general3A_18 = arith.constant dense<0.000000e+00> : vector<1000x256xf32>
    %dot_general3A_19 = tpu.matmul %get3A_1, %get3A_17, %dot_general3A_18 {dimension_numbers = #tpu.dot_dimension_numbers<[1], [0], [0], [1], [0, 0, 1, 1], [], []>, transpose_lhs_hint = false} : vector<1000x128xf32>, vector<128x256xf32>, vector<1000x256xf32> -> vector<1000x256xf32>
    %get3A_20 = arith.constant 0 : index
    %get3A_21 = arith.constant 0 : index
    %get3A_22 = vector.load %arg6[%get3A_20, %get3A_21] : memref<8x256xf32, #tpu.memory_space<vmem>>, vector<8x256xf32>
    %dot_general3A_23 = arith.constant dense<0.000000e+00> : vector<1000x256xf32>
    %dot_general3A_24 = tpu.matmul %max3A_14, %get3A_22, %dot_general3A_23 {dimension_numbers = #tpu.dot_dimension_numbers<[1], [0], [0], [1], [0, 0, 1, 1], [], []>, transpose_lhs_hint = false} : vector<1000x8xf32>, vector<8x256xf32>, vector<1000x256xf32> -> vector<1000x256xf32>
    %add3A_25 = arith.addf %dot_general3A_19, %dot_general3A_24 : vector<1000x256xf32>
    %get3A_26 = arith.constant 0 : index
    %get3A_27 = arith.constant 0 : index
    %get3A_28 = vector.load %arg7[%get3A_26, %get3A_27] : memref<1x256xf32, #tpu.memory_space<vmem>>, vector<1x256xf32>
    %add3A_29 = vector.broadcast %get3A_28 : vector<1x256xf32> to vector<1000x256xf32>
    %add3A_30 = arith.addf %add3A_25, %add3A_29 : vector<1000x256xf32>
    %slice3A = vector.extract_strided_slice %add3A_30 {offsets = [0, 0], sizes = [1000, 128], strides = [1, 1]} : vector<1000x256xf32> to vector<1000x128xf32>
    %swap3A = arith.constant 0 : index
    %swap3A_31 = arith.constant 0 : index
    %swap3A_32 = vector.load %arg10[%swap3A, %swap3A_31] : memref<1000x128xf32, #tpu.memory_space<vmem>>, vector<1000x128xf32>
    tpu.vector_store %arg10[%swap3A, %swap3A_31], %slice3A {strides = array<i32>} : memref<1000x128xf32, #tpu.memory_space<vmem>>, vector<1000x128xf32>,
    %slice3A_33 = vector.extract_strided_slice %add3A_30 {offsets = [0, 128], sizes = [1000, 128], strides = [1, 1]} : vector<1000x256xf32> to vector<1000x128xf32>
    %broadcast_in_dim3A = arith.constant 0.000000e+00 : f32
    %broadcast_in_dim3A_34 = vector.broadcast %broadcast_in_dim3A : f32 to vector<1000x16xf32>
    %concatenate3A = tpu.concatenate %slice3A_33, %broadcast_in_dim3A_34 in 1 : vector<1000x128xf32>, vector<1000x16xf32> -> vector<1000x144xf32>
    %swap3A_35 = arith.constant 0 : index
    %swap3A_36 = arith.constant 0 : index
    %swap3A_37 = vector.load %arg11[%swap3A_35, %swap3A_36] : memref<1000x144xf32, #tpu.memory_space<vmem>>, vector<1000x144xf32>
    tpu.vector_store %arg11[%swap3A_35, %swap3A_36], %concatenate3A {strides = array<i32>} : memref<1000x144xf32, #tpu.memory_space<vmem>>, vector<1000x144xf32>,
    %get3A_38 = arith.constant 0 : index
    %get3A_39 = arith.constant 0 : index
    %get3A_40 = vector.load %arg8[%get3A_38, %get3A_39] : memref<128x128xf32, #tpu.memory_space<vmem>>, vector<128x128xf32>
    %dot_general3A_41 = arith.constant dense<0.000000e+00> : vector<1000x128xf32>
    %dot_general3A_42 = tpu.matmul %get3A_1, %get3A_40, %dot_general3A_41 {dimension_numbers = #tpu.dot_dimension_numbers<[1], [0], [0], [1], [0, 0, 1, 1], [], []>, transpose_lhs_hint = false} : vector<1000x128xf32>, vector<128x128xf32>, vector<1000x128xf32> -> vector<1000x128xf32>
    %get3A_43 = arith.constant 0 : index
    %get3A_44 = arith.constant 0 : index
    %get3A_45 = vector.load %arg9[%get3A_43, %get3A_44] : memref<1x128xf32, #tpu.memory_space<vmem>>, vector<1x128xf32>
    %add3A_46 = vector.broadcast %get3A_45 : vector<1x128xf32> to vector<1000x128xf32>
    %add3A_47 = arith.addf %dot_general3A_42, %add3A_46 : vector<1000x128xf32>
    %swap3A_48 = arith.constant 0 : index
    %swap3A_49 = arith.constant 0 : index
    %swap3A_50 = vector.load %arg12[%swap3A_48, %swap3A_49] : memref<1000x128xf32, #tpu.memory_space<vmem>>, vector<1000x128xf32>
    tpu.vector_store %arg12[%swap3A_48, %swap3A_49], %add3A_47 {strides = array<i32>} : memref<1000x128xf32, #tpu.memory_space<vmem>>, vector<1000x128xf32>,
    return
  }
  func.func @transform_0(%arg0: i32) -> (i32, i32) {
    %c0_i32 = arith.constant 0 : i32
    %c0_i32_0 = arith.constant 0 : i32
    return %arg0, %c0_i32 : i32, i32
  }
  func.func @transform_1(%arg0: i32) -> (i32, i32) {
    %c0_i32 = arith.constant 0 : i32
    %c0_i32_0 = arith.constant 0 : i32
    return %arg0, %c0_i32 : i32, i32
  }
  func.func @transform_2(%arg0: i32) -> (i32, i32) {
    %c0_i32 = arith.constant 0 : i32
    %c0_i32_0 = arith.constant 0 : i32
    %c0_i32_1 = arith.constant 0 : i32
    return %c0_i32, %c0_i32_0 : i32, i32
  }
  func.func @transform_3(%arg0: i32) -> (i32, i32) {
    %c0_i32 = arith.constant 0 : i32
    %c0_i32_0 = arith.constant 0 : i32
    %c0_i32_1 = arith.constant 0 : i32
    return %c0_i32, %c0_i32_0 : i32, i32
  }
  func.func @transform_4(%arg0: i32) -> (i32, i32) {
    %c0_i32 = arith.constant 0 : i32
    %c0_i32_0 = arith.constant 0 : i32
    %c0_i32_1 = arith.constant 0 : i32
    return %c0_i32, %c0_i32_0 : i32, i32
  }
  func.func @transform_5(%arg0: i32) -> (i32, i32) {
    %c0_i32 = arith.constant 0 : i32
    %c0_i32_0 = arith.constant 0 : i32
    %c0_i32_1 = arith.constant 0 : i32
    return %c0_i32, %c0_i32_0 : i32, i32
  }
  func.func @transform_6(%arg0: i32) -> (i32, i32) {
    %c0_i32 = arith.constant 0 : i32
    %c0_i32_0 = arith.constant 0 : i32
    %c0_i32_1 = arith.constant 0 : i32
    return %c0_i32, %c0_i32_0 : i32, i32
  }
  func.func @transform_7(%arg0: i32) -> (i32, i32) {
    %c0_i32 = arith.constant 0 : i32
    %c0_i32_0 = arith.constant 0 : i32
    %c0_i32_1 = arith.constant 0 : i32
    return %c0_i32, %c0_i32_0 : i32, i32
  }
  func.func @transform_8(%arg0: i32) -> (i32, i32) {
    %c0_i32 = arith.constant 0 : i32
    %c0_i32_0 = arith.constant 0 : i32
    %c0_i32_1 = arith.constant 0 : i32
    return %c0_i32, %c0_i32_0 : i32, i32
  }
  func.func @transform_9(%arg0: i32) -> (i32, i32) {
    %c0_i32 = arith.constant 0 : i32
    %c0_i32_0 = arith.constant 0 : i32
    return %arg0, %c0_i32 : i32, i32
  }
  func.func @transform_10(%arg0: i32) -> (i32, i32) {
    %c0_i32 = arith.constant 0 : i32
    %c0_i32_0 = arith.constant 0 : i32
    return %arg0, %c0_i32 : i32, i32
  }
  func.func @transform_11(%arg0: i32) -> (i32, i32) {
    %c0_i32 = arith.constant 0 : i32
    %c0_i32_0 = arith.constant 0 : i32
    return %arg0, %c0_i32 : i32, i32
  }
}

module attributes {stable_mosaic.version = 14 : i64} {
  func.func @_s3_body(%arg0: i32, %arg1: memref<1000x144xf32, #tpu.memory_space<vmem>>, %arg2: memref<1000x144xf32, #tpu.memory_space<vmem>>, %arg3: memref<8x128xf32, #tpu.memory_space<vmem>>, %arg4: memref<128x128xf32, #tpu.memory_space<vmem>>, %arg5: memref<1x128xf32, #tpu.memory_space<vmem>>, %arg6: memref<1000x128xf32, #tpu.memory_space<vmem>>) attributes {dimension_semantics = [#tpu.dimension_semantics<arbitrary>], iteration_bounds = array<i64: 10>, scalar_prefetch = 0 : i64, scratch_operands = 0 : i64, tpu.core_type = #tpu.core_type<tc>, window_params = [{transform_indices = @transform_0, window_bounds = array<i64: 1000, 144>}, {transform_indices = @transform_1, window_bounds = array<i64: 1000, 144>}, {pipeline_mode = #tpu.pipeline_mode<synchronous>, transform_indices = @transform_2, window_bounds = array<i64: 8, 128>}, {pipeline_mode = #tpu.pipeline_mode<synchronous>, transform_indices = @transform_3, window_bounds = array<i64: 128, 128>}, {pipeline_mode = #tpu.pipeline_mode<synchronous>, transform_indices = @transform_4, window_bounds = array<i64: 1, 128>}, {transform_indices = @transform_5, window_bounds = array<i64: 1000, 128>}]} {
    %get3A = arith.constant 0 : index
    %get3A_0 = arith.constant 0 : index
    %get3A_1 = vector.load %arg1[%get3A, %get3A_0] : memref<1000x144xf32, #tpu.memory_space<vmem>>, vector<1000x128xf32>
    %get3A_2 = arith.constant 0 : index
    %get3A_3 = arith.constant 0 : index
    %get3A_4 = vector.load %arg2[%get3A_2, %get3A_3] : memref<1000x144xf32, #tpu.memory_space<vmem>>, vector<1000x128xf32>
    %add3A = arith.addf %get3A_1, %get3A_4 : vector<1000x128xf32>
    %get3A_5 = arith.constant 0 : index
    %get3A_6 = arith.constant 128 : index
    %get3A_7 = vector.load %arg1[%get3A_5, %get3A_6] : memref<1000x144xf32, #tpu.memory_space<vmem>>, vector<1000x8xf32>
    %get3A_8 = arith.constant 0 : index
    %get3A_9 = arith.constant 128 : index
    %get3A_10 = vector.load %arg2[%get3A_8, %get3A_9] : memref<1000x144xf32, #tpu.memory_space<vmem>>, vector<1000x8xf32>
    %add3A_11 = arith.addf %get3A_7, %get3A_10 : vector<1000x8xf32>
    %div3A = arith.constant 1.000000e+00 : f32
    %div3A_12 = vector.broadcast %div3A : f32 to vector<1000x8xf32>
    %div3A_13 = arith.divf %div3A_12, %add3A_11 : vector<1000x8xf32>
    %get3A_14 = arith.constant 0 : index
    %get3A_15 = arith.constant 0 : index
    %get3A_16 = vector.load %arg3[%get3A_14, %get3A_15] : memref<8x128xf32, #tpu.memory_space<vmem>>, vector<8x128xf32>
    %dot_general3A = arith.constant dense<0.000000e+00> : vector<1000x128xf32>
    %dot_general3A_17 = tpu.matmul %div3A_13, %get3A_16, %dot_general3A {dimension_numbers = #tpu.dot_dimension_numbers<[1], [0], [0], [1], [0, 0, 1, 1], [], []>, transpose_lhs_hint = false} : vector<1000x8xf32>, vector<8x128xf32>, vector<1000x128xf32> -> vector<1000x128xf32>
    %mul3A = arith.mulf %add3A, %dot_general3A_17 : vector<1000x128xf32>
    %get3A_18 = arith.constant 0 : index
    %get3A_19 = arith.constant 0 : index
    %get3A_20 = vector.load %arg4[%get3A_18, %get3A_19] : memref<128x128xf32, #tpu.memory_space<vmem>>, vector<128x128xf32>
    %dot_general3A_21 = arith.constant dense<0.000000e+00> : vector<1000x128xf32>
    %dot_general3A_22 = tpu.matmul %mul3A, %get3A_20, %dot_general3A_21 {dimension_numbers = #tpu.dot_dimension_numbers<[1], [0], [0], [1], [0, 0, 1, 1], [], []>, transpose_lhs_hint = false} : vector<1000x128xf32>, vector<128x128xf32>, vector<1000x128xf32> -> vector<1000x128xf32>
    %get3A_23 = arith.constant 0 : index
    %get3A_24 = arith.constant 0 : index
    %get3A_25 = vector.load %arg5[%get3A_23, %get3A_24] : memref<1x128xf32, #tpu.memory_space<vmem>>, vector<1x128xf32>
    %add3A_26 = vector.broadcast %get3A_25 : vector<1x128xf32> to vector<1000x128xf32>
    %add3A_27 = arith.addf %dot_general3A_22, %add3A_26 : vector<1000x128xf32>
    %swap3A = arith.constant 0 : index
    %swap3A_28 = arith.constant 0 : index
    %swap3A_29 = vector.load %arg6[%swap3A, %swap3A_28] : memref<1000x128xf32, #tpu.memory_space<vmem>>, vector<1000x128xf32>
    tpu.vector_store %arg6[%swap3A, %swap3A_28], %add3A_27 {strides = array<i32>} : memref<1000x128xf32, #tpu.memory_space<vmem>>, vector<1000x128xf32>,
    return
  }
  func.func @transform_0(%arg0: i32) -> (i32, i32) {
    %c0_i32 = arith.constant 0 : i32
    %c0_i32_0 = arith.constant 0 : i32
    return %arg0, %c0_i32 : i32, i32
  }
  func.func @transform_1(%arg0: i32) -> (i32, i32) {
    %c0_i32 = arith.constant 0 : i32
    %c0_i32_0 = arith.constant 0 : i32
    return %arg0, %c0_i32 : i32, i32
  }
  func.func @transform_2(%arg0: i32) -> (i32, i32) {
    %c0_i32 = arith.constant 0 : i32
    %c0_i32_0 = arith.constant 0 : i32
    %c0_i32_1 = arith.constant 0 : i32
    return %c0_i32, %c0_i32_0 : i32, i32
  }
  func.func @transform_3(%arg0: i32) -> (i32, i32) {
    %c0_i32 = arith.constant 0 : i32
    %c0_i32_0 = arith.constant 0 : i32
    %c0_i32_1 = arith.constant 0 : i32
    return %c0_i32, %c0_i32_0 : i32, i32
  }
  func.func @transform_4(%arg0: i32) -> (i32, i32) {
    %c0_i32 = arith.constant 0 : i32
    %c0_i32_0 = arith.constant 0 : i32
    %c0_i32_1 = arith.constant 0 : i32
    return %c0_i32, %c0_i32_0 : i32, i32
  }
  func.func @transform_5(%arg0: i32) -> (i32, i32) {
    %c0_i32 = arith.constant 0 : i32
    %c0_i32_0 = arith.constant 0 : i32
    return %arg0, %c0_i32 : i32, i32
  }
}

</mosaic_0001>

<sc_bundles>
// kernel: kernel.5.cloned.1.call-start
scs
__scs_entry_jumppad:
0x0: {  	(pc) =	sbr.rel $0x88, $3  }
0x1: {  	(tag) =	ssettag $0x0;
	lr =	simm.s32 $0x1  }
0x2: {  	[smem:$0x3F91] =	sst lr;
	_ =	strace $0xD0000000  }
0x3: {  	_ = 	snop  }
0x4: {  	_ = 	snop  }
0x5: {  	_ = 	snop  }
0x6: {  	_ = 	snop  }
0x7: {  	_ = 	snop  }
__scs_overlays_trampoline_lowered:
0x8: {  	[smem:$0x3FA0] =	sst s0  }
0x9: {  	[smem:$0x3FA1] =	sst s1  }
0xa: {  	[smem:$0x3FA2] =	sst s2  }
0xb: {  	[smem:$0x3FA3] =	sst s3  }
0xc: {  	[smem:$0x3FA4] =	sst s4  }
0xd: {  	[smem:$0x3FA5] =	sst s5  }
0xe: {  	[smem:$0x3FA6] =	sst s6  }
0xf: {  	[smem:$0x3FA7] =	sst s7  }
0x10: {  	[smem:$0x3FA8] =	sst s8  }
0x11: {  	[smem:$0x3FA9] =	sst s9;
	s0 =	simm.s32 @!p0 $0x0  }
0x12: {  	s1 =	sld [smem:$0x3F8F];
	s0 =	simm.s32 @p0 $0x1  }
0x13: {  	[smem:$0x3FAA] =	sst s0;
	s0 =	simm.s32 @!p1 $0x0  }
0x14: {  	s2 =	sld [smem:$0x3F8E];
	s0 =	simm.s32 @p1 $0x1  }
0x15: {  	[smem:$0x3FAB] =	sst s0;
	s0 =	simm.s32 @!p2 $0x0  }
0x16: {  	s3 =	sld [smem:$0x3FDB];
	s0 =	simm.s32 @p2 $0x1  }
0x17: {  	s4 =	simm.s32 $0x1BF5;
	[smem:$0x3FAD] =	sst s0  }
0x18: {  	s0 =	sld [smem:$0x3F90];
	_ =	swait.ge [sflag:s4], $0x0  }
0x19: {  	s7 =	sld [smem:$0x3F91]  }
0x1a: {  	s8 =	sadd.s32 $0xFFFFE003, lr  }
0x1b: {  	s9 =	sadd.s32 $0xFFFFFEF7, lr;
	s5 =	simm.s32 $0xFFFFFFFF;
	p2 =	slt.u32 s8, $0xFFFFF086  }
0x1c: {  	p1 =	slt.u32 s9, $0xF7A;
	s5 =	simm.s32 @!p2 $0x0  }
0x1d: {  	s5 =	simm.s32 @p1 $0x1;
	p0 =	seq.s32 s7, s2  }
0x1e: {  	s7 =	smul.u32 @!p0 $0xF7A, s2;
	p2 =	seq.s32 @!p0 s5, $0x0  }
0x1f: {  	s9 =	smul.u32 $0xF7A, s1;
	s8 =	simm.s32 @!p0 $0x1BF5;
	p2 =	por !p2, p0  }
0x20: {  	[sflag:s8] =	ssyncset.s32 @!p0 $0xFFFFF086;
	s6 =	sadd.s32 @!p0 s3, s7;
	s7 =	simm.s32 @!p0 $0x108  }
0x21: {  	s3 =	sadd.s32 s3, s9;
	s6 =	sadd.s32 @!p0 $0x88, s6;
	s7 =	simm.s32 @p2 $0x1082  }
0x22: {  	[simem:s7], [sflag:s8] =	dma.local @!p0 [hbm:s6], $0xF7A  }
0x23: {  	s9 =	sor.u32 $0xD0000000, s2;
	s6 =	simm.s32 $0x108;
	_ =	swait.ge @!p0 [sflag:s8], $0x0  }
0x24: {  	s3 =	sadd.s32 $0x88, s3;
	s6 =	simm.s32 @!p1 $0x1082;
	[sflag:s4] =	ssyncset.s32 $0xFFFFF086  }
0x25: {  	[simem:s6], [sflag:s4] =	dma.local [hbm:s3], $0xF7A  }
0x26: {  	[smem:$0x3F91] =	sst s1;
	(tag) =	ssettag s2;
	_ =	strace s9  }
0x27: {  	s1 =	sld [smem:$0x3FA1]  }
0x28: {  	s2 =	sld [smem:$0x3FA2]  }
0x29: {  	s4 =	sld [smem:$0x3FA4]  }
0x2a: {  	p0 =	seq.s32 s5, $0x0;
	s5 =	sld [smem:$0x3FA5]  }
0x2b: {  	s6 =	sld [smem:$0x3FA6]  }
0x2c: {  	s7 =	sld [smem:$0x3FA7]  }
0x2d: {  	s3 =	simm.s32 $0x108;
	s8 =	sld [smem:$0x3FA8]  }
0x2e: {  	s3 =	simm.s32 @!p0 $0x1082;
	s9 =	sld [smem:$0x3FA9]  }
0x2f: {  	lr =	sadd.s32 s0, s3;
	s0 =	sld [smem:$0x3FA0]  }
0x30: {  	s3 =	sld [smem:$0x3FA3]  }
0x31: {  	[smem:$0x3FAC] =	sst s10  }
0x32: {  	s10 =	sld [smem:$0x3FAA];
	_ =	sdelay $0x3  }
0x33: {  	p0 =	seq.s32 s10, $0x1;
	s10 =	sld [smem:$0x3FAC];
	_ =	sdelay $0x3  }
0x34: {  	[smem:$0x3FAC] =	sst s10  }
0x35: {  	s10 =	sld [smem:$0x3FAB];
	_ =	sdelay $0x3  }
0x36: {  	p1 =	seq.s32 s10, $0x1;
	s10 =	sld [smem:$0x3FAC];
	_ =	sdelay $0x3  }
0x37: {  	[smem:$0x3FAC] =	sst s10  }
0x38: {  	s10 =	sld [smem:$0x3FAD]  }
0x39: {  	_ = 	snop;
	(pc) =	sbr.ind lr, $3  }
0x3a: {  	_ = 	snop  }
0x3b: {  	_ = 	snop  }
0x3c: {  	p2 =	seq.s32 s10, $0x1;
	s10 =	sld [smem:$0x3FAC]  }
0x3d: {  	_ =	shalt  }
0x3e: {  	_ =	shalt  }
0x3f: {  	_ =	shalt  }
0x40: {  	_ =	shalt  }
0x41: {  	_ =	shalt  }
0x42: {  	_ =	shalt  }
0x43: {  	_ =	shalt  }
0x44: {  	_ =	shalt  }
0x45: {  	_ =	shalt  }
0x46: {  	_ =	shalt  }
0x47: {  	_ =	shalt  }
0x48: {  	_ =	shalt  }
0x49: {  	_ =	shalt  }
0x4a: {  	_ =	shalt  }
0x4b: {  	_ =	shalt  }
0x4c: {  	_ =	shalt  }
0x4d: {  	_ =	shalt  }
0x4e: {  	_ =	shalt  }
0x4f: {  	_ =	shalt  }
0x50: {  	_ =	shalt  }
0x51: {  	_ =	shalt  }
0x52: {  	_ =	shalt  }
0x53: {  	_ =	shalt  }
0x54: {  	_ =	shalt  }
0x55: {  	_ =	shalt  }
0x56: {  	_ =	shalt  }
0x57: {  	_ =	shalt  }
0x58: {  	_ =	shalt  }
0x59: {  	_ =	shalt  }
0x5a: {  	_ =	shalt  }
0x5b: {  	_ =	shalt  }
0x5c: {  	_ =	shalt  }
0x5d: {  	_ =	shalt  }
0x5e: {  	_ =	shalt  }
0x5f: {  	_ =	shalt  }
0x60: {  	_ =	shalt  }
0x61: {  	_ =	shalt  }
0x62: {  	_ =	shalt  }
0x63: {  	_ =	shalt  }
0x64: {  	_ =	shalt  }
0x65: {  	_ =	shalt  }
0x66: {  	_ =	shalt  }
0x67: {  	_ =	shalt  }
0x68: {  	_ =	shalt  }
0x69: {  	_ =	shalt  }
0x6a: {  	_ =	shalt  }
0x6b: {  	_ =	shalt  }
0x6c: {  	_ =	shalt  }
0x6d: {  	_ =	shalt  }
0x6e: {  	_ =	shalt  }
0x6f: {  	_ =	shalt  }
0x70: {  	_ =	shalt  }
0x71: {  	_ =	shalt  }
0x72: {  	_ =	shalt  }
0x73: {  	_ =	shalt  }
0x74: {  	_ =	shalt  }
0x75: {  	_ =	shalt  }
0x76: {  	_ =	shalt  }
0x77: {  	_ =	shalt  }
0x78: {  	_ =	shalt  }
0x79: {  	_ =	shalt  }
0x7a: {  	_ =	shalt  }
0x7b: {  	_ =	shalt  }
0x7c: {  	_ =	shalt  }
0x7d: {  	_ =	shalt  }
0x7e: {  	_ =	shalt  }
0x7f: {  	_ =	shalt  }
0x80: {  	_ =	shalt  }
0x81: {  	_ =	shalt  }
0x82: {  	_ =	shalt  }
0x83: {  	_ =	shalt  }
0x84: {  	_ =	shalt  }
0x85: {  	_ =	shalt  }
0x86: {  	_ =	shalt  }
0x87: {  	_ =	shalt  }
.Lfunc_end0:
.L_simem_size_0:
called_computation_lowered:
.L_overlay_start_0:
0x88: {  	s2 =	sld [smem:$0x3FD9]  }
0x89: {  	s3 =	sld [smem:$0x3FFE];
	_ =	sdelay $0x1  }
0x8a: {  	s1 =	srdreg.scid  }
0x8b: {  	s0 =	sand.u32 $0x1, s1  }
0x8c: {  	s17 =	sshll.u32 s0, $0xA;
	s2 =	sadd.s32 s3, s2  }
0x8d: {  	s2 =	sadd.s32 s2, s17  }
0x8e: {  	[smem:$0x3FB8] =	sst s2  }
0x8f: {  	_ = 	snop  }
0x90: {  	s2 =	sld [smem:$0x3FD0];
	(tm) =	ssettm $0x1  }
0x91: {  	s18 =	sld [smem:$0x3FFB];
	_ =	sdelay $0x3  }
0x92: {  	_ =	strace s18  }
0x93: {  	s3 =	sld [smem:$0x3FFC];
	_ =	sdelay $0x3  }
0x94: {  	_ =	strace s3  }
0x95: {  	s3 =	sld [smem:$0x3FFD];
	_ =	sdelay $0x3  }
0x96: {  	_ =	strace s3  }
0x97: {  	_ =	strace $0x8FFFFFFF  }
0x98: {  	s19 =	sld [smem:$0x3FDB];
	_ =	sdelay $0x1  }
0x99: {  	s4 =	simm.s32 $_scs_section_size  }
0x9a: {  	s5 =	simm.s32 $_size__tile_overlayer_lowered;
	s6 =	simm.s32 $_tile_overlayer_lowered  }
0x9b: {  	s22 =	simm.s32 $0x1BFF;
	s21 =	sshll.u32 s6, $0x1;
	s3 =	sadd.s32 s4, s19  }
0x9c: {  	s7 =	simm.s32 $0x0;
	s20 =	sshll.u32 s5, $0x1;
	s5 =	sadd.s32 s21, s3  }
0x9d: {  	[timem:s7], [sflag:s22] =	dma.local [hbm:s5], s20  }
0x9e: {  	_ =	swait.ge [sflag:s22], s20  }
0x9f: {  	s4 =	ssub.s32 $0x0, s20;
	[sflag:s22] =	ssyncset.done $0x0  }
0xa0: {  	[sflag:s22] =	ssyncadd.s32 s4;
	_ =	sdelay $0x1  }
0xa1: {  	s23 =	simm.s32 $0x1B8B  }
0xa2: {  	_ =	swait.ge [sflag:s23], $0x1  }
0xa3: {  	[sflag:s23] =	ssyncset.done $0x0  }
0xa4: {  	s25 =	simm.s32 $0x1B8E;
	s24 =	sld [smem:$0x3FFE];
	[sflag:s23] =	ssyncadd.s32 $0xFFFFFFFF  }
0xa5: {  	s26 =	simm.s32 $execute0_lowered;
	[smem:$0x3FD2] =	sst s25  }
0xa6: {  	s5 =	sshll.u32 s26, $0x1;
	_ =	strace $0x80000046;
	[dreg:$0x1] =	wrdreg $0xFFFFFFFF  }
0xa7: {  	s28 =	simm.s32 $_size_execute0_lowered;
	s3 =	sadd.s32 s3, s5;
	[dreg:$0x0] =	wrdreg $0x0  }
0xa8: {  	s5 =	sshll.u32 s28, $0x1;
	[dreg:$0x2] =	wrdreg s3  }
0xa9: {  	[dreg:$0x3] =	wrdreg s5  }
0xaa: {  	[dreg:$0x4] =	wrdreg $0xC0  }
0xab: {  	_ =	task [dreg:s7], $0x5FFFF  }
0xac: {  	[dreg:$0x1] =	wrdreg $0xFFFFFFFF  }
0xad: {  	[dreg:$0x0] =	wrdreg $0x60  }
0xae: {  	[dreg:$0x2] =	wrdreg s24  }
0xaf: {  	[dreg:$0x3] =	wrdreg s2  }
0xb0: {  	[dreg:$0x4] =	wrdreg $0x97A00  }
0xb1: {  	[dreg:$0x5] =	wrdreg $0x9  }
0xb2: {  	_ =	task.clear_ibuf [dreg:s7], $0x6FFFF;
	_ =	strace $0x90000046  }
0xb3: {  	s29 =	simm.s32 $0x9;
	_ =	strace $0x80000048  }
0xb4: {  	_ =	swait.ge [sflag:s29], $0x1  }
0xb5: {  	[sflag:s29] =	ssyncadd.s32 $0xFFFFFFFF  }
0xb6: {  	_ =	strace $0x90000048  }
0xb7: {  	_ =	sfence  }
0xb8: {  	s30 =	sld [smem:$0x0];
	_ =	sdelay $0x2  }
0xb9: {  	s31 =	sshll.u32 s1, $0xD;
	s1 =	sshrl.u32 s1, $0x2  }
0xba: {  	s3 =	sand.u32 $0x4000, s31;
	s1 =	sadd.s32 s1, s30  }
0xbb: {  	s0 =	sor.u32 s3, s0;
	s1 =	sshll.u32 s1, $0x11  }
0xbc: {  	s0 =	sor.u32 s1, s0  }
0xbd: {  	s0 =	sadd.s32 $0x8F2B, s0  }
0xbe: {  	[sflag:s0] =	ssyncadd.remote.s32 $0x1  }
0xbf: {  	_ =	sfence.sel $0xFFFF  }
0xc0: {  	[dreg:$0x0] =	wrdreg $0xFFFFFFFF;
	(pc) =	sbr.abs _section_cstart, $3  }
0xc1: {  	[dreg:$0x1] =	wrdreg $0xFFFFFFFF  }
0xc2: {  	_ =	task.clear_ibuf [dreg:s7], $0x2FFFF;
	_ =	strace $0x9FFFFFFF  }
0xc3: {  	(tm) =	ssettm $0x7FFFFFFF  }
tec
execute0_lowered:
.L_overlay_start_1:
0x0: {  	(tag) =	ssettag $0x1  }
0x1: {  	s0 =	rddreg [dreg:$0x0]  }
0x2: {  	s1 =	rddreg [dreg:$0x1]  }
0x3: {  	s2 =	rddreg [dreg:$0x2];
	s3 =	simm.s32 $0x0;
	s15 =	srdreg.scid  }
0x4: {  	s21 =	simm.s32 $0x1B;
	s28 =	simm.s32 $0x30;
	s30 =	simm.s32 $0x1  }
0x5: {  	s31 =	simm.s32 $0x180;
	s29 =	simm.s32 $0x2;
	[smem:$0x7FF] =	sst s3  }
0x6: {  	s4 =	sadd.s32 $0xBC00, s0;
	s6 =	sadd.s32 $0x1E00, s0;
	s3 =	sand.u32 $0x1, s15  }
0x7: {  	s7 =	sadd.s32 $0x8AE00, s0;
	s15 =	stileid.u32;
	s8 =	sadd.s32 $0x63C00, s0  }
0x8: {  	s10 =	sadd.s32 $0x15C00, s0;
	s11 =	sadd.s32 $0xB6E00, s0;
	s0 =	sadd.s32 $0x15E00, s0  }
0x9: {  	_ =	strace $0x80000047;
	s5 =	sshll.u32 s3, $0x4;
	s9 =	ssub.s32 $0x2, s3  }
0xa: {  	[dreg:$0x4] =	wrdreg s10;
	p0 =	seq.s32 s15, $0x0;
	s14 =	smul.u32 $0x3600, s15  }
0xb: {  	s26 =	smul.u32 $0x1B0, s15;
	s5 =	sor.u32 s15, s5;
	s12 =	sshrl.u32 s9, $0x1  }
0xc: {  	s21 =	simm.s32 @!p0 $0x1A;
	p0 =	sne.s32 s3, $0x0;
	s3 =	simm.s32 $0x1980  }
0xd: {  	s15 =	simm.s32 $0x0;
	s10 =	smul.u32 $0x2730, s5;
	s16 =	ssub.s32 s9, s12  }
0xe: {  	s24 =	sshrl.u32 s14, $0x2;
	[dreg:$0xd] =	wrdreg s26;
	s11 =	smov.u32 @p0 s0  }
0xf: {  	s0 =	simm.s32 $0x3180;
	s5 =	smax.u32 s16, $0x1;
	s25 =	sadd.s32 s24, s2  }
0x10: {  	s24 =	simm.s32 $0x6;
	s17 =	sshrl.u32 s10, $0x3;
	[dreg:$0xb] =	wrdreg s5  }
0x11: {  	[dreg:$0xc] =	wrdreg s25;
	s25 =	simm.s32 $0x6180;
	s18 =	sadd.s32 s4, s17  }
0x12: {  	s19 =	sadd.s32 s6, s17;
	s13 =	sadd.s32 $0x6, s17;
	[dreg:$0x5] =	wrdreg s18  }
0x13: {  	s5 =	simm.s32 $0x7C80;
	[dreg:$0x6] =	wrdreg s19;
	s20 =	sadd.s32 s4, s13  }
0x14: {  	v0 =	vimm.f32 $0.0e+00;
	s9 =	sadd.s32 $0xC, s17;
	s22 =	sadd.s32 s6, s13;
	[dreg:$0x7] =	wrdreg s20  }
0x15: {  	vm0 =	vmmov $0x1;
	vm1 =	vcmask $0x320;
	vm2 =	vcmask $0x720;
	s23 =	sadd.s32 s4, s9;
	s9 =	sadd.s32 s6, s9;
	[dreg:$0x8] =	wrdreg s22  }
0x16: {  	vm3 =	vcmask $0xB20;
	vm4 =	vcmask $0xF20;
	vm5 =	vcmask $0x1320;
	s19 =	sadd.s32 $0xC0, s10;
	s13 =	simm.s32 $0x4;
	[dreg:$0x9] =	wrdreg s23  }
0x17: {  	vm6 =	vcmask $0x1720;
	vm7 =	vcmask $0x1B20;
	vm8 =	vmmov $0xff;
	[dreg:$0xa] =	wrdreg s9;
	s23 =	simm.s32 $0x4980;
	s9 =	simm.s32 $0x3  }
.LBB2_1:
0x18: {  	[dreg:$0xe] =	wrdreg s15  }
0x19: {  	s12 =	simm.s32 $0x0;
	s14 =	rddreg [dreg:$0x4];
	s26 =	simm.s32 $0x9780  }
0x1a: {  	[tilespmem:s26], [sflag:$0x6] =	stream.linear.gather [hbm4b:s14+s12], $0x20, $0x38;
	[tilespmem:$0x1F778] =	vst v63  }
0x1b: {  	_ =	swait.ge [sflag:s24], $0x20  }
0x1c: {  	[sflag:s24] =	ssyncset.done $0x0  }
0x1d: {  	s16 =	simm.s32 $0x240;
	s14 =	simm.s32 $0x0;
	[sflag:s24] =	ssyncadd.s32 $0xFFFFFFE0  }
.LBB2_2:
0x1e: {  	p1 =	sne.s32 s16, $0x33C0;
	[tilespmem:s14+$0x6200] =	vst v0  }
0x1f: {  	[tilespmem:s14+$0x6180] =	vst v0  }
0x20: {  	[tilespmem:s14+$0x6190] =	vst v0  }
0x21: {  	[tilespmem:s14+$0x61A0] =	vst v0  }
.Ltmp0:
0x22: {  	[tilespmem:s14+$0x61B0] =	vst v0;
	(pc) =	sbr.rel @p1 .LBB2_2-.Ltmp0, $4  }
0x23: {  	[tilespmem:s14+$0x61C0] =	vst v0  }
0x24: {  	[tilespmem:s14+$0x61D0] =	vst v0  }
0x25: {  	[tilespmem:s14+$0x61E0] =	vst v0  }
0x26: {  	[tilespmem:s14+$0x61F0] =	vst v0;
	s14 =	sshra.s32 s16, $0x2;
	s16 =	sadd.s32 $0x240, s16  }
0x27: {  	[tilespmem:s14+$0x6200] =	vst v0  }
0x28: {  	[tilespmem:s14+$0x6180] =	vst v0  }
0x29: {  	[tilespmem:s14+$0x6190] =	vst v0  }
0x2a: {  	[tilespmem:s14+$0x61A0] =	vst v0  }
0x2b: {  	[tilespmem:s14+$0x61B0] =	vst v0  }
0x2c: {  	[tilespmem:s14+$0x61C0] =	vst v0  }
0x2d: {  	[tilespmem:s14+$0x61D0] =	vst v0;
	p1 =	sne.s32 s21, $0x1  }
.Ltmp1:
0x2e: {  	[tilespmem:s14+$0x61E0] =	vst v0;
	(pc) =	sbr.rel @!p1 .LBB2_5-.Ltmp1, $4  }
0x2f: {  	[tilespmem:s14+$0x61F0] =	vst v0;
	s16 =	rddreg [dreg:$0xc]  }
0x30: {  	[spmem:s16] =	stream.linear.scatter [tilespmem:s25], [sflag:$0x6], $0xD80, $0x38;
	[tilespmem:$0x1F778] =	vst v63  }
0x31: {  	_ =	swait.ge [sflag:s24], $0xD80  }
0x32: {  	s14 =	sadd.s32 $0xFFFFFFFF, s21;
	[sflag:s24] =	ssyncset.done $0x0  }
.LBB2_4:
0x33: {  	p1 =	sne.s32 s14, $0x1;
	[sflag:s24] =	ssyncadd.s32 $0xFFFFF280;
	s16 =	sadd.s32 $0xD800, s16  }
.Ltmp2:
0x34: {  	s14 =	sadd.s32 $0xFFFFFFFF, s14;
	(pc) =	sbr.rel @p1 .LBB2_4-.Ltmp2, $4  }
0x35: {  	_ = 	snop  }
0x36: {  	[spmem:s16] =	stream.linear.scatter [tilespmem:s25], [sflag:$0x6], $0xD80, $0x38;
	[tilespmem:$0x1F778] =	vst v63  }
0x37: {  	_ =	swait.ge [sflag:s24], $0xD80  }
0x38: {  	[sflag:s24] =	ssyncset.done $0x0  }
.LBB2_5:
0x39: {  	[sflag:s24] =	ssyncadd.s32 $0xFFFFF280  }
0x3a: {  	[bflag:$0x0] =	sbarrier.arrive $0xFFFF  }
0x3b: {  	s16 =	simm.s32 $0x0;
	v1 =	vld [tilespmem:$0x9780];
	s12 =	rddreg [dreg:$0x5]  }
0x3c: {  	v2 =	vld [tilespmem:$0x9790];
	[tilespmem:s16], [sflag:$0x1] =	stream.linear.gather [hbm4b:s12+s16], $0x30, $0x38  }
0x3d: {  	s14 =	simm.s32 $0xC0;
	s26 =	rddreg [dreg:$0x6]  }
0x3e: {  	[tilespmem:s14], [sflag:$0x1] =	stream.linear.gather [hbm4b:s26+s16], $0x30, $0x38;
	[tilespmem:$0x1F778] =	vst v63  }
0x3f: {  	s15 =	rddreg [dreg:$0x7]  }
0x40: {  	[tilespmem:s28], [sflag:$0x1] =	stream.linear.gather [hbm4b:s15+s16], $0x30, $0x38;
	[tilespmem:$0x1F778] =	vst v63  }
0x41: {  	s17 =	rddreg [dreg:$0x8];
	s15 =	simm.s32 $0xF0  }
0x42: {  	[tilespmem:s15], [sflag:$0x1] =	stream.linear.gather [hbm4b:s17+s16], $0x30, $0x38;
	[tilespmem:$0x1F778] =	vst v63  }
0x43: {  	_ =	swait.ge [sflag:s30], $0x30  }
0x44: {  	[sflag:s30] =	ssyncset.done $0x0  }
0x45: {  	[sflag:s30] =	ssyncadd.s32 $0xFFFFFFD0  }
0x46: {  	_ =	swait.ge [sflag:s30], $0x30  }
0x47: {  	[sflag:s30] =	ssyncset.done $0x0  }
0x48: {  	[sflag:s30] =	ssyncadd.s32 $0xFFFFFFD0  }
0x49: {  	[tilespmem:s31], [sflag:$0x2] =	stream.indirect.gather [hbm4b:s1+s28], $0x80, s16, s28, $0xb8;
	[tilespmem:$0x1F778] =	vst v63  }
0x4a: {  	_ = 	snop  }
0x4b: {  	[tilespmem:s0], [sflag:$0x2] =	stream.indirect.gather [hbm4b:s8+s28], $0x80, s14, s28, $0xb8;
	[tilespmem:$0x1F778] =	vst v63  }
0x4c: {  	_ = 	snop  }
0x4d: {  	[tilespmem:s25], [sflag:$0x2] =	stream.indirect.gather [hbm4b:s7+s28], $0x90, s16, s28, $0xb8;
	[tilespmem:$0x1F778] =	vst v63  }
0x4e: {  	s20 =	simm.s32 $0x60;
	s18 =	rddreg [dreg:$0x9]  }
0x4f: {  	[tilespmem:s20], [sflag:$0x1] =	stream.linear.gather [hbm4b:s18+s16], $0x30, $0x38;
	[tilespmem:$0x1F778] =	vst v63  }
0x50: {  	s26 =	simm.s32 $0x120;
	s15 =	simm.s32 $0xC0;
	s22 =	rddreg [dreg:$0xa]  }
0x51: {  	[tilespmem:s26], [sflag:$0x1] =	stream.linear.gather [hbm4b:s22+s16], $0x30, $0x38;
	[tilespmem:$0x1F778] =	vst v63  }
.LBB2_6:
0x52: {  	_ =	swait.ge [sflag:s29], $0x1800  }
0x53: {  	[sflag:s29] =	ssyncset.done $0x0  }
0x54: {  	[sflag:s29] =	ssyncadd.s32 $0xFFFFE800  }
0x55: {  	_ =	swait.ge [sflag:s29], $0x1800  }
0x56: {  	[sflag:s29] =	ssyncset.done $0x0  }
0x57: {  	[sflag:s29] =	ssyncadd.s32 $0xFFFFE800  }
0x58: {  	_ =	swait.ge [sflag:s29], $0x1B00  }
0x59: {  	[sflag:s29] =	ssyncset.done $0x0  }
0x5a: {  	[sflag:s29] =	ssyncadd.s32 $0xFFFFE500  }
0x5b: {  	_ =	swait.ge [sflag:s30], $0x30  }
0x5c: {  	[sflag:s30] =	ssyncset.done $0x0  }
0x5d: {  	[sflag:s30] =	ssyncadd.s32 $0xFFFFFFD0  }
0x5e: {  	s14 =	sshll.u32 s16, $0x1;
	_ =	swait.ge [sflag:s30], $0x30  }
0x5f: {  	p1 =	seq.s32 s16, $0x0;
	s20 =	sand.u32 $0x2, s14;
	[sflag:s30] =	ssyncset.done $0x0  }
0x60: {  	s22 =	simm.s32 @!p1 $0x5;
	s17 =	smul.u32 $0xC0, s20;
	[sflag:s30] =	ssyncadd.s32 $0xFFFFFFD0  }
0x61: {  	_ =	swait.ge @!p1 [sflag:s22], $0x1B00  }
0x62: {  	s18 =	sshrl.u32 s17, $0x2;
	[sflag:s22] =	ssyncset.done @!p1 $0x0  }
0x63: {  	s26 =	sadd.s32 $0x30, s18;
	[sflag:s22] =	ssyncadd.s32 @!p1 $0xFFFFE500;
	p1 =	seq.s32 s16, $0x67  }
0x64: {  	[tilespmem:s3], [sflag:$0x3] =	stream.indirect.gather [hbm4b:s1+s28], $0x80, s26, s28, $0xb8;
	[tilespmem:$0x1F778] =	vst v63  }
0x65: {  	s14 =	sadd.s32 @!p1 $0x3, s14  }
0x66: {  	s17 =	sadd.s32 $0xF0, s18;
	s22 =	smul.u32 @!p1 $0x30, s14;
	s14 =	sand.u32 @!p1 $0x3, s14  }
0x67: {  	[tilespmem:s23], [sflag:$0x3] =	stream.indirect.gather [hbm4b:s8+s28], $0x80, s17, s28, $0xb8;
	[tilespmem:$0x1F778] =	vst v63  }
0x68: {  	s14 =	smul.u32 @!p1 $0xC0, s14;
	s22 =	sadd.s32 @!p1 s10, s22  }
0x69: {  	[tilespmem:s5], [sflag:$0x3] =	stream.indirect.gather [hbm4b:s7+s28], $0x90, s26, s28, $0xb8;
	[tilespmem:$0x1F778] =	vst v63  }
0x6a: {  	s22 =	sshrl.u32 @!p1 s22, $0x3  }
0x6b: {  	s12 =	simm.s32 @!p1 $0x0;
	s14 =	sshrl.u32 @!p1 s14, $0x2;
	s26 =	sadd.s32 @!p1 s4, s22  }
0x6c: {  	[tilespmem:s14], [sflag:$0x1] =	stream.linear.gather @!p1 [hbm4b:s26+s12], $0x30, $0x38;
	[tilespmem:$0x1F778] =	vst v63  }
0x6d: {  	s22 =	sadd.s32 @!p1 s6, s22;
	s14 =	sadd.s32 @!p1 $0xC0, s14  }
0x6e: {  	[tilespmem:s14], [sflag:$0x1] =	stream.linear.gather @!p1 [hbm4b:s22+s12], $0x30, $0x38;
	[tilespmem:$0x1F778] =	vst v63  }
0x6f: {  	s26 =	simm.s32 $0x6210;
	s14 =	simm.s32 $0x0  }
.LBB2_7:
0x70: {  	s22 =	sshra.s32 s14, $0x2  }
0x71: {  	v3 =	vld [tilespmem:s22+$0x180]  }
0x72: {  	v4 =	vld [tilespmem:s22+$0x3180]  }
0x73: {  	v5 =	vld [tilespmem:s22+$0x190]  }
0x74: {  	v6 =	vld [tilespmem:s22+$0x3190]  }
0x75: {  	v7 =	vld [tilespmem:s22+$0x1A0]  }
0x76: {  	v8 =	vld [tilespmem:s22+$0x31A0]  }
0x77: {  	v9 =	vld [tilespmem:s22+$0x1B0]  }
0x78: {  	v10 =	vld [tilespmem:s22+$0x31B0]  }
0x79: {  	v11 =	vld [tilespmem:s22+$0x1C0]  }
0x7a: {  	v12 =	vld [tilespmem:s22+$0x31C0]  }
0x7b: {  	v13 =	vld [tilespmem:s22+$0x1D0]  }
0x7c: {  	v14 =	vld [tilespmem:s22+$0x31D0]  }
0x7d: {  	v15 =	vld [tilespmem:s22+$0x1E0]  }
0x7e: {  	v46 =	vld [tilespmem:s22+$0x31E0];
	v3 =	vsub.f32 v3, v4  }
0x7f: {  	v47 =	vld [tilespmem:s22+$0x1F0];
	v5 =	vsub.f32 v5, v6  }
0x80: {  	v48 =	vld [tilespmem:s22+$0x31F0];
	v7 =	vsub.f32 v7, v8;
	v3 =	vmax.f32 v3, $0.0e+00  }
0x81: {  	v9 =	vsub.f32 v9, v10;
	v5 =	vmax.f32 v5, $0.0e+00;
	v3 =	vmul.f32 v3, v1  }
0x82: {  	v49 =	vsub.f32 v11, v12;
	v7 =	vmax.f32 v7, $0.0e+00;
	v5 =	vmul.f32 v5, v1  }
0x83: {  	v50 =	vsub.f32 v13, v14;
	v9 =	vmax.f32 v9, $0.0e+00;
	v7 =	vmul.f32 v7, v1;
	(xrf2) =	vadd.scan.msk.f32 $0xffff, v3  }
0x84: {  	v4 =	vsub.f32 v15, v46;
	v51 =	vmax.f32 v49, $0.0e+00;
	v3 =	vmul.f32 v9, v1;
	(xrf2) =	vadd.scan.msk.f32 $0xffff, v5  }
0x85: {  	v6 =	vsub.f32 v47, v48;
	v53 =	vmax.f32 v50, $0.0e+00;
	v52 =	vmul.f32 v51, v1;
	(xrf2) =	vadd.scan.msk.f32 $0xffff, v7  }
0x86: {  	v4 =	vmax.f32 v4, $0.0e+00;
	v54 =	vmul.f32 v53, v1;
	(xrf2) =	vadd.scan.msk.f32 $0xffff, v3  }
0x87: {  	v55 =	vmax.f32 v6, $0.0e+00;
	v3 =	vmul.f32 v4, v1;
	(xrf2) =	vadd.scan.msk.f32 $0xffff, v52  }
0x88: {  	v4 =	vmul.f32 v55, v1;
	(xrf2) =	vadd.scan.msk.f32 $0xffff, v54  }
0x89: {  	(xrf2) =	vadd.scan.msk.f32 $0xffff, v3  }
0x8a: {  	(xrf2) =	vadd.scan.msk.f32 $0xffff, v4;
	_ =	sdelay $0x2  }
0x8b: {  	v3, _, _ =	vpop (xrf2)  }
0x8c: {  	v56, _, _ =	vpop (xrf2);
	v3 =	vbroadcast v3, $0xF  }
0x8d: {  	v57, _, _ =	vpop (xrf2);
	v4 =	vbroadcast v56, $0xF  }
0x8e: {  	v58, _, _ =	vpop (xrf2);
	v3 =	vnsel vm0, $0x0, v3;
	v5 =	vbroadcast v57, $0xF  }
0x8f: {  	v59, _, _ =	vpop (xrf2);
	v3 =	vsel vm1, v3, v4;
	v60 =	vbroadcast v58, $0xF  }
0x90: {  	v61, _, _ =	vpop (xrf2);
	v3 =	vsel vm2, v3, v5;
	v62 =	vbroadcast v59, $0xF  }
0x91: {  	v63, _, _ =	vpop (xrf2);
	v3 =	vsel vm3, v3, v60;
	v9 =	vbroadcast v61, $0xF  }
0x92: {  	v10, _, _ =	vpop (xrf2);
	v3 =	vsel vm4, v3, v62;
	v11 =	vbroadcast v63, $0xF  }
0x93: {  	v3 =	vsel vm5, v3, v9;
	v12 =	vbroadcast v10, $0xF  }
0x94: {  	v3 =	vsel vm6, v3, v11  }
0x95: {  	v3 =	vsel vm7, v3, v12  }
0x96: {  	v3 =	vadd.f32 v3, v2;
	_ =	sdelay $0x1  }
0x97: {  	v3 =	vmax.f32 v3, $-5.000000000e+00  }
0x98: {  	v3 =	vmin.f32 v3, $5.000000000e+00  }
0x99: {  	v3 =	vmul.f32 $1.442695020e+00, v3;
	_ =	sdelay $0x1  }
0x9a: {  	(erf) = vpow2.f32 v3;
	_ =	sdelay $0x6  }
0x9b: {  	v3 =	vld [tilespmem:s26+$0xFFFFFF70];
	_ =	sdelay $0x1  }
0x9c: {  	v13 =	vpop (erf)  }
0x9d: {  	v14 =	vbroadcast v13, $0x0;
	_ =	sdelay $0x1  }
0x9e: {  	v3 =	vmul.f32 v14, v3;
	_ =	sdelay $0x1  }
0x9f: {  	[tilespmem:s26+$0xFFFFFF70] =	vst v3;
	v3 =	vld [tilespmem:s26+$0xFFFFFF80];
	_ =	sdelay $0x2  }
0xa0: {  	v15 =	vbroadcast v13, $0x1;
	_ =	sdelay $0x1  }
0xa1: {  	v3 =	vmul.f32 v15, v3;
	_ =	sdelay $0x1  }
0xa2: {  	[tilespmem:s26+$0xFFFFFF80] =	vst v3;
	v3 =	vld [tilespmem:s26+$0xFFFFFF90];
	_ =	sdelay $0x2  }
0xa3: {  	v16 =	vbroadcast v13, $0x2;
	_ =	sdelay $0x1  }
0xa4: {  	v3 =	vmul.f32 v16, v3;
	_ =	sdelay $0x1  }
0xa5: {  	[tilespmem:s26+$0xFFFFFF90] =	vst v3;
	v3 =	vld [tilespmem:s26+$0xFFFFFFA0];
	_ =	sdelay $0x2  }
0xa6: {  	v17 =	vbroadcast v13, $0x3;
	_ =	sdelay $0x1  }
0xa7: {  	v3 =	vmul.f32 v17, v3;
	_ =	sdelay $0x1  }
0xa8: {  	[tilespmem:s26+$0xFFFFFFA0] =	vst v3;
	v3 =	vld [tilespmem:s26+$0xFFFFFFB0];
	_ =	sdelay $0x2  }
0xa9: {  	v18 =	vbroadcast v13, $0x4;
	_ =	sdelay $0x1  }
0xaa: {  	v3 =	vmul.f32 v18, v3;
	_ =	sdelay $0x1  }
0xab: {  	[tilespmem:s26+$0xFFFFFFB0] =	vst v3;
	v3 =	vld [tilespmem:s26+$0xFFFFFFC0];
	_ =	sdelay $0x2  }
0xac: {  	v20 =	vbroadcast v13, $0x5;
	_ =	sdelay $0x1  }
0xad: {  	v3 =	vmul.f32 v20, v3;
	_ =	sdelay $0x1  }
0xae: {  	[tilespmem:s26+$0xFFFFFFC0] =	vst v3;
	v3 =	vld [tilespmem:s26+$0xFFFFFFD0];
	_ =	sdelay $0x2  }
0xaf: {  	v21 =	vbroadcast v13, $0x6;
	_ =	sdelay $0x1  }
0xb0: {  	v3 =	vmul.f32 v3, v21;
	_ =	sdelay $0x1  }
0xb1: {  	[tilespmem:s26+$0xFFFFFFD0] =	vst v3;
	v3 =	vld [tilespmem:s26+$0xFFFFFFE0];
	_ =	sdelay $0x2  }
0xb2: {  	v4 =	vbroadcast v13, $0x7;
	_ =	sdelay $0x1  }
0xb3: {  	v19 =	vnsel vm8, $0x0, v13;
	v3 =	vmul.f32 v3, v4  }
0xb4: {  	[tilespmem:s26+$0xFFFFFFF0] =	vst v19  }
0xb5: {  	[tilespmem:s26+$0xFFFFFFE0] =	vst v3  }
0xb6: {  	v3 =	vld [tilespmem:s22+$0x200]  }
0xb7: {  	v22 =	vld [tilespmem:s22+$0x3200]  }
0xb8: {  	v23 =	vld [tilespmem:s22+$0x210]  }
0xb9: {  	v6 =	vld [tilespmem:s22+$0x3210]  }
0xba: {  	v24 =	vld [tilespmem:s22+$0x220]  }
0xbb: {  	v25 =	vld [tilespmem:s22+$0x3220]  }
0xbc: {  	v26 =	vld [tilespmem:s22+$0x230]  }
0xbd: {  	v27 =	vld [tilespmem:s22+$0x3230]  }
0xbe: {  	v28 =	vld [tilespmem:s22+$0x240]  }
0xbf: {  	v29 =	vld [tilespmem:s22+$0x3240]  }
0xc0: {  	v30 =	vld [tilespmem:s22+$0x250]  }
0xc1: {  	v31 =	vld [tilespmem:s22+$0x3250]  }
0xc2: {  	v32 =	vld [tilespmem:s22+$0x260]  }
0xc3: {  	v33 =	vld [tilespmem:s22+$0x3260];
	v3 =	vsub.f32 v3, v22  }
0xc4: {  	v34 =	vld [tilespmem:s22+$0x270];
	v5 =	vsub.f32 v23, v6  }
0xc5: {  	v35 =	vld [tilespmem:s22+$0x3270];
	v7 =	vsub.f32 v24, v25;
	v3 =	vmax.f32 v3, $0.0e+00  }
0xc6: {  	v9 =	vsub.f32 v26, v27;
	v5 =	vmax.f32 v5, $0.0e+00;
	v3 =	vmul.f32 v3, v1  }
0xc7: {  	v36 =	vsub.f32 v28, v29;
	v7 =	vmax.f32 v7, $0.0e+00;
	v5 =	vmul.f32 v5, v1  }
0xc8: {  	v37 =	vsub.f32 v30, v31;
	v38 =	vmax.f32 v9, $0.0e+00;
	(xrf2) =	vadd.scan.msk.f32 $0xffff, v3;
	v3 =	vmul.f32 v7, v1  }
0xc9: {  	v4 =	vsub.f32 v32, v33;
	v39 =	vmax.f32 v36, $0.0e+00;
	v7 =	vmul.f32 v38, v1;
	(xrf2) =	vadd.scan.msk.f32 $0xffff, v5  }
0xca: {  	v6 =	vsub.f32 v34, v35;
	v41 =	vmax.f32 v37, $0.0e+00;
	v40 =	vmul.f32 v39, v1;
	(xrf2) =	vadd.scan.msk.f32 $0xffff, v3  }
0xcb: {  	v4 =	vmax.f32 v4, $0.0e+00;
	v3 =	vmul.f32 v41, v1;
	(xrf2) =	vadd.scan.msk.f32 $0xffff, v7  }
0xcc: {  	v6 =	vmax.f32 v6, $0.0e+00;
	v4 =	vmul.f32 v4, v1;
	(xrf2) =	vadd.scan.msk.f32 $0xffff, v40  }
0xcd: {  	v42 =	vmul.f32 v6, v1;
	(xrf2) =	vadd.scan.msk.f32 $0xffff, v3  }
0xce: {  	(xrf2) =	vadd.scan.msk.f32 $0xffff, v4  }
0xcf: {  	(xrf2) =	vadd.scan.msk.f32 $0xffff, v42;
	_ =	sdelay $0x2  }
0xd0: {  	v3, _, _ =	vpop (xrf2)  }
0xd1: {  	v43, _, _ =	vpop (xrf2);
	v3 =	vbroadcast v3, $0xF  }
0xd2: {  	v44, _, _ =	vpop (xrf2);
	v4 =	vbroadcast v43, $0xF  }
0xd3: {  	v45, _, _ =	vpop (xrf2);
	v3 =	vnsel vm0, $0x0, v3;
	v5 =	vbroadcast v44, $0xF  }
0xd4: {  	v46, _, _ =	vpop (xrf2);
	v3 =	vsel vm1, v3, v4;
	v47 =	vbroadcast v45, $0xF  }
0xd5: {  	v48, _, _ =	vpop (xrf2);
	v3 =	vsel vm2, v3, v5;
	v49 =	vbroadcast v46, $0xF  }
0xd6: {  	v50, _, _ =	vpop (xrf2);
	v3 =	vsel vm3, v3, v47;
	v51 =	vbroadcast v48, $0xF  }
0xd7: {  	v52, _, _ =	vpop (xrf2);
	v3 =	vsel vm4, v3, v49;
	v53 =	vbroadcast v50, $0xF  }
0xd8: {  	v3 =	vsel vm5, v3, v51;
	v54 =	vbroadcast v52, $0xF  }
0xd9: {  	v3 =	vsel vm6, v3, v53  }
0xda: {  	v3 =	vsel vm7, v3, v54  }
0xdb: {  	v3 =	vadd.f32 v3, v2;
	_ =	sdelay $0x1  }
0xdc: {  	v3 =	vmax.f32 v3, $-5.000000000e+00  }
0xdd: {  	v3 =	vmin.f32 v3, $5.000000000e+00  }
0xde: {  	v3 =	vmul.f32 $1.442695020e+00, v3;
	_ =	sdelay $0x1  }
0xdf: {  	(erf) = vpow2.f32 v3;
	_ =	sdelay $0x6  }
0xe0: {  	v3 =	vld [tilespmem:s26+$0x0];
	_ =	sdelay $0x1  }
0xe1: {  	v55 =	vpop (erf)  }
0xe2: {  	v56 =	vbroadcast v55, $0x0;
	_ =	sdelay $0x1  }
0xe3: {  	v3 =	vmul.f32 v56, v3;
	_ =	sdelay $0x1  }
0xe4: {  	[tilespmem:s26+$0x0] =	vst v3;
	v3 =	vld [tilespmem:s26+$0x10];
	_ =	sdelay $0x2  }
0xe5: {  	v57 =	vbroadcast v55, $0x1;
	_ =	sdelay $0x1  }
0xe6: {  	v3 =	vmul.f32 v57, v3;
	_ =	sdelay $0x1  }
0xe7: {  	[tilespmem:s26+$0x10] =	vst v3;
	v3 =	vld [tilespmem:s26+$0x20];
	_ =	sdelay $0x2  }
0xe8: {  	v58 =	vbroadcast v55, $0x2;
	_ =	sdelay $0x1  }
0xe9: {  	v3 =	vmul.f32 v58, v3;
	_ =	sdelay $0x1  }
0xea: {  	[tilespmem:s26+$0x20] =	vst v3;
	v3 =	vld [tilespmem:s26+$0x30];
	_ =	sdelay $0x2  }
0xeb: {  	v59 =	vbroadcast v55, $0x3;
	_ =	sdelay $0x1  }
0xec: {  	v3 =	vmul.f32 v59, v3;
	_ =	sdelay $0x1  }
0xed: {  	[tilespmem:s26+$0x30] =	vst v3;
	v3 =	vld [tilespmem:s26+$0x40];
	_ =	sdelay $0x2  }
0xee: {  	v60 =	vbroadcast v55, $0x4;
	_ =	sdelay $0x1  }
0xef: {  	v3 =	vmul.f32 v60, v3;
	_ =	sdelay $0x1  }
0xf0: {  	[tilespmem:s26+$0x40] =	vst v3;
	v3 =	vld [tilespmem:s26+$0x50];
	_ =	sdelay $0x2  }
0xf1: {  	v62 =	vbroadcast v55, $0x5;
	_ =	sdelay $0x1  }
0xf2: {  	v3 =	vmul.f32 v62, v3;
	_ =	sdelay $0x1  }
0xf3: {  	[tilespmem:s26+$0x50] =	vst v3;
	v3 =	vld [tilespmem:s26+$0x60];
	_ =	sdelay $0x2  }
0xf4: {  	v63 =	vbroadcast v55, $0x6;
	_ =	sdelay $0x1  }
0xf5: {  	v3 =	vmul.f32 v3, v63;
	_ =	sdelay $0x1  }
0xf6: {  	[tilespmem:s26+$0x60] =	vst v3;
	v3 =	vld [tilespmem:s26+$0x70];
	_ =	sdelay $0x1  }
0xf7: {  	p2 =	sne.s32 s14, $0x5C00  }
.Ltmp3:
0xf8: {  	v4 =	vbroadcast v55, $0x7;
	(pc) =	sbr.rel @p2 .LBB2_7-.Ltmp3, $4  }
0xf9: {  	_ = 	snop  }
0xfa: {  	v61 =	vnsel vm8, $0x0, v55;
	v3 =	vmul.f32 v3, v4  }
0xfb: {  	[tilespmem:s26+$0x80] =	vst v61  }
0xfc: {  	s14 =	sadd.s32 $0x400, s14;
	[tilespmem:s26+$0x70] =	vst v3;
	s26 =	sadd.s32 $0x120, s26  }
0xfd: {  	s12 =	sadd.s32 $0xC0, s18  }
0xfe: {  	[spmem:s2] =	stream.indirect.scatter.add.f32 [tilespmem:s25], [sflag:$0x4], $0x90, s12, s28, $0xb8;
	[tilespmem:$0x1F778] =	vst v63  }
0xff: {  	_ =	swait.ge [sflag:s9], $0x1800  }
0x100: {  	[sflag:s9] =	ssyncset.done $0x0  }
0x101: {  	[sflag:s9] =	ssyncadd.s32 $0xFFFFE800  }
0x102: {  	_ =	swait.ge [sflag:s9], $0x1800  }
0x103: {  	[sflag:s9] =	ssyncset.done $0x0  }
0x104: {  	[sflag:s9] =	ssyncadd.s32 $0xFFFFE800  }
0x105: {  	_ =	swait.ge [sflag:s9], $0x1B00  }
0x106: {  	[sflag:s9] =	ssyncset.done $0x0  }
0x107: {  	[sflag:s9] =	ssyncadd.s32 $0xFFFFE500  }
0x108: {  	_ =	swait.ge [sflag:s30], $0x30  }
0x109: {  	[sflag:s30] =	ssyncset.done $0x0  }
0x10a: {  	[sflag:s30] =	ssyncadd.s32 $0xFFFFFFD0  }
0x10b: {  	_ =	swait.ge [sflag:s30], $0x30  }
0x10c: {  	[sflag:s30] =	ssyncset.done $0x0  }
0x10d: {  	s14 =	sxor.u32 $0x2, s20;
	[sflag:s30] =	ssyncadd.s32 $0xFFFFFFD0  }
0x10e: {  	s14 =	smul.u32 $0xC0, s14;
	_ =	swait.ge [sflag:s13], $0x1B00  }
0x10f: {  	s26 =	ssub.s32 $0x6, s20;
	[sflag:s13] =	ssyncset.done $0x0  }
0x110: {  	s20 =	smul.u32 $0xC0, s26;
	s14 =	sshrl.u32 s14, $0x2;
	[sflag:s13] =	ssyncadd.s32 $0xFFFFE500  }
0x111: {  	[tilespmem:s31], [sflag:$0x2] =	stream.indirect.gather [hbm4b:s1+s28], $0x80, s14, s28, $0xb8;
	[tilespmem:$0x1F778] =	vst v63  }
0x112: {  	s20 =	sshrl.u32 s20, $0x2  }
0x113: {  	[tilespmem:s0], [sflag:$0x2] =	stream.indirect.gather [hbm4b:s8+s28], $0x80, s20, s28, $0xb8;
	[tilespmem:$0x1F778] =	vst v63  }
0x114: {  	s20 =	smul.u32 @!p1 $0x60, s16  }
0x115: {  	[tilespmem:s25], [sflag:$0x2] =	stream.indirect.gather [hbm4b:s7+s28], $0x90, s14, s28, $0xb8;
	[tilespmem:$0x1F778] =	vst v63  }
0x116: {  	s14 =	sadd.s32 @!p1 s20, s19  }
0x117: {  	s14 =	sshrl.u32 @!p1 s14, $0x3  }
0x118: {  	s22 =	simm.s32 @!p1 $0x0;
	s20 =	sadd.s32 @!p1 s4, s14  }
0x119: {  	[tilespmem:s18], [sflag:$0x1] =	stream.linear.gather @!p1 [hbm4b:s20+s22], $0x30, $0x38;
	[tilespmem:$0x1F778] =	vst v63  }
0x11a: {  	s14 =	sadd.s32 @!p1 s6, s14  }
0x11b: {  	[tilespmem:s12], [sflag:$0x1] =	stream.linear.gather @!p1 [hbm4b:s14+s22], $0x30, $0x38;
	[tilespmem:$0x1F778] =	vst v63  }
0x11c: {  	s18 =	simm.s32 $0x0;
	s14 =	simm.s32 $0x7D10  }
.LBB2_9:
0x11d: {  	s20 =	sshra.s32 s18, $0x2  }
0x11e: {  	v3 =	vld [tilespmem:s20+$0x1980]  }
0x11f: {  	v4 =	vld [tilespmem:s20+$0x4980]  }
0x120: {  	v5 =	vld [tilespmem:s20+$0x1990]  }
0x121: {  	v6 =	vld [tilespmem:s20+$0x4990]  }
0x122: {  	v7 =	vld [tilespmem:s20+$0x19A0]  }
0x123: {  	v8 =	vld [tilespmem:s20+$0x49A0]  }
0x124: {  	v9 =	vld [tilespmem:s20+$0x19B0]  }
0x125: {  	v10 =	vld [tilespmem:s20+$0x49B0]  }
0x126: {  	v11 =	vld [tilespmem:s20+$0x19C0]  }
0x127: {  	v12 =	vld [tilespmem:s20+$0x49C0]  }
0x128: {  	v13 =	vld [tilespmem:s20+$0x19D0]  }
0x129: {  	v14 =	vld [tilespmem:s20+$0x49D0]  }
0x12a: {  	v15 =	vld [tilespmem:s20+$0x19E0]  }
0x12b: {  	v46 =	vld [tilespmem:s20+$0x49E0];
	v3 =	vsub.f32 v3, v4  }
0x12c: {  	v47 =	vld [tilespmem:s20+$0x19F0];
	v5 =	vsub.f32 v5, v6  }
0x12d: {  	v48 =	vld [tilespmem:s20+$0x49F0];
	v7 =	vsub.f32 v7, v8;
	v3 =	vmax.f32 v3, $0.0e+00  }
0x12e: {  	v9 =	vsub.f32 v9, v10;
	v5 =	vmax.f32 v5, $0.0e+00;
	v3 =	vmul.f32 v3, v1  }
0x12f: {  	v49 =	vsub.f32 v11, v12;
	v7 =	vmax.f32 v7, $0.0e+00;
	v5 =	vmul.f32 v5, v1  }
0x130: {  	v50 =	vsub.f32 v13, v14;
	v9 =	vmax.f32 v9, $0.0e+00;
	v7 =	vmul.f32 v7, v1;
	(xrf2) =	vadd.scan.msk.f32 $0xffff, v3  }
0x131: {  	v4 =	vsub.f32 v15, v46;
	v51 =	vmax.f32 v49, $0.0e+00;
	v3 =	vmul.f32 v9, v1;
	(xrf2) =	vadd.scan.msk.f32 $0xffff, v5  }
0x132: {  	v6 =	vsub.f32 v47, v48;
	v53 =	vmax.f32 v50, $0.0e+00;
	v52 =	vmul.f32 v51, v1;
	(xrf2) =	vadd.scan.msk.f32 $0xffff, v7  }
0x133: {  	v4 =	vmax.f32 v4, $0.0e+00;
	v54 =	vmul.f32 v53, v1;
	(xrf2) =	vadd.scan.msk.f32 $0xffff, v3  }
0x134: {  	v55 =	vmax.f32 v6, $0.0e+00;
	v3 =	vmul.f32 v4, v1;
	(xrf2) =	vadd.scan.msk.f32 $0xffff, v52  }
0x135: {  	v4 =	vmul.f32 v55, v1;
	(xrf2) =	vadd.scan.msk.f32 $0xffff, v54  }
0x136: {  	(xrf2) =	vadd.scan.msk.f32 $0xffff, v3  }
0x137: {  	(xrf2) =	vadd.scan.msk.f32 $0xffff, v4;
	_ =	sdelay $0x2  }
0x138: {  	v3, _, _ =	vpop (xrf2)  }
0x139: {  	v56, _, _ =	vpop (xrf2);
	v3 =	vbroadcast v3, $0xF  }
0x13a: {  	v57, _, _ =	vpop (xrf2);
	v4 =	vbroadcast v56, $0xF  }
0x13b: {  	v58, _, _ =	vpop (xrf2);
	v3 =	vnsel vm0, $0x0, v3;
	v5 =	vbroadcast v57, $0xF  }
0x13c: {  	v59, _, _ =	vpop (xrf2);
	v3 =	vsel vm1, v3, v4;
	v60 =	vbroadcast v58, $0xF  }
0x13d: {  	v61, _, _ =	vpop (xrf2);
	v3 =	vsel vm2, v3, v5;
	v62 =	vbroadcast v59, $0xF  }
0x13e: {  	v63, _, _ =	vpop (xrf2);
	v3 =	vsel vm3, v3, v60;
	v9 =	vbroadcast v61, $0xF  }
0x13f: {  	v10, _, _ =	vpop (xrf2);
	v3 =	vsel vm4, v3, v62;
	v11 =	vbroadcast v63, $0xF  }
0x140: {  	v3 =	vsel vm5, v3, v9;
	v12 =	vbroadcast v10, $0xF  }
0x141: {  	v3 =	vsel vm6, v3, v11  }
0x142: {  	v3 =	vsel vm7, v3, v12  }
0x143: {  	v3 =	vadd.f32 v3, v2;
	_ =	sdelay $0x1  }
0x144: {  	v3 =	vmax.f32 v3, $-5.000000000e+00  }
0x145: {  	v3 =	vmin.f32 v3, $5.000000000e+00  }
0x146: {  	v3 =	vmul.f32 $1.442695020e+00, v3;
	_ =	sdelay $0x1  }
0x147: {  	(erf) = vpow2.f32 v3;
	_ =	sdelay $0x6  }
0x148: {  	v3 =	vld [tilespmem:s14+$0xFFFFFF70];
	_ =	sdelay $0x1  }
0x149: {  	v13 =	vpop (erf)  }
0x14a: {  	v14 =	vbroadcast v13, $0x0;
	_ =	sdelay $0x1  }
0x14b: {  	v3 =	vmul.f32 v14, v3;
	_ =	sdelay $0x1  }
0x14c: {  	[tilespmem:s14+$0xFFFFFF70] =	vst v3;
	v3 =	vld [tilespmem:s14+$0xFFFFFF80];
	_ =	sdelay $0x2  }
0x14d: {  	v15 =	vbroadcast v13, $0x1;
	_ =	sdelay $0x1  }
0x14e: {  	v3 =	vmul.f32 v15, v3;
	_ =	sdelay $0x1  }
0x14f: {  	[tilespmem:s14+$0xFFFFFF80] =	vst v3;
	v3 =	vld [tilespmem:s14+$0xFFFFFF90];
	_ =	sdelay $0x2  }
0x150: {  	v16 =	vbroadcast v13, $0x2;
	_ =	sdelay $0x1  }
0x151: {  	v3 =	vmul.f32 v16, v3;
	_ =	sdelay $0x1  }
0x152: {  	[tilespmem:s14+$0xFFFFFF90] =	vst v3;
	v3 =	vld [tilespmem:s14+$0xFFFFFFA0];
	_ =	sdelay $0x2  }
0x153: {  	v17 =	vbroadcast v13, $0x3;
	_ =	sdelay $0x1  }
0x154: {  	v3 =	vmul.f32 v17, v3;
	_ =	sdelay $0x1  }
0x155: {  	[tilespmem:s14+$0xFFFFFFA0] =	vst v3;
	v3 =	vld [tilespmem:s14+$0xFFFFFFB0];
	_ =	sdelay $0x2  }
0x156: {  	v18 =	vbroadcast v13, $0x4;
	_ =	sdelay $0x1  }
0x157: {  	v3 =	vmul.f32 v18, v3;
	_ =	sdelay $0x1  }
0x158: {  	[tilespmem:s14+$0xFFFFFFB0] =	vst v3;
	v3 =	vld [tilespmem:s14+$0xFFFFFFC0];
	_ =	sdelay $0x2  }
0x159: {  	v20 =	vbroadcast v13, $0x5;
	_ =	sdelay $0x1  }
0x15a: {  	v3 =	vmul.f32 v20, v3;
	_ =	sdelay $0x1  }
0x15b: {  	[tilespmem:s14+$0xFFFFFFC0] =	vst v3;
	v3 =	vld [tilespmem:s14+$0xFFFFFFD0];
	_ =	sdelay $0x2  }
0x15c: {  	v21 =	vbroadcast v13, $0x6;
	_ =	sdelay $0x1  }
0x15d: {  	v3 =	vmul.f32 v3, v21;
	_ =	sdelay $0x1  }
0x15e: {  	[tilespmem:s14+$0xFFFFFFD0] =	vst v3;
	v3 =	vld [tilespmem:s14+$0xFFFFFFE0];
	_ =	sdelay $0x2  }
0x15f: {  	v4 =	vbroadcast v13, $0x7;
	_ =	sdelay $0x1  }
0x160: {  	v19 =	vnsel vm8, $0x0, v13;
	v3 =	vmul.f32 v3, v4  }
0x161: {  	[tilespmem:s14+$0xFFFFFFF0] =	vst v19  }
0x162: {  	[tilespmem:s14+$0xFFFFFFE0] =	vst v3  }
0x163: {  	v3 =	vld [tilespmem:s20+$0x1A00]  }
0x164: {  	v22 =	vld [tilespmem:s20+$0x4A00]  }
0x165: {  	v23 =	vld [tilespmem:s20+$0x1A10]  }
0x166: {  	v6 =	vld [tilespmem:s20+$0x4A10]  }
0x167: {  	v24 =	vld [tilespmem:s20+$0x1A20]  }
0x168: {  	v25 =	vld [tilespmem:s20+$0x4A20]  }
0x169: {  	v26 =	vld [tilespmem:s20+$0x1A30]  }
0x16a: {  	v27 =	vld [tilespmem:s20+$0x4A30]  }
0x16b: {  	v28 =	vld [tilespmem:s20+$0x1A40]  }
0x16c: {  	v29 =	vld [tilespmem:s20+$0x4A40]  }
0x16d: {  	v30 =	vld [tilespmem:s20+$0x1A50]  }
0x16e: {  	v31 =	vld [tilespmem:s20+$0x4A50]  }
0x16f: {  	v32 =	vld [tilespmem:s20+$0x1A60]  }
0x170: {  	v33 =	vld [tilespmem:s20+$0x4A60];
	v3 =	vsub.f32 v3, v22  }
0x171: {  	v34 =	vld [tilespmem:s20+$0x1A70];
	v5 =	vsub.f32 v23, v6  }
0x172: {  	v35 =	vld [tilespmem:s20+$0x4A70];
	v7 =	vsub.f32 v24, v25;
	v3 =	vmax.f32 v3, $0.0e+00  }
0x173: {  	v9 =	vsub.f32 v26, v27;
	v5 =	vmax.f32 v5, $0.0e+00;
	v3 =	vmul.f32 v3, v1  }
0x174: {  	v36 =	vsub.f32 v28, v29;
	v7 =	vmax.f32 v7, $0.0e+00;
	v5 =	vmul.f32 v5, v1  }
0x175: {  	v37 =	vsub.f32 v30, v31;
	v38 =	vmax.f32 v9, $0.0e+00;
	(xrf2) =	vadd.scan.msk.f32 $0xffff, v3;
	v3 =	vmul.f32 v7, v1  }
0x176: {  	v4 =	vsub.f32 v32, v33;
	v39 =	vmax.f32 v36, $0.0e+00;
	v7 =	vmul.f32 v38, v1;
	(xrf2) =	vadd.scan.msk.f32 $0xffff, v5  }
0x177: {  	v6 =	vsub.f32 v34, v35;
	v41 =	vmax.f32 v37, $0.0e+00;
	v40 =	vmul.f32 v39, v1;
	(xrf2) =	vadd.scan.msk.f32 $0xffff, v3  }
0x178: {  	v4 =	vmax.f32 v4, $0.0e+00;
	v3 =	vmul.f32 v41, v1;
	(xrf2) =	vadd.scan.msk.f32 $0xffff, v7  }
0x179: {  	v6 =	vmax.f32 v6, $0.0e+00;
	v4 =	vmul.f32 v4, v1;
	(xrf2) =	vadd.scan.msk.f32 $0xffff, v40  }
0x17a: {  	v42 =	vmul.f32 v6, v1;
	(xrf2) =	vadd.scan.msk.f32 $0xffff, v3  }
0x17b: {  	(xrf2) =	vadd.scan.msk.f32 $0xffff, v4  }
0x17c: {  	(xrf2) =	vadd.scan.msk.f32 $0xffff, v42;
	_ =	sdelay $0x2  }
0x17d: {  	v3, _, _ =	vpop (xrf2)  }
0x17e: {  	v43, _, _ =	vpop (xrf2);
	v3 =	vbroadcast v3, $0xF  }
0x17f: {  	v44, _, _ =	vpop (xrf2);
	v4 =	vbroadcast v43, $0xF  }
0x180: {  	v45, _, _ =	vpop (xrf2);
	v3 =	vnsel vm0, $0x0, v3;
	v5 =	vbroadcast v44, $0xF  }
0x181: {  	v46, _, _ =	vpop (xrf2);
	v3 =	vsel vm1, v3, v4;
	v47 =	vbroadcast v45, $0xF  }
0x182: {  	v48, _, _ =	vpop (xrf2);
	v3 =	vsel vm2, v3, v5;
	v49 =	vbroadcast v46, $0xF  }
0x183: {  	v50, _, _ =	vpop (xrf2);
	v3 =	vsel vm3, v3, v47;
	v51 =	vbroadcast v48, $0xF  }
0x184: {  	v52, _, _ =	vpop (xrf2);
	v3 =	vsel vm4, v3, v49;
	v53 =	vbroadcast v50, $0xF  }
0x185: {  	v3 =	vsel vm5, v3, v51;
	v54 =	vbroadcast v52, $0xF  }
0x186: {  	v3 =	vsel vm6, v3, v53  }
0x187: {  	v3 =	vsel vm7, v3, v54  }
0x188: {  	v3 =	vadd.f32 v3, v2;
	_ =	sdelay $0x1  }
0x189: {  	v3 =	vmax.f32 v3, $-5.000000000e+00  }
0x18a: {  	v3 =	vmin.f32 v3, $5.000000000e+00  }
0x18b: {  	v3 =	vmul.f32 $1.442695020e+00, v3;
	_ =	sdelay $0x1  }
0x18c: {  	(erf) = vpow2.f32 v3;
	_ =	sdelay $0x6  }
0x18d: {  	v3 =	vld [tilespmem:s14+$0x0];
	_ =	sdelay $0x1  }
0x18e: {  	v55 =	vpop (erf)  }
0x18f: {  	v56 =	vbroadcast v55, $0x0;
	_ =	sdelay $0x1  }
0x190: {  	v3 =	vmul.f32 v56, v3;
	_ =	sdelay $0x1  }
0x191: {  	[tilespmem:s14+$0x0] =	vst v3;
	v3 =	vld [tilespmem:s14+$0x10];
	_ =	sdelay $0x2  }
0x192: {  	v57 =	vbroadcast v55, $0x1;
	_ =	sdelay $0x1  }
0x193: {  	v3 =	vmul.f32 v57, v3;
	_ =	sdelay $0x1  }
0x194: {  	[tilespmem:s14+$0x10] =	vst v3;
	v3 =	vld [tilespmem:s14+$0x20];
	_ =	sdelay $0x2  }
0x195: {  	v58 =	vbroadcast v55, $0x2;
	_ =	sdelay $0x1  }
0x196: {  	v3 =	vmul.f32 v58, v3;
	_ =	sdelay $0x1  }
0x197: {  	[tilespmem:s14+$0x20] =	vst v3;
	v3 =	vld [tilespmem:s14+$0x30];
	_ =	sdelay $0x2  }
0x198: {  	v59 =	vbroadcast v55, $0x3;
	_ =	sdelay $0x1  }
0x199: {  	v3 =	vmul.f32 v59, v3;
	_ =	sdelay $0x1  }
0x19a: {  	[tilespmem:s14+$0x30] =	vst v3;
	v3 =	vld [tilespmem:s14+$0x40];
	_ =	sdelay $0x2  }
0x19b: {  	v60 =	vbroadcast v55, $0x4;
	_ =	sdelay $0x1  }
0x19c: {  	v3 =	vmul.f32 v60, v3;
	_ =	sdelay $0x1  }
0x19d: {  	[tilespmem:s14+$0x40] =	vst v3;
	v3 =	vld [tilespmem:s14+$0x50];
	_ =	sdelay $0x2  }
0x19e: {  	v62 =	vbroadcast v55, $0x5;
	_ =	sdelay $0x1  }
0x19f: {  	v3 =	vmul.f32 v62, v3;
	_ =	sdelay $0x1  }
0x1a0: {  	[tilespmem:s14+$0x50] =	vst v3;
	v3 =	vld [tilespmem:s14+$0x60];
	_ =	sdelay $0x2  }
0x1a1: {  	v63 =	vbroadcast v55, $0x6;
	_ =	sdelay $0x1  }
0x1a2: {  	v3 =	vmul.f32 v3, v63;
	_ =	sdelay $0x1  }
0x1a3: {  	[tilespmem:s14+$0x60] =	vst v3;
	v3 =	vld [tilespmem:s14+$0x70];
	_ =	sdelay $0x1  }
0x1a4: {  	p1 =	sne.s32 s18, $0x5C00  }
.Ltmp4:
0x1a5: {  	v4 =	vbroadcast v55, $0x7;
	(pc) =	sbr.rel @p1 .LBB2_9-.Ltmp4, $4  }
0x1a6: {  	_ = 	snop  }
0x1a7: {  	v61 =	vnsel vm8, $0x0, v55;
	v3 =	vmul.f32 v3, v4  }
0x1a8: {  	[tilespmem:s14+$0x80] =	vst v61  }
0x1a9: {  	s18 =	sadd.s32 $0x400, s18;
	[tilespmem:s14+$0x70] =	vst v3;
	s14 =	sadd.s32 $0x120, s14  }
0x1aa: {  	s16 =	sadd.s32 $0x1, s16  }
0x1ab: {  	p1 =	sne.s32 s16, $0x68  }
.Ltmp5:
0x1ac: {  	_ = 	snop;
	(pc) =	sbr.rel @p1 .LBB2_6-.Ltmp5, $2  }
0x1ad: {  	_ =	sdelay $0x2  }
0x1ae: {  	[spmem:s2] =	stream.indirect.scatter.add.f32 [tilespmem:s5], [sflag:$0x5], $0x90, s17, s28, $0xb8;
	[tilespmem:$0x1F778] =	vst v63  }
0x1af: {  	_ =	swait.ge [sflag:s29], $0x1800  }
0x1b0: {  	[sflag:s29] =	ssyncset.done $0x0  }
0x1b1: {  	[sflag:s29] =	ssyncadd.s32 $0xFFFFE800  }
0x1b2: {  	_ =	swait.ge [sflag:s29], $0x1800  }
0x1b3: {  	[sflag:s29] =	ssyncset.done $0x0  }
0x1b4: {  	[sflag:s29] =	ssyncadd.s32 $0xFFFFE800  }
0x1b5: {  	_ =	swait.ge [sflag:s29], $0x1B00  }
0x1b6: {  	[sflag:s29] =	ssyncset.done $0x0  }
0x1b7: {  	s12 =	simm.s32 $0x5;
	[sflag:s29] =	ssyncadd.s32 $0xFFFFE500  }
0x1b8: {  	_ =	swait.ge [sflag:s12], $0x1B00  }
0x1b9: {  	[sflag:s12] =	ssyncset.done $0x0  }
0x1ba: {  	s16 =	simm.s32 $0x0;
	s14 =	simm.s32 $0x6210;
	[sflag:s12] =	ssyncadd.s32 $0xFFFFE500  }
.LBB2_12:
0x1bb: {  	s17 =	sshra.s32 s16, $0x2  }
0x1bc: {  	v3 =	vld [tilespmem:s17+$0x180]  }
0x1bd: {  	v4 =	vld [tilespmem:s17+$0x3180]  }
0x1be: {  	v5 =	vld [tilespmem:s17+$0x190]  }
0x1bf: {  	v6 =	vld [tilespmem:s17+$0x3190]  }
0x1c0: {  	v7 =	vld [tilespmem:s17+$0x1A0]  }
0x1c1: {  	v8 =	vld [tilespmem:s17+$0x31A0]  }
0x1c2: {  	v9 =	vld [tilespmem:s17+$0x1B0]  }
0x1c3: {  	v10 =	vld [tilespmem:s17+$0x31B0]  }
0x1c4: {  	v11 =	vld [tilespmem:s17+$0x1C0]  }
0x1c5: {  	v12 =	vld [tilespmem:s17+$0x31C0]  }
0x1c6: {  	v13 =	vld [tilespmem:s17+$0x1D0]  }
0x1c7: {  	v14 =	vld [tilespmem:s17+$0x31D0]  }
0x1c8: {  	v15 =	vld [tilespmem:s17+$0x1E0]  }
0x1c9: {  	v46 =	vld [tilespmem:s17+$0x31E0];
	v3 =	vsub.f32 v3, v4  }
0x1ca: {  	v47 =	vld [tilespmem:s17+$0x1F0];
	v5 =	vsub.f32 v5, v6  }
0x1cb: {  	v48 =	vld [tilespmem:s17+$0x31F0];
	v7 =	vsub.f32 v7, v8;
	v3 =	vmax.f32 v3, $0.0e+00  }
0x1cc: {  	v9 =	vsub.f32 v9, v10;
	v5 =	vmax.f32 v5, $0.0e+00;
	v3 =	vmul.f32 v3, v1  }
0x1cd: {  	v49 =	vsub.f32 v11, v12;
	v7 =	vmax.f32 v7, $0.0e+00;
	v5 =	vmul.f32 v5, v1  }
0x1ce: {  	v50 =	vsub.f32 v13, v14;
	v9 =	vmax.f32 v9, $0.0e+00;
	v7 =	vmul.f32 v7, v1;
	(xrf2) =	vadd.scan.msk.f32 $0xffff, v3  }
0x1cf: {  	v4 =	vsub.f32 v15, v46;
	v51 =	vmax.f32 v49, $0.0e+00;
	v3 =	vmul.f32 v9, v1;
	(xrf2) =	vadd.scan.msk.f32 $0xffff, v5  }
0x1d0: {  	v6 =	vsub.f32 v47, v48;
	v53 =	vmax.f32 v50, $0.0e+00;
	v52 =	vmul.f32 v51, v1;
	(xrf2) =	vadd.scan.msk.f32 $0xffff, v7  }
0x1d1: {  	v4 =	vmax.f32 v4, $0.0e+00;
	v54 =	vmul.f32 v53, v1;
	(xrf2) =	vadd.scan.msk.f32 $0xffff, v3  }
0x1d2: {  	v55 =	vmax.f32 v6, $0.0e+00;
	v3 =	vmul.f32 v4, v1;
	(xrf2) =	vadd.scan.msk.f32 $0xffff, v52  }
0x1d3: {  	v4 =	vmul.f32 v55, v1;
	(xrf2) =	vadd.scan.msk.f32 $0xffff, v54  }
0x1d4: {  	(xrf2) =	vadd.scan.msk.f32 $0xffff, v3  }
0x1d5: {  	(xrf2) =	vadd.scan.msk.f32 $0xffff, v4;
	_ =	sdelay $0x2  }
0x1d6: {  	v3, _, _ =	vpop (xrf2)  }
0x1d7: {  	v56, _, _ =	vpop (xrf2);
	v3 =	vbroadcast v3, $0xF  }
0x1d8: {  	v57, _, _ =	vpop (xrf2);
	v4 =	vbroadcast v56, $0xF  }
0x1d9: {  	v58, _, _ =	vpop (xrf2);
	v3 =	vnsel vm0, $0x0, v3;
	v5 =	vbroadcast v57, $0xF  }
0x1da: {  	v59, _, _ =	vpop (xrf2);
	v3 =	vsel vm1, v3, v4;
	v60 =	vbroadcast v58, $0xF  }
0x1db: {  	v61, _, _ =	vpop (xrf2);
	v3 =	vsel vm2, v3, v5;
	v62 =	vbroadcast v59, $0xF  }
0x1dc: {  	v63, _, _ =	vpop (xrf2);
	v3 =	vsel vm3, v3, v60;
	v9 =	vbroadcast v61, $0xF  }
0x1dd: {  	v10, _, _ =	vpop (xrf2);
	v3 =	vsel vm4, v3, v62;
	v11 =	vbroadcast v63, $0xF  }
0x1de: {  	v3 =	vsel vm5, v3, v9;
	v12 =	vbroadcast v10, $0xF  }
0x1df: {  	v3 =	vsel vm6, v3, v11  }
0x1e0: {  	v3 =	vsel vm7, v3, v12  }
0x1e1: {  	v3 =	vadd.f32 v3, v2;
	_ =	sdelay $0x1  }
0x1e2: {  	v3 =	vmax.f32 v3, $-5.000000000e+00  }
0x1e3: {  	v3 =	vmin.f32 v3, $5.000000000e+00  }
0x1e4: {  	v3 =	vmul.f32 $1.442695020e+00, v3;
	_ =	sdelay $0x1  }
0x1e5: {  	(erf) = vpow2.f32 v3;
	_ =	sdelay $0x6  }
0x1e6: {  	v3 =	vld [tilespmem:s14+$0xFFFFFF70];
	_ =	sdelay $0x1  }
0x1e7: {  	v13 =	vpop (erf)  }
0x1e8: {  	v14 =	vbroadcast v13, $0x0;
	_ =	sdelay $0x1  }
0x1e9: {  	v3 =	vmul.f32 v14, v3;
	_ =	sdelay $0x1  }
0x1ea: {  	[tilespmem:s14+$0xFFFFFF70] =	vst v3;
	v3 =	vld [tilespmem:s14+$0xFFFFFF80];
	_ =	sdelay $0x2  }
0x1eb: {  	v15 =	vbroadcast v13, $0x1;
	_ =	sdelay $0x1  }
0x1ec: {  	v3 =	vmul.f32 v15, v3;
	_ =	sdelay $0x1  }
0x1ed: {  	[tilespmem:s14+$0xFFFFFF80] =	vst v3;
	v3 =	vld [tilespmem:s14+$0xFFFFFF90];
	_ =	sdelay $0x2  }
0x1ee: {  	v16 =	vbroadcast v13, $0x2;
	_ =	sdelay $0x1  }
0x1ef: {  	v3 =	vmul.f32 v16, v3;
	_ =	sdelay $0x1  }
0x1f0: {  	[tilespmem:s14+$0xFFFFFF90] =	vst v3;
	v3 =	vld [tilespmem:s14+$0xFFFFFFA0];
	_ =	sdelay $0x2  }
0x1f1: {  	v17 =	vbroadcast v13, $0x3;
	_ =	sdelay $0x1  }
0x1f2: {  	v3 =	vmul.f32 v17, v3;
	_ =	sdelay $0x1  }
0x1f3: {  	[tilespmem:s14+$0xFFFFFFA0] =	vst v3;
	v3 =	vld [tilespmem:s14+$0xFFFFFFB0];
	_ =	sdelay $0x2  }
0x1f4: {  	v18 =	vbroadcast v13, $0x4;
	_ =	sdelay $0x1  }
0x1f5: {  	v3 =	vmul.f32 v18, v3;
	_ =	sdelay $0x1  }
0x1f6: {  	[tilespmem:s14+$0xFFFFFFB0] =	vst v3;
	v3 =	vld [tilespmem:s14+$0xFFFFFFC0];
	_ =	sdelay $0x2  }
0x1f7: {  	v20 =	vbroadcast v13, $0x5;
	_ =	sdelay $0x1  }
0x1f8: {  	v3 =	vmul.f32 v20, v3;
	_ =	sdelay $0x1  }
0x1f9: {  	[tilespmem:s14+$0xFFFFFFC0] =	vst v3;
	v3 =	vld [tilespmem:s14+$0xFFFFFFD0];
	_ =	sdelay $0x2  }
0x1fa: {  	v21 =	vbroadcast v13, $0x6;
	_ =	sdelay $0x1  }
0x1fb: {  	v3 =	vmul.f32 v3, v21;
	_ =	sdelay $0x1  }
0x1fc: {  	[tilespmem:s14+$0xFFFFFFD0] =	vst v3;
	v3 =	vld [tilespmem:s14+$0xFFFFFFE0];
	_ =	sdelay $0x2  }
0x1fd: {  	v4 =	vbroadcast v13, $0x7;
	_ =	sdelay $0x1  }
0x1fe: {  	v19 =	vnsel vm8, $0x0, v13;
	v3 =	vmul.f32 v3, v4  }
0x1ff: {  	[tilespmem:s14+$0xFFFFFFF0] =	vst v19  }
0x200: {  	[tilespmem:s14+$0xFFFFFFE0] =	vst v3  }
0x201: {  	v3 =	vld [tilespmem:s17+$0x200]  }
0x202: {  	v22 =	vld [tilespmem:s17+$0x3200]  }
0x203: {  	v23 =	vld [tilespmem:s17+$0x210]  }
0x204: {  	v6 =	vld [tilespmem:s17+$0x3210]  }
0x205: {  	v24 =	vld [tilespmem:s17+$0x220]  }
0x206: {  	v25 =	vld [tilespmem:s17+$0x3220]  }
0x207: {  	v26 =	vld [tilespmem:s17+$0x230]  }
0x208: {  	v27 =	vld [tilespmem:s17+$0x3230]  }
0x209: {  	v28 =	vld [tilespmem:s17+$0x240]  }
0x20a: {  	v29 =	vld [tilespmem:s17+$0x3240]  }
0x20b: {  	v30 =	vld [tilespmem:s17+$0x250]  }
0x20c: {  	v31 =	vld [tilespmem:s17+$0x3250]  }
0x20d: {  	v32 =	vld [tilespmem:s17+$0x260]  }
0x20e: {  	v33 =	vld [tilespmem:s17+$0x3260];
	v3 =	vsub.f32 v3, v22  }
0x20f: {  	v34 =	vld [tilespmem:s17+$0x270];
	v5 =	vsub.f32 v23, v6  }
0x210: {  	v35 =	vld [tilespmem:s17+$0x3270];
	v7 =	vsub.f32 v24, v25;
	v3 =	vmax.f32 v3, $0.0e+00  }
0x211: {  	v9 =	vsub.f32 v26, v27;
	v5 =	vmax.f32 v5, $0.0e+00;
	v3 =	vmul.f32 v3, v1  }
0x212: {  	v36 =	vsub.f32 v28, v29;
	v7 =	vmax.f32 v7, $0.0e+00;
	v5 =	vmul.f32 v5, v1  }
0x213: {  	v37 =	vsub.f32 v30, v31;
	v38 =	vmax.f32 v9, $0.0e+00;
	(xrf2) =	vadd.scan.msk.f32 $0xffff, v3;
	v3 =	vmul.f32 v7, v1  }
0x214: {  	v4 =	vsub.f32 v32, v33;
	v39 =	vmax.f32 v36, $0.0e+00;
	v7 =	vmul.f32 v38, v1;
	(xrf2) =	vadd.scan.msk.f32 $0xffff, v5  }
0x215: {  	v6 =	vsub.f32 v34, v35;
	v41 =	vmax.f32 v37, $0.0e+00;
	v40 =	vmul.f32 v39, v1;
	(xrf2) =	vadd.scan.msk.f32 $0xffff, v3  }
0x216: {  	v4 =	vmax.f32 v4, $0.0e+00;
	v3 =	vmul.f32 v41, v1;
	(xrf2) =	vadd.scan.msk.f32 $0xffff, v7  }
0x217: {  	v6 =	vmax.f32 v6, $0.0e+00;
	v4 =	vmul.f32 v4, v1;
	(xrf2) =	vadd.scan.msk.f32 $0xffff, v40  }
0x218: {  	v42 =	vmul.f32 v6, v1;
	(xrf2) =	vadd.scan.msk.f32 $0xffff, v3  }
0x219: {  	(xrf2) =	vadd.scan.msk.f32 $0xffff, v4  }
0x21a: {  	(xrf2) =	vadd.scan.msk.f32 $0xffff, v42;
	_ =	sdelay $0x2  }
0x21b: {  	v3, _, _ =	vpop (xrf2)  }
0x21c: {  	v43, _, _ =	vpop (xrf2);
	v3 =	vbroadcast v3, $0xF  }
0x21d: {  	v44, _, _ =	vpop (xrf2);
	v4 =	vbroadcast v43, $0xF  }
0x21e: {  	v45, _, _ =	vpop (xrf2);
	v3 =	vnsel vm0, $0x0, v3;
	v5 =	vbroadcast v44, $0xF  }
0x21f: {  	v46, _, _ =	vpop (xrf2);
	v3 =	vsel vm1, v3, v4;
	v47 =	vbroadcast v45, $0xF  }
0x220: {  	v48, _, _ =	vpop (xrf2);
	v3 =	vsel vm2, v3, v5;
	v49 =	vbroadcast v46, $0xF  }
0x221: {  	v50, _, _ =	vpop (xrf2);
	v3 =	vsel vm3, v3, v47;
	v51 =	vbroadcast v48, $0xF  }
0x222: {  	v52, _, _ =	vpop (xrf2);
	v3 =	vsel vm4, v3, v49;
	v53 =	vbroadcast v50, $0xF  }
0x223: {  	v3 =	vsel vm5, v3, v51;
	v54 =	vbroadcast v52, $0xF  }
0x224: {  	v3 =	vsel vm6, v3, v53  }
0x225: {  	v3 =	vsel vm7, v3, v54  }
0x226: {  	v3 =	vadd.f32 v3, v2;
	_ =	sdelay $0x1  }
0x227: {  	v3 =	vmax.f32 v3, $-5.000000000e+00  }
0x228: {  	v3 =	vmin.f32 v3, $5.000000000e+00  }
0x229: {  	v3 =	vmul.f32 $1.442695020e+00, v3;
	_ =	sdelay $0x1  }
0x22a: {  	(erf) = vpow2.f32 v3;
	_ =	sdelay $0x6  }
0x22b: {  	v3 =	vld [tilespmem:s14+$0x0];
	_ =	sdelay $0x1  }
0x22c: {  	v55 =	vpop (erf)  }
0x22d: {  	v56 =	vbroadcast v55, $0x0;
	_ =	sdelay $0x1  }
0x22e: {  	v3 =	vmul.f32 v56, v3;
	_ =	sdelay $0x1  }
0x22f: {  	[tilespmem:s14+$0x0] =	vst v3;
	v3 =	vld [tilespmem:s14+$0x10];
	_ =	sdelay $0x2  }
0x230: {  	v57 =	vbroadcast v55, $0x1;
	_ =	sdelay $0x1  }
0x231: {  	v3 =	vmul.f32 v57, v3;
	_ =	sdelay $0x1  }
0x232: {  	[tilespmem:s14+$0x10] =	vst v3;
	v3 =	vld [tilespmem:s14+$0x20];
	_ =	sdelay $0x2  }
0x233: {  	v58 =	vbroadcast v55, $0x2;
	_ =	sdelay $0x1  }
0x234: {  	v3 =	vmul.f32 v58, v3;
	_ =	sdelay $0x1  }
0x235: {  	[tilespmem:s14+$0x20] =	vst v3;
	v3 =	vld [tilespmem:s14+$0x30];
	_ =	sdelay $0x2  }
0x236: {  	v59 =	vbroadcast v55, $0x3;
	_ =	sdelay $0x1  }
0x237: {  	v3 =	vmul.f32 v59, v3;
	_ =	sdelay $0x1  }
0x238: {  	[tilespmem:s14+$0x30] =	vst v3;
	v3 =	vld [tilespmem:s14+$0x40];
	_ =	sdelay $0x2  }
0x239: {  	v60 =	vbroadcast v55, $0x4;
	_ =	sdelay $0x1  }
0x23a: {  	v3 =	vmul.f32 v60, v3;
	_ =	sdelay $0x1  }
0x23b: {  	[tilespmem:s14+$0x40] =	vst v3;
	v3 =	vld [tilespmem:s14+$0x50];
	_ =	sdelay $0x2  }
0x23c: {  	v62 =	vbroadcast v55, $0x5;
	_ =	sdelay $0x1  }
0x23d: {  	v3 =	vmul.f32 v62, v3;
	_ =	sdelay $0x1  }
0x23e: {  	[tilespmem:s14+$0x50] =	vst v3;
	v3 =	vld [tilespmem:s14+$0x60];
	_ =	sdelay $0x2  }
0x23f: {  	v63 =	vbroadcast v55, $0x6;
	_ =	sdelay $0x1  }
0x240: {  	v3 =	vmul.f32 v3, v63;
	_ =	sdelay $0x1  }
0x241: {  	[tilespmem:s14+$0x60] =	vst v3;
	v3 =	vld [tilespmem:s14+$0x70];
	_ =	sdelay $0x1  }
0x242: {  	p1 =	sne.s32 s16, $0x5C00  }
.Ltmp6:
0x243: {  	v4 =	vbroadcast v55, $0x7;
	(pc) =	sbr.rel @p1 .LBB2_12-.Ltmp6, $4  }
0x244: {  	_ = 	snop  }
0x245: {  	v61 =	vnsel vm8, $0x0, v55;
	v3 =	vmul.f32 v3, v4  }
0x246: {  	[tilespmem:s14+$0x80] =	vst v61  }
0x247: {  	s16 =	sadd.s32 $0x400, s16;
	[tilespmem:s14+$0x70] =	vst v3;
	s14 =	sadd.s32 $0x120, s14  }
0x248: {  	[spmem:s2] =	stream.indirect.scatter.add.f32 [tilespmem:s25], [sflag:$0x4], $0x90, s15, s28, $0xb8;
	[tilespmem:$0x1F778] =	vst v63  }
0x249: {  	s18 =	sadd.s32 $0xFFFFFFFF, s21  }
0x24a: {  	p2 =	sne.s32 s18, $0x0  }
.Ltmp7:
0x24b: {  	_ =	swait.ge [sflag:s13], $0x1B00;
	(pc) =	sbr.rel @!p2 .LBB2_14-.Ltmp7, $4  }
0x24c: {  	[sflag:s13] =	ssyncset.done $0x0  }
0x24d: {  	[sflag:s13] =	ssyncadd.s32 $0xFFFFE500  }
0x24e: {  	s12 =	stileid.u32;
	[bflag:$0x0] =	sbarrier.arrive $0xFFFF  }
0x24f: {  	s14 =	simm.s32 @!p0 $0x7;
	p1 =	por $0x0, $0x0;
	s16 =	sshll.u32 s12, $0x6  }
0x250: {  	s15 =	smov.u32 s21;
	s17 =	simm.s32 @!p0 $0x7;
	s22 =	sadd.s32 $0xFFFFFFFF, s18  }
0x251: {  	s26 =	rddreg [dreg:$0xd];
	s17 =	simm.s32 @p0 $0x6;
	p2 =	sne.s32 s22, $0x0  }
.Ltmp8:
0x252: {  	s21 =	rddreg [dreg:$0xc];
	s12 =	sadd.s32 s17, s16;
	(pc) =	sbr.rel @!p2 .LBB2_16-.Ltmp8, $4  }
0x253: {  	s18 =	sadd.s32 s26, s11;
	s20 =	sshrl.u32 s21, $0x3;
	s12 =	sadd.s32 $0x1C00, s12  }
0x254: {  	[hbm:s18], [sflag:s12] =	dma.local [spmem:s20], $0x1B0  }
0x255: {  	p1 =	por $0x1, $0x1;
	_ =	swait.ge [sflag:s17], $0x1B0  }
0x256: {  	s18 =	sadd.s32 $0x1B00, s26;
	s20 =	sadd.s32 $0xD800, s21;
	[sflag:s17] =	ssyncset.done $0x0  }
.LBB2_17:
0x257: {  	[sflag:s17] =	ssyncadd.s32 $0xFFFFFE50;
	s17 =	smov.u32 s14;
	s22 =	sadd.s32 $0xFFFFFFFF, s22  }
0x258: {  	s12 =	smov.u32 s16;
	s17 =	simm.s32 @p0 $0x6;
	p2 =	sne.s32 s22, $0x0  }
.Ltmp9:
0x259: {  	s12 =	sadd.s32 s17, s12;
	(pc) =	sbr.rel @p2 .LBB2_17-.Ltmp9, $4  }
0x25a: {  	s26 =	sadd.s32 s18, s11;
	s21 =	sshrl.u32 s20, $0x3;
	s12 =	sadd.s32 $0x1C00, s12  }
0x25b: {  	[hbm:s26], [sflag:s12] =	dma.local [spmem:s21], $0x1B0  }
0x25c: {  	s18 =	sadd.s32 $0x1B00, s18;
	_ =	swait.ge [sflag:s17], $0x1B0  }
0x25d: {  	s20 =	sadd.s32 $0xD800, s20;
	[sflag:s17] =	ssyncset.done $0x0  }
0x25e: {  	s21 =	smov.u32 s15;
	s15 =	rddreg [dreg:$0xe]  }
.LBB2_19:
0x25f: {  	s14 =	simm.s32 @p0 $0x6  }
0x260: {  	[sflag:s17] =	ssyncadd.s32 @p1 $0xFFFFFE50;
	s12 =	sadd.s32 s14, s16  }
0x261: {  	s18 =	sadd.s32 s18, s11;
	s22 =	sshrl.u32 s20, $0x3;
	s12 =	sadd.s32 $0x1C00, s12  }
0x262: {  	[hbm:s18], [sflag:s12] =	dma.local [spmem:s22], $0x1B0  }
0x263: {  	_ =	swait.ge [sflag:s14], $0x1B0  }
0x264: {  	s15 =	sadd.s32 $0x1, s15;
	s26 =	rddreg [dreg:$0xb]  }
0x265: {  	p1 =	sne.s32 s15, s26  }
.Ltmp10:
0x266: {  	_ = 	snop;
	(pc) =	sbr.rel @p1 .LBB2_1-.Ltmp10, $4  }
.Ltmp11:
0x267: {  	_ = 	snop;
	(pc) =	sbr.rel @!p1 .LBB2_20-.Ltmp11, $4  }
0x268: {  	_ = 	snop  }
0x269: {  	[sflag:s14] =	ssyncset.done $0x0  }
0x26a: {  	[sflag:s14] =	ssyncadd.s32 $0xFFFFFE50  }
0x26b: {  	_ = 	snop  }
.LBB2_14:
.Ltmp12:
0x26c: {  	(pc) =	sbr.rel .LBB2_19-.Ltmp12, $4  }
0x26d: {  	_ = 	snop  }
0x26e: {  	s18 =	rddreg [dreg:$0xd]  }
0x26f: {  	s20 =	rddreg [dreg:$0xc]  }
0x270: {  	s15 =	rddreg [dreg:$0xe]  }
.LBB2_16:
.Ltmp13:
0x271: {  	(pc) =	sbr.rel .LBB2_19-.Ltmp13, $2  }
0x272: {  	_ =	sdelay $0x2  }
0x273: {  	s21 =	smov.u32 s15;
	s15 =	rddreg [dreg:$0xe]  }
.LBB2_20:
0x274: {  	_ =	sfence.sel $0x180000  }
0x275: {  	[bflag:$0x0] =	sbarrier.arrive $0xFFFF  }
0x276: {  	_ =	strace $0x90000047  }
0x277: {  	s0 =	stileid.u32;
	[bflag:$0x2] =	sbarrier.arrive $0xFFFF  }
0x278: {  	p0 =	sne.s32 s0, $0x0;
	s0 =	rddreg [dreg:$0x3]  }
0x279: {  	s0 =	sadd.s32 @!p0 $0x100000, s0  }
0x27a: {  	[sflag:s0] =	ssyncadd.tile.s32 @!p0 $0x1;
	_ =	shalt  }
.Lfunc_end2:
_tile_overlayer_lowered:
.L_overlay_start_2:
0x27b: {  	(tag) =	ssettag $0x2  }
0x27c: {  	s0 =	rddreg [dreg:$0x0];
	s2 =	stileid.u32  }
0x27d: {  	s1 =	rddreg [dreg:$0x1];
	p0 =	sne.s32 s2, $0x0  }
0x27e: {  	s3 =	rddreg [dreg:$0x2];
	[bflag:$0x3] =	sbarrier.arrive $0xFFFF;
	s2 =	simm.s32 @!p0 $0x1C06  }
0x27f: {  	[timem:s3], [sflag:s2] =	dma.local @!p0 [hbm:s0], s1  }
0x280: {  	s0 =	simm.s32 @!p0 $0x6  }
0x281: {  	_ =	swait.ge @!p0 [sflag:s0], s1  }
0x282: {  	s1 =	ssub.s32 @!p0 $0x0, s1;
	[sflag:s0] =	ssyncset.done @!p0 $0x0  }
0x283: {  	[sflag:s0] =	ssyncadd.s32 @!p0 s1  }
0x284: {  	[bflag:$0x3] =	sbarrier.arrive $0xFFFF  }
0x285: {  	_ =	shalt  }

</sc_bundles>
